<compile_context>
chip_gen: v7x
topology: tpu7x:2x2x1
jax: 0.10.2.dev20260603
libtpu: 0.0.44.dev20260713+nightly
codegen_flags: <defaults>
</compile_context>

<pallas_src>
import functools

import jax
import jax.numpy as jnp
from jax import lax
from jax.experimental import pallas as pl
from jax.experimental.pallas import tpu as pltpu
from jax.experimental.pallas import tpu_sc as plsc


def _argmax_body(x_ref, idx_ref):
    x = x_ref[...]
    m = jnp.max(x, axis=1, keepdims=True)
    ii = lax.broadcasted_iota(jnp.int32, x.shape, 1)
    idx_ref[...] = jnp.min(jnp.where(x == m, ii, jnp.int32(2**30)), axis=1,
                           keepdims=True)


def _tc_argmax(lat2, h, nh):
    R, C = lat2.shape
    RH = R // nh
    BR = 2048
    return pl.pallas_call(
        _argmax_body,
        grid=(RH // BR,),
        in_specs=[pl.BlockSpec((BR, C), lambda i: (i + h * (RH // BR), 0))],
        out_specs=pl.BlockSpec((BR, 1), lambda i: (i, 0)),
        out_shape=jax.ShapeDtypeStruct((RH, 1), jnp.int32),
    )(lat2)


def _tr_body(x_ref, o_ref):
    D = o_ref.shape[0]
    for b in range(x_ref.shape[0]):
        o_ref[:, b, :] = x_ref[b, :, :D].T


def _tr_body_acc(x_ref, prev_ref, o_ref):
    del prev_ref
    _tr_body(x_ref, o_ref)


def _tc_transpose(x3, D, B, h, prev):
    H, K, DP = x3.shape
    BK = 128
    out_shape = jax.ShapeDtypeStruct((D, B, K), jnp.float32)
    out_spec = pl.BlockSpec((D, H, BK), lambda j: (0, h, j))
    in_spec = pl.BlockSpec((H, BK, DP), lambda j: (0, j, 0))
    if prev is None:
        return pl.pallas_call(
            _tr_body,
            grid=(K // BK,),
            in_specs=[in_spec],
            out_specs=out_spec,
            out_shape=out_shape,
        )(x3)
    return pl.pallas_call(
        _tr_body_acc,
        grid=(K // BK,),
        in_specs=[in_spec,
                  pl.BlockSpec(memory_space=pltpu.MemorySpace.HBM)],
        out_specs=out_spec,
        out_shape=out_shape,
        input_output_aliases={1: 0},
    )(x3, prev)


def _sc_gather(basis_p, idx, R, D):
    info = plsc.get_sparse_core_info()
    NC, NS = info.num_cores, info.num_subcores
    NW = NC * NS
    b_per_w = R // NW
    CP = 32
    n_ch = b_per_w // CP
    DP = basis_p.shape[1]
    idx3 = idx.reshape(NW, n_ch, CP)

    mesh = plsc.VectorSubcoreMesh(core_axis_name="c", subcore_axis_name="s")

    @functools.partial(
        pl.kernel, mesh=mesh,
        out_type=jax.ShapeDtypeStruct((R, DP), jnp.float32),
        scratch_types=[
            pltpu.VMEM((n_ch, CP), jnp.int32),
            pltpu.VMEM((2, CP, DP), jnp.float32),
            pltpu.SemaphoreType.DMA,
            pltpu.SemaphoreType.DMA,
        ],
    )
    def gather_k(basis_hbm, idx_hbm, out_hbm, idx_v, rows_v, sem0, sem1):
        wid = lax.axis_index("s") * NC + lax.axis_index("c")
        base = wid * b_per_w
        sems = (sem0, sem1)
        pltpu.sync_copy(idx_hbm.at[wid], idx_v)
        cps = [None, None]
        cps[0] = pltpu.async_copy(
            basis_hbm.at[idx_v.at[0]], rows_v.at[0], sems[0])
        for c in range(n_ch):
            if c + 1 < n_ch:
                cps[(c + 1) % 2] = pltpu.async_copy(
                    basis_hbm.at[idx_v.at[c + 1]],
                    rows_v.at[(c + 1) % 2], sems[(c + 1) % 2])
            cps[c % 2].wait()
            pltpu.sync_copy(rows_v.at[c % 2],
                            out_hbm.at[pl.ds(base + c * CP, CP)])

    return gather_k(basis_p, idx3)


def kernel(latent_coeffs, basis_vectors):
    B, K, C = latent_coeffs.shape
    V, D = basis_vectors.shape
    NH = 2
    H = B // NH
    basis_p = jnp.pad(basis_vectors, ((0, 0), (0, 1024 - D)))
    q_t = None
    idxs = []
    lat2 = latent_coeffs.reshape(B * K, C)
    for h in range(NH):
        idx_h = _tc_argmax(lat2, h, NH).reshape(H * K)
        padded_h = _sc_gather(basis_p, idx_h, H * K, D)
        q_t = _tc_transpose(padded_h.reshape(H, K, -1), D, B, h, q_t)
        idxs.append(idx_h.reshape(H, K))
    quant = jnp.transpose(q_t, (1, 2, 0))
    return (quant, jnp.concatenate(idxs, axis=0))

# --- scband reference (transcript-rebuilt; emitter-appended) ---
"""Pipeline reference for scband-basis-vq-63780264346098 (READ-ONLY COPY).

The authoritative reference and input builder live on the scoring server;
editing this copy changes nothing except your own understanding.
"""

import jax, jax.numpy as jnp
import numpy as np

NUM_CODES = 1024
BASIS_DIM = 900
SNAPPING_GAIN = 30.0


def setup_inputs(seed: int = 0) -> dict:
    key = jax.random.key(seed)
    k1, k2 = jax.random.split(key)
    latent_coeffs = jax.random.normal(k1, (16, 1024, NUM_CODES), dtype=jnp.float32)
    # Fixed NMF basis buffer (non-negative, as produced by NMF), stands in for the
    # tensor loaded from arc_basis_nmf_1024.pt in the torch module.
    basis_vectors = jax.random.uniform(k2, (NUM_CODES, BASIS_DIM), dtype=jnp.float32)
    return {"latent_coeffs": latent_coeffs, "basis_vectors": basis_vectors}


def reference(latent_coeffs, basis_vectors):
    # latent_coeffs: [B, K, num_codes]
    probs = jax.nn.softmax(latent_coeffs * SNAPPING_GAIN, axis=-1)
    indices = jnp.argmax(probs, axis=-1)  # [B, K]
    one_hot = jax.nn.one_hot(indices, basis_vectors.shape[0], dtype=jnp.float32)  # [B, K, num_codes]
    quantized_manifold = jnp.matmul(one_hot, basis_vectors)  # [B, K, basis_dim]
    return (quantized_manifold, indices)

if __name__ == "__main__":
    import jax
    _d = setup_inputs()
    print(jax.jit(kernel)(*tuple(_d.values())))

</pallas_src>

<mosaic_0001>
#map = affine_map<(d0, d1) -> (0, 0)>
#map1 = affine_map<(d0, d1) -> (0, 0, 0)>
module attributes {stable_mosaic.version = 14 : i64} {
  func.func @gather_k(%arg0: i32, %arg1: i32, %arg2: memref<1024x1024xf32, #tpu.memory_space<hbm>>, %arg3: memref<32x8x32xi32, #tpu.memory_space<hbm>>, %arg4: memref<8192x1024xf32, #tpu.memory_space<hbm>>, %arg5: memref<8x32xi32, #tpu.memory_space<vmem>>, %arg6: memref<2x32x1024xf32, #tpu.memory_space<vmem>>, %arg7: memref<!tpu.dma_semaphore, #tpu.memory_space<semaphore_mem>>, %arg8: memref<!tpu.dma_semaphore, #tpu.memory_space<semaphore_mem>>) attributes {dimension_semantics = [#tpu.dimension_semantics<core_parallel>, #tpu.dimension_semantics<subcore_parallel>], iteration_bounds = array<i64: 2, 16>, scalar_prefetch = 0 : i64, scratch_operands = 4 : i64, tpu.core_type = #tpu.core_type<sc_vector_subcore>, window_params = [{transform_indices = #map}, {transform_indices = #map1}, {transform_indices = #map}]} {
    %mul3A = arith.constant 2 : i32
    %mul3A_0 = arith.muli %arg1, %mul3A : i32
    %add3A = arith.addi %mul3A_0, %arg0 : i32
    %mul3A_1 = arith.constant 256 : i32
    %mul3A_2 = arith.muli %add3A, %mul3A_1 : i32
    "tpu.region"() ({
      %run_scoped3A_216 = tpu.sem_alloc : memref<!tpu.dma_semaphore, #tpu.memory_space<semaphore_mem>>
      %dma_start3A_217 = arith.constant 0 : i32
      %dma_start3A_218 = arith.constant 0 : i32
      %dma_start3A_219 = tpu.memref_slice %arg3[%add3A, %dma_start3A_217, %dma_start3A_218] : memref<32x8x32xi32, #tpu.memory_space<hbm>> -> memref<1x8x32xi32, #tpu.memory_space<hbm>>
      %dma_start3A_220 = tpu.memref_squeeze %dma_start3A_219 : memref<1x8x32xi32, #tpu.memory_space<hbm>> -> memref<8x32xi32, #tpu.memory_space<hbm>>
      %dma_start3A_221 = arith.constant 0 : i32
      %dma_start3A_222 = arith.constant 0 : i32
      %dma_start3A_223 = tpu.memref_slice %arg3[%add3A, %dma_start3A_221, %dma_start3A_222] : memref<32x8x32xi32, #tpu.memory_space<hbm>> -> memref<1x8x32xi32, #tpu.memory_space<hbm>>
      %dma_start3A_224 = tpu.memref_squeeze %dma_start3A_223 : memref<1x8x32xi32, #tpu.memory_space<hbm>> -> memref<8x32xi32, #tpu.memory_space<hbm>>
      tpu.enqueue_dma source(%dma_start3A_224 : memref<8x32xi32, #tpu.memory_space<hbm>>) target(%arg5 : memref<8x32xi32, #tpu.memory_space<vmem>>) target_semaphore(%run_scoped3A_216 : memref<!tpu.dma_semaphore, #tpu.memory_space<semaphore_mem>>)
      %dma_wait3A_225 = arith.constant 0 : i32
      %dma_wait3A_226 = arith.constant 0 : i32
      %dma_wait3A_227 = tpu.memref_slice %arg3[%add3A, %dma_wait3A_225, %dma_wait3A_226] : memref<32x8x32xi32, #tpu.memory_space<hbm>> -> memref<1x8x32xi32, #tpu.memory_space<hbm>>
      %dma_wait3A_228 = tpu.memref_squeeze %dma_wait3A_227 : memref<1x8x32xi32, #tpu.memory_space<hbm>> -> memref<8x32xi32, #tpu.memory_space<hbm>>
      %dma_wait3A_229 = arith.constant 0 : i32
      %dma_wait3A_230 = arith.constant 0 : i32
      %dma_wait3A_231 = tpu.memref_slice %arg3[%add3A, %dma_wait3A_229, %dma_wait3A_230] : memref<32x8x32xi32, #tpu.memory_space<hbm>> -> memref<1x8x32xi32, #tpu.memory_space<hbm>>
      %dma_wait3A_232 = tpu.memref_squeeze %dma_wait3A_231 : memref<1x8x32xi32, #tpu.memory_space<hbm>> -> memref<8x32xi32, #tpu.memory_space<hbm>>
      tpu.wait_dma2 semaphore(%run_scoped3A_216 : memref<!tpu.dma_semaphore, #tpu.memory_space<semaphore_mem>>) src(%dma_wait3A_232 : memref<8x32xi32, #tpu.memory_space<hbm>>) dst(%arg5 : memref<8x32xi32, #tpu.memory_space<vmem>>)
      tpu.yield
    }) : () -> ()
    %dma_start3A = arith.constant 0 : i32
    %dma_start3A_3 = arith.constant 0 : i32
    %dma_start3A_4 = arith.constant 0 : i32
    %dma_start3A_5 = arith.constant 0 : i32
    %dma_start3A_6 = tpu.memref_slice %arg6[%dma_start3A_3, %dma_start3A_4, %dma_start3A_5] : memref<2x32x1024xf32, #tpu.memory_space<vmem>> -> memref<1x32x1024xf32, #tpu.memory_space<vmem>>
    %dma_start3A_7 = tpu.memref_squeeze %dma_start3A_6 : memref<1x32x1024xf32, #tpu.memory_space<vmem>> -> memref<32x1024xf32, #tpu.memory_space<vmem>>
    %dma_start3A_8 = arith.constant 0 : i32
    %dma_start3A_9 = tpu.memref_slice %arg5[%dma_start3A, %dma_start3A_8] : memref<8x32xi32, #tpu.memory_space<vmem>> -> memref<1x32xi32, #tpu.memory_space<vmem>>
    %dma_start3A_10 = tpu.memref_squeeze %dma_start3A_9 : memref<1x32xi32, #tpu.memory_space<vmem>> -> memref<32xi32, #tpu.memory_space<vmem>>
    %dma_start3A_11 = arith.constant 0 : i32
    %dma_start3A_12 = arith.constant 0 : i32
    %dma_start3A_13 = tpu.memref_slice %arg2[%dma_start3A_11, %dma_start3A_12] : memref<1024x1024xf32, #tpu.memory_space<hbm>> -> memref<1024x1024xf32, #tpu.memory_space<hbm>>
    tpu.enqueue_indirect_dma source(%dma_start3A_13 : memref<1024x1024xf32, #tpu.memory_space<hbm>>) target(%dma_start3A_7 : memref<32x1024xf32, #tpu.memory_space<vmem>>) offsets(%dma_start3A_10 : memref<32xi32, #tpu.memory_space<vmem>>) semaphore(%arg7 : memref<!tpu.dma_semaphore, #tpu.memory_space<semaphore_mem>>)
    %dma_start3A_14 = arith.constant 1 : i32
    %dma_start3A_15 = arith.constant 1 : i32
    %dma_start3A_16 = arith.constant 0 : i32
    %dma_start3A_17 = arith.constant 0 : i32
    %dma_start3A_18 = tpu.memref_slice %arg6[%dma_start3A_15, %dma_start3A_16, %dma_start3A_17] : memref<2x32x1024xf32, #tpu.memory_space<vmem>> -> memref<1x32x1024xf32, #tpu.memory_space<vmem>>
    %dma_start3A_19 = tpu.memref_squeeze %dma_start3A_18 : memref<1x32x1024xf32, #tpu.memory_space<vmem>> -> memref<32x1024xf32, #tpu.memory_space<vmem>>
    %dma_start3A_20 = arith.constant 0 : i32
    %dma_start3A_21 = tpu.memref_slice %arg5[%dma_start3A_14, %dma_start3A_20] : memref<8x32xi32, #tpu.memory_space<vmem>> -> memref<1x32xi32, #tpu.memory_space<vmem>>
    %dma_start3A_22 = tpu.memref_squeeze %dma_start3A_21 : memref<1x32xi32, #tpu.memory_space<vmem>> -> memref<32xi32, #tpu.memory_space<vmem>>
    %dma_start3A_23 = arith.constant 0 : i32
    %dma_start3A_24 = arith.constant 0 : i32
    %dma_start3A_25 = tpu.memref_slice %arg2[%dma_start3A_23, %dma_start3A_24] : memref<1024x1024xf32, #tpu.memory_space<hbm>> -> memref<1024x1024xf32, #tpu.memory_space<hbm>>
    tpu.enqueue_indirect_dma source(%dma_start3A_25 : memref<1024x1024xf32, #tpu.memory_space<hbm>>) target(%dma_start3A_19 : memref<32x1024xf32, #tpu.memory_space<vmem>>) offsets(%dma_start3A_22 : memref<32xi32, #tpu.memory_space<vmem>>) semaphore(%arg8 : memref<!tpu.dma_semaphore, #tpu.memory_space<semaphore_mem>>)
    %dma_wait3A = arith.constant 0 : i32
    %dma_wait3A_26 = arith.constant 0 : i32
    %dma_wait3A_27 = arith.constant 0 : i32
    %dma_wait3A_28 = arith.constant 0 : i32
    %dma_wait3A_29 = tpu.memref_slice %arg6[%dma_wait3A_26, %dma_wait3A_27, %dma_wait3A_28] : memref<2x32x1024xf32, #tpu.memory_space<vmem>> -> memref<1x32x1024xf32, #tpu.memory_space<vmem>>
    %dma_wait3A_30 = tpu.memref_squeeze %dma_wait3A_29 : memref<1x32x1024xf32, #tpu.memory_space<vmem>> -> memref<32x1024xf32, #tpu.memory_space<vmem>>
    %dma_wait3A_31 = arith.constant 0 : i32
    %dma_wait3A_32 = tpu.memref_slice %arg5[%dma_wait3A, %dma_wait3A_31] : memref<8x32xi32, #tpu.memory_space<vmem>> -> memref<1x32xi32, #tpu.memory_space<vmem>>
    %dma_wait3A_33 = tpu.memref_squeeze %dma_wait3A_32 : memref<1x32xi32, #tpu.memory_space<vmem>> -> memref<32xi32, #tpu.memory_space<vmem>>
    %dma_wait3A_34 = arith.constant 0 : i32
    %dma_wait3A_35 = arith.constant 0 : i32
    %dma_wait3A_36 = tpu.memref_slice %arg2[%dma_wait3A_34, %dma_wait3A_35] : memref<1024x1024xf32, #tpu.memory_space<hbm>> -> memref<1024x1024xf32, #tpu.memory_space<hbm>>
    tpu.wait_indirect_dma semaphore(%arg7 : memref<!tpu.dma_semaphore, #tpu.memory_space<semaphore_mem>>) src(%dma_wait3A_36 : memref<1024x1024xf32, #tpu.memory_space<hbm>>) dst(%dma_wait3A_30 : memref<32x1024xf32, #tpu.memory_space<vmem>>)
    %add3A_37 = arith.constant 0 : i32
    %add3A_38 = arith.addi %mul3A_2, %add3A_37 : i32
    %run_scoped3A = arith.constant 0 : i32
    "tpu.region"() ({
      %run_scoped3A_216 = tpu.sem_alloc : memref<!tpu.dma_semaphore, #tpu.memory_space<semaphore_mem>>
      %dma_start3A_217 = arith.constant 0 : i32
      %dma_start3A_218 = arith.constant 0 : i32
      %dma_start3A_219 = tpu.memref_slice %arg6[%run_scoped3A, %dma_start3A_217, %dma_start3A_218] : memref<2x32x1024xf32, #tpu.memory_space<vmem>> -> memref<1x32x1024xf32, #tpu.memory_space<vmem>>
      %dma_start3A_220 = tpu.memref_squeeze %dma_start3A_219 : memref<1x32x1024xf32, #tpu.memory_space<vmem>> -> memref<32x1024xf32, #tpu.memory_space<vmem>>
      %dma_start3A_221 = arith.constant 0 : i32
      %dma_start3A_222 = tpu.memref_slice %arg4[%add3A_38, %dma_start3A_221] : memref<8192x1024xf32, #tpu.memory_space<hbm>> -> memref<32x1024xf32, #tpu.memory_space<hbm>>
      %dma_start3A_223 = arith.constant 0 : i32
      %dma_start3A_224 = tpu.memref_slice %arg4[%add3A_38, %dma_start3A_223] : memref<8192x1024xf32, #tpu.memory_space<hbm>> -> memref<32x1024xf32, #tpu.memory_space<hbm>>
      %dma_start3A_225 = arith.constant 0 : i32
      %dma_start3A_226 = arith.constant 0 : i32
      %dma_start3A_227 = tpu.memref_slice %arg6[%run_scoped3A, %dma_start3A_225, %dma_start3A_226] : memref<2x32x1024xf32, #tpu.memory_space<vmem>> -> memref<1x32x1024xf32, #tpu.memory_space<vmem>>
      %dma_start3A_228 = tpu.memref_squeeze %dma_start3A_227 : memref<1x32x1024xf32, #tpu.memory_space<vmem>> -> memref<32x1024xf32, #tpu.memory_space<vmem>>
      tpu.enqueue_dma source(%dma_start3A_228 : memref<32x1024xf32, #tpu.memory_space<vmem>>) target(%dma_start3A_224 : memref<32x1024xf32, #tpu.memory_space<hbm>>) target_semaphore(%run_scoped3A_216 : memref<!tpu.dma_semaphore, #tpu.memory_space<semaphore_mem>>)
      %dma_wait3A_229 = arith.constant 0 : i32
      %dma_wait3A_230 = arith.constant 0 : i32
      %dma_wait3A_231 = tpu.memref_slice %arg6[%run_scoped3A, %dma_wait3A_229, %dma_wait3A_230] : memref<2x32x1024xf32, #tpu.memory_space<vmem>> -> memref<1x32x1024xf32, #tpu.memory_space<vmem>>
      %dma_wait3A_232 = tpu.memref_squeeze %dma_wait3A_231 : memref<1x32x1024xf32, #tpu.memory_space<vmem>> -> memref<32x1024xf32, #tpu.memory_space<vmem>>
      %dma_wait3A_233 = arith.constant 0 : i32
      %dma_wait3A_234 = tpu.memref_slice %arg4[%add3A_38, %dma_wait3A_233] : memref<8192x1024xf32, #tpu.memory_space<hbm>> -> memref<32x1024xf32, #tpu.memory_space<hbm>>
      %dma_wait3A_235 = arith.constant 0 : i32
      %dma_wait3A_236 = tpu.memref_slice %arg4[%add3A_38, %dma_wait3A_235] : memref<8192x1024xf32, #tpu.memory_space<hbm>> -> memref<32x1024xf32, #tpu.memory_space<hbm>>
      %dma_wait3A_237 = arith.constant 0 : i32
      %dma_wait3A_238 = arith.constant 0 : i32
      %dma_wait3A_239 = tpu.memref_slice %arg6[%run_scoped3A, %dma_wait3A_237, %dma_wait3A_238] : memref<2x32x1024xf32, #tpu.memory_space<vmem>> -> memref<1x32x1024xf32, #tpu.memory_space<vmem>>
      %dma_wait3A_240 = tpu.memref_squeeze %dma_wait3A_239 : memref<1x32x1024xf32, #tpu.memory_space<vmem>> -> memref<32x1024xf32, #tpu.memory_space<vmem>>
      tpu.wait_dma2 semaphore(%run_scoped3A_216 : memref<!tpu.dma_semaphore, #tpu.memory_space<semaphore_mem>>) src(%dma_wait3A_240 : memref<32x1024xf32, #tpu.memory_space<vmem>>) dst(%dma_wait3A_236 : memref<32x1024xf32, #tpu.memory_space<hbm>>)
      tpu.yield
    }) : () -> ()
    %dma_start3A_39 = arith.constant 2 : i32
    %dma_start3A_40 = arith.constant 0 : i32
    %dma_start3A_41 = arith.constant 0 : i32
    %dma_start3A_42 = arith.constant 0 : i32
    %dma_start3A_43 = tpu.memref_slice %arg6[%dma_start3A_40, %dma_start3A_41, %dma_start3A_42] : memref<2x32x1024xf32, #tpu.memory_space<vmem>> -> memref<1x32x1024xf32, #tpu.memory_space<vmem>>
    %dma_start3A_44 = tpu.memref_squeeze %dma_start3A_43 : memref<1x32x1024xf32, #tpu.memory_space<vmem>> -> memref<32x1024xf32, #tpu.memory_space<vmem>>
    %dma_start3A_45 = arith.constant 0 : i32
    %dma_start3A_46 = tpu.memref_slice %arg5[%dma_start3A_39, %dma_start3A_45] : memref<8x32xi32, #tpu.memory_space<vmem>> -> memref<1x32xi32, #tpu.memory_space<vmem>>
    %dma_start3A_47 = tpu.memref_squeeze %dma_start3A_46 : memref<1x32xi32, #tpu.memory_space<vmem>> -> memref<32xi32, #tpu.memory_space<vmem>>
    %dma_start3A_48 = arith.constant 0 : i32
    %dma_start3A_49 = arith.constant 0 : i32
    %dma_start3A_50 = tpu.memref_slice %arg2[%dma_start3A_48, %dma_start3A_49] : memref<1024x1024xf32, #tpu.memory_space<hbm>> -> memref<1024x1024xf32, #tpu.memory_space<hbm>>
    tpu.enqueue_indirect_dma source(%dma_start3A_50 : memref<1024x1024xf32, #tpu.memory_space<hbm>>) target(%dma_start3A_44 : memref<32x1024xf32, #tpu.memory_space<vmem>>) offsets(%dma_start3A_47 : memref<32xi32, #tpu.memory_space<vmem>>) semaphore(%arg7 : memref<!tpu.dma_semaphore, #tpu.memory_space<semaphore_mem>>)
    %dma_wait3A_51 = arith.constant 1 : i32
    %dma_wait3A_52 = arith.constant 1 : i32
    %dma_wait3A_53 = arith.constant 0 : i32
    %dma_wait3A_54 = arith.constant 0 : i32
    %dma_wait3A_55 = tpu.memref_slice %arg6[%dma_wait3A_52, %dma_wait3A_53, %dma_wait3A_54] : memref<2x32x1024xf32, #tpu.memory_space<vmem>> -> memref<1x32x1024xf32, #tpu.memory_space<vmem>>
    %dma_wait3A_56 = tpu.memref_squeeze %dma_wait3A_55 : memref<1x32x1024xf32, #tpu.memory_space<vmem>> -> memref<32x1024xf32, #tpu.memory_space<vmem>>
    %dma_wait3A_57 = arith.constant 0 : i32
    %dma_wait3A_58 = tpu.memref_slice %arg5[%dma_wait3A_51, %dma_wait3A_57] : memref<8x32xi32, #tpu.memory_space<vmem>> -> memref<1x32xi32, #tpu.memory_space<vmem>>
    %dma_wait3A_59 = tpu.memref_squeeze %dma_wait3A_58 : memref<1x32xi32, #tpu.memory_space<vmem>> -> memref<32xi32, #tpu.memory_space<vmem>>
    %dma_wait3A_60 = arith.constant 0 : i32
    %dma_wait3A_61 = arith.constant 0 : i32
    %dma_wait3A_62 = tpu.memref_slice %arg2[%dma_wait3A_60, %dma_wait3A_61] : memref<1024x1024xf32, #tpu.memory_space<hbm>> -> memref<1024x1024xf32, #tpu.memory_space<hbm>>
    tpu.wait_indirect_dma semaphore(%arg8 : memref<!tpu.dma_semaphore, #tpu.memory_space<semaphore_mem>>) src(%dma_wait3A_62 : memref<1024x1024xf32, #tpu.memory_space<hbm>>) dst(%dma_wait3A_56 : memref<32x1024xf32, #tpu.memory_space<vmem>>)
    %add3A_63 = arith.constant 32 : i32
    %add3A_64 = arith.addi %mul3A_2, %add3A_63 : i32
    %run_scoped3A_65 = arith.constant 1 : i32
    "tpu.region"() ({
      %run_scoped3A_216 = tpu.sem_alloc : memref<!tpu.dma_semaphore, #tpu.memory_space<semaphore_mem>>
      %dma_start3A_217 = arith.constant 0 : i32
      %dma_start3A_218 = arith.constant 0 : i32
      %dma_start3A_219 = tpu.memref_slice %arg6[%run_scoped3A_65, %dma_start3A_217, %dma_start3A_218] : memref<2x32x1024xf32, #tpu.memory_space<vmem>> -> memref<1x32x1024xf32, #tpu.memory_space<vmem>>
      %dma_start3A_220 = tpu.memref_squeeze %dma_start3A_219 : memref<1x32x1024xf32, #tpu.memory_space<vmem>> -> memref<32x1024xf32, #tpu.memory_space<vmem>>
      %dma_start3A_221 = arith.constant 0 : i32
      %dma_start3A_222 = tpu.memref_slice %arg4[%add3A_64, %dma_start3A_221] : memref<8192x1024xf32, #tpu.memory_space<hbm>> -> memref<32x1024xf32, #tpu.memory_space<hbm>>
      %dma_start3A_223 = arith.constant 0 : i32
      %dma_start3A_224 = tpu.memref_slice %arg4[%add3A_64, %dma_start3A_223] : memref<8192x1024xf32, #tpu.memory_space<hbm>> -> memref<32x1024xf32, #tpu.memory_space<hbm>>
      %dma_start3A_225 = arith.constant 0 : i32
      %dma_start3A_226 = arith.constant 0 : i32
      %dma_start3A_227 = tpu.memref_slice %arg6[%run_scoped3A_65, %dma_start3A_225, %dma_start3A_226] : memref<2x32x1024xf32, #tpu.memory_space<vmem>> -> memref<1x32x1024xf32, #tpu.memory_space<vmem>>
      %dma_start3A_228 = tpu.memref_squeeze %dma_start3A_227 : memref<1x32x1024xf32, #tpu.memory_space<vmem>> -> memref<32x1024xf32, #tpu.memory_space<vmem>>
      tpu.enqueue_dma source(%dma_start3A_228 : memref<32x1024xf32, #tpu.memory_space<vmem>>) target(%dma_start3A_224 : memref<32x1024xf32, #tpu.memory_space<hbm>>) target_semaphore(%run_scoped3A_216 : memref<!tpu.dma_semaphore, #tpu.memory_space<semaphore_mem>>)
      %dma_wait3A_229 = arith.constant 0 : i32
      %dma_wait3A_230 = arith.constant 0 : i32
      %dma_wait3A_231 = tpu.memref_slice %arg6[%run_scoped3A_65, %dma_wait3A_229, %dma_wait3A_230] : memref<2x32x1024xf32, #tpu.memory_space<vmem>> -> memref<1x32x1024xf32, #tpu.memory_space<vmem>>
      %dma_wait3A_232 = tpu.memref_squeeze %dma_wait3A_231 : memref<1x32x1024xf32, #tpu.memory_space<vmem>> -> memref<32x1024xf32, #tpu.memory_space<vmem>>
      %dma_wait3A_233 = arith.constant 0 : i32
      %dma_wait3A_234 = tpu.memref_slice %arg4[%add3A_64, %dma_wait3A_233] : memref<8192x1024xf32, #tpu.memory_space<hbm>> -> memref<32x1024xf32, #tpu.memory_space<hbm>>
      %dma_wait3A_235 = arith.constant 0 : i32
      %dma_wait3A_236 = tpu.memref_slice %arg4[%add3A_64, %dma_wait3A_235] : memref<8192x1024xf32, #tpu.memory_space<hbm>> -> memref<32x1024xf32, #tpu.memory_space<hbm>>
      %dma_wait3A_237 = arith.constant 0 : i32
      %dma_wait3A_238 = arith.constant 0 : i32
      %dma_wait3A_239 = tpu.memref_slice %arg6[%run_scoped3A_65, %dma_wait3A_237, %dma_wait3A_238] : memref<2x32x1024xf32, #tpu.memory_space<vmem>> -> memref<1x32x1024xf32, #tpu.memory_space<vmem>>
      %dma_wait3A_240 = tpu.memref_squeeze %dma_wait3A_239 : memref<1x32x1024xf32, #tpu.memory_space<vmem>> -> memref<32x1024xf32, #tpu.memory_space<vmem>>
      tpu.wait_dma2 semaphore(%run_scoped3A_216 : memref<!tpu.dma_semaphore, #tpu.memory_space<semaphore_mem>>) src(%dma_wait3A_240 : memref<32x1024xf32, #tpu.memory_space<vmem>>) dst(%dma_wait3A_236 : memref<32x1024xf32, #tpu.memory_space<hbm>>)
      tpu.yield
    }) : () -> ()
    %dma_start3A_66 = arith.constant 3 : i32
    %dma_start3A_67 = arith.constant 1 : i32
    %dma_start3A_68 = arith.constant 0 : i32
    %dma_start3A_69 = arith.constant 0 : i32
    %dma_start3A_70 = tpu.memref_slice %arg6[%dma_start3A_67, %dma_start3A_68, %dma_start3A_69] : memref<2x32x1024xf32, #tpu.memory_space<vmem>> -> memref<1x32x1024xf32, #tpu.memory_space<vmem>>
    %dma_start3A_71 = tpu.memref_squeeze %dma_start3A_70 : memref<1x32x1024xf32, #tpu.memory_space<vmem>> -> memref<32x1024xf32, #tpu.memory_space<vmem>>
    %dma_start3A_72 = arith.constant 0 : i32
    %dma_start3A_73 = tpu.memref_slice %arg5[%dma_start3A_66, %dma_start3A_72] : memref<8x32xi32, #tpu.memory_space<vmem>> -> memref<1x32xi32, #tpu.memory_space<vmem>>
    %dma_start3A_74 = tpu.memref_squeeze %dma_start3A_73 : memref<1x32xi32, #tpu.memory_space<vmem>> -> memref<32xi32, #tpu.memory_space<vmem>>
    %dma_start3A_75 = arith.constant 0 : i32
    %dma_start3A_76 = arith.constant 0 : i32
    %dma_start3A_77 = tpu.memref_slice %arg2[%dma_start3A_75, %dma_start3A_76] : memref<1024x1024xf32, #tpu.memory_space<hbm>> -> memref<1024x1024xf32, #tpu.memory_space<hbm>>
    tpu.enqueue_indirect_dma source(%dma_start3A_77 : memref<1024x1024xf32, #tpu.memory_space<hbm>>) target(%dma_start3A_71 : memref<32x1024xf32, #tpu.memory_space<vmem>>) offsets(%dma_start3A_74 : memref<32xi32, #tpu.memory_space<vmem>>) semaphore(%arg8 : memref<!tpu.dma_semaphore, #tpu.memory_space<semaphore_mem>>)
    %dma_wait3A_78 = arith.constant 2 : i32
    %dma_wait3A_79 = arith.constant 0 : i32
    %dma_wait3A_80 = arith.constant 0 : i32
    %dma_wait3A_81 = arith.constant 0 : i32
    %dma_wait3A_82 = tpu.memref_slice %arg6[%dma_wait3A_79, %dma_wait3A_80, %dma_wait3A_81] : memref<2x32x1024xf32, #tpu.memory_space<vmem>> -> memref<1x32x1024xf32, #tpu.memory_space<vmem>>
    %dma_wait3A_83 = tpu.memref_squeeze %dma_wait3A_82 : memref<1x32x1024xf32, #tpu.memory_space<vmem>> -> memref<32x1024xf32, #tpu.memory_space<vmem>>
    %dma_wait3A_84 = arith.constant 0 : i32
    %dma_wait3A_85 = tpu.memref_slice %arg5[%dma_wait3A_78, %dma_wait3A_84] : memref<8x32xi32, #tpu.memory_space<vmem>> -> memref<1x32xi32, #tpu.memory_space<vmem>>
    %dma_wait3A_86 = tpu.memref_squeeze %dma_wait3A_85 : memref<1x32xi32, #tpu.memory_space<vmem>> -> memref<32xi32, #tpu.memory_space<vmem>>
    %dma_wait3A_87 = arith.constant 0 : i32
    %dma_wait3A_88 = arith.constant 0 : i32
    %dma_wait3A_89 = tpu.memref_slice %arg2[%dma_wait3A_87, %dma_wait3A_88] : memref<1024x1024xf32, #tpu.memory_space<hbm>> -> memref<1024x1024xf32, #tpu.memory_space<hbm>>
    tpu.wait_indirect_dma semaphore(%arg7 : memref<!tpu.dma_semaphore, #tpu.memory_space<semaphore_mem>>) src(%dma_wait3A_89 : memref<1024x1024xf32, #tpu.memory_space<hbm>>) dst(%dma_wait3A_83 : memref<32x1024xf32, #tpu.memory_space<vmem>>)
    %add3A_90 = arith.constant 64 : i32
    %add3A_91 = arith.addi %mul3A_2, %add3A_90 : i32
    %run_scoped3A_92 = arith.constant 0 : i32
    "tpu.region"() ({
      %run_scoped3A_216 = tpu.sem_alloc : memref<!tpu.dma_semaphore, #tpu.memory_space<semaphore_mem>>
      %dma_start3A_217 = arith.constant 0 : i32
      %dma_start3A_218 = arith.constant 0 : i32
      %dma_start3A_219 = tpu.memref_slice %arg6[%run_scoped3A_92, %dma_start3A_217, %dma_start3A_218] : memref<2x32x1024xf32, #tpu.memory_space<vmem>> -> memref<1x32x1024xf32, #tpu.memory_space<vmem>>
      %dma_start3A_220 = tpu.memref_squeeze %dma_start3A_219 : memref<1x32x1024xf32, #tpu.memory_space<vmem>> -> memref<32x1024xf32, #tpu.memory_space<vmem>>
      %dma_start3A_221 = arith.constant 0 : i32
      %dma_start3A_222 = tpu.memref_slice %arg4[%add3A_91, %dma_start3A_221] : memref<8192x1024xf32, #tpu.memory_space<hbm>> -> memref<32x1024xf32, #tpu.memory_space<hbm>>
      %dma_start3A_223 = arith.constant 0 : i32
      %dma_start3A_224 = tpu.memref_slice %arg4[%add3A_91, %dma_start3A_223] : memref<8192x1024xf32, #tpu.memory_space<hbm>> -> memref<32x1024xf32, #tpu.memory_space<hbm>>
      %dma_start3A_225 = arith.constant 0 : i32
      %dma_start3A_226 = arith.constant 0 : i32
      %dma_start3A_227 = tpu.memref_slice %arg6[%run_scoped3A_92, %dma_start3A_225, %dma_start3A_226] : memref<2x32x1024xf32, #tpu.memory_space<vmem>> -> memref<1x32x1024xf32, #tpu.memory_space<vmem>>
      %dma_start3A_228 = tpu.memref_squeeze %dma_start3A_227 : memref<1x32x1024xf32, #tpu.memory_space<vmem>> -> memref<32x1024xf32, #tpu.memory_space<vmem>>
      tpu.enqueue_dma source(%dma_start3A_228 : memref<32x1024xf32, #tpu.memory_space<vmem>>) target(%dma_start3A_224 : memref<32x1024xf32, #tpu.memory_space<hbm>>) target_semaphore(%run_scoped3A_216 : memref<!tpu.dma_semaphore, #tpu.memory_space<semaphore_mem>>)
      %dma_wait3A_229 = arith.constant 0 : i32
      %dma_wait3A_230 = arith.constant 0 : i32
      %dma_wait3A_231 = tpu.memref_slice %arg6[%run_scoped3A_92, %dma_wait3A_229, %dma_wait3A_230] : memref<2x32x1024xf32, #tpu.memory_space<vmem>> -> memref<1x32x1024xf32, #tpu.memory_space<vmem>>
      %dma_wait3A_232 = tpu.memref_squeeze %dma_wait3A_231 : memref<1x32x1024xf32, #tpu.memory_space<vmem>> -> memref<32x1024xf32, #tpu.memory_space<vmem>>
      %dma_wait3A_233 = arith.constant 0 : i32
      %dma_wait3A_234 = tpu.memref_slice %arg4[%add3A_91, %dma_wait3A_233] : memref<8192x1024xf32, #tpu.memory_space<hbm>> -> memref<32x1024xf32, #tpu.memory_space<hbm>>
      %dma_wait3A_235 = arith.constant 0 : i32
      %dma_wait3A_236 = tpu.memref_slice %arg4[%add3A_91, %dma_wait3A_235] : memref<8192x1024xf32, #tpu.memory_space<hbm>> -> memref<32x1024xf32, #tpu.memory_space<hbm>>
      %dma_wait3A_237 = arith.constant 0 : i32
      %dma_wait3A_238 = arith.constant 0 : i32
      %dma_wait3A_239 = tpu.memref_slice %arg6[%run_scoped3A_92, %dma_wait3A_237, %dma_wait3A_238] : memref<2x32x1024xf32, #tpu.memory_space<vmem>> -> memref<1x32x1024xf32, #tpu.memory_space<vmem>>
      %dma_wait3A_240 = tpu.memref_squeeze %dma_wait3A_239 : memref<1x32x1024xf32, #tpu.memory_space<vmem>> -> memref<32x1024xf32, #tpu.memory_space<vmem>>
      tpu.wait_dma2 semaphore(%run_scoped3A_216 : memref<!tpu.dma_semaphore, #tpu.memory_space<semaphore_mem>>) src(%dma_wait3A_240 : memref<32x1024xf32, #tpu.memory_space<vmem>>) dst(%dma_wait3A_236 : memref<32x1024xf32, #tpu.memory_space<hbm>>)
      tpu.yield
    }) : () -> ()
    %dma_start3A_93 = arith.constant 4 : i32
    %dma_start3A_94 = arith.constant 0 : i32
    %dma_start3A_95 = arith.constant 0 : i32
    %dma_start3A_96 = arith.constant 0 : i32
    %dma_start3A_97 = tpu.memref_slice %arg6[%dma_start3A_94, %dma_start3A_95, %dma_start3A_96] : memref<2x32x1024xf32, #tpu.memory_space<vmem>> -> memref<1x32x1024xf32, #tpu.memory_space<vmem>>
    %dma_start3A_98 = tpu.memref_squeeze %dma_start3A_97 : memref<1x32x1024xf32, #tpu.memory_space<vmem>> -> memref<32x1024xf32, #tpu.memory_space<vmem>>
    %dma_start3A_99 = arith.constant 0 : i32
    %dma_start3A_100 = tpu.memref_slice %arg5[%dma_start3A_93, %dma_start3A_99] : memref<8x32xi32, #tpu.memory_space<vmem>> -> memref<1x32xi32, #tpu.memory_space<vmem>>
    %dma_start3A_101 = tpu.memref_squeeze %dma_start3A_100 : memref<1x32xi32, #tpu.memory_space<vmem>> -> memref<32xi32, #tpu.memory_space<vmem>>
    %dma_start3A_102 = arith.constant 0 : i32
    %dma_start3A_103 = arith.constant 0 : i32
    %dma_start3A_104 = tpu.memref_slice %arg2[%dma_start3A_102, %dma_start3A_103] : memref<1024x1024xf32, #tpu.memory_space<hbm>> -> memref<1024x1024xf32, #tpu.memory_space<hbm>>
    tpu.enqueue_indirect_dma source(%dma_start3A_104 : memref<1024x1024xf32, #tpu.memory_space<hbm>>) target(%dma_start3A_98 : memref<32x1024xf32, #tpu.memory_space<vmem>>) offsets(%dma_start3A_101 : memref<32xi32, #tpu.memory_space<vmem>>) semaphore(%arg7 : memref<!tpu.dma_semaphore, #tpu.memory_space<semaphore_mem>>)
    %dma_wait3A_105 = arith.constant 3 : i32
    %dma_wait3A_106 = arith.constant 1 : i32
    %dma_wait3A_107 = arith.constant 0 : i32
    %dma_wait3A_108 = arith.constant 0 : i32
    %dma_wait3A_109 = tpu.memref_slice %arg6[%dma_wait3A_106, %dma_wait3A_107, %dma_wait3A_108] : memref<2x32x1024xf32, #tpu.memory_space<vmem>> -> memref<1x32x1024xf32, #tpu.memory_space<vmem>>
    %dma_wait3A_110 = tpu.memref_squeeze %dma_wait3A_109 : memref<1x32x1024xf32, #tpu.memory_space<vmem>> -> memref<32x1024xf32, #tpu.memory_space<vmem>>
    %dma_wait3A_111 = arith.constant 0 : i32
    %dma_wait3A_112 = tpu.memref_slice %arg5[%dma_wait3A_105, %dma_wait3A_111] : memref<8x32xi32, #tpu.memory_space<vmem>> -> memref<1x32xi32, #tpu.memory_space<vmem>>
    %dma_wait3A_113 = tpu.memref_squeeze %dma_wait3A_112 : memref<1x32xi32, #tpu.memory_space<vmem>> -> memref<32xi32, #tpu.memory_space<vmem>>
    %dma_wait3A_114 = arith.constant 0 : i32
    %dma_wait3A_115 = arith.constant 0 : i32
    %dma_wait3A_116 = tpu.memref_slice %arg2[%dma_wait3A_114, %dma_wait3A_115] : memref<1024x1024xf32, #tpu.memory_space<hbm>> -> memref<1024x1024xf32, #tpu.memory_space<hbm>>
    tpu.wait_indirect_dma semaphore(%arg8 : memref<!tpu.dma_semaphore, #tpu.memory_space<semaphore_mem>>) src(%dma_wait3A_116 : memref<1024x1024xf32, #tpu.memory_space<hbm>>) dst(%dma_wait3A_110 : memref<32x1024xf32, #tpu.memory_space<vmem>>)
    %add3A_117 = arith.constant 96 : i32
    %add3A_118 = arith.addi %mul3A_2, %add3A_117 : i32
    %run_scoped3A_119 = arith.constant 1 : i32
    "tpu.region"() ({
      %run_scoped3A_216 = tpu.sem_alloc : memref<!tpu.dma_semaphore, #tpu.memory_space<semaphore_mem>>
      %dma_start3A_217 = arith.constant 0 : i32
      %dma_start3A_218 = arith.constant 0 : i32
      %dma_start3A_219 = tpu.memref_slice %arg6[%run_scoped3A_119, %dma_start3A_217, %dma_start3A_218] : memref<2x32x1024xf32, #tpu.memory_space<vmem>> -> memref<1x32x1024xf32, #tpu.memory_space<vmem>>
      %dma_start3A_220 = tpu.memref_squeeze %dma_start3A_219 : memref<1x32x1024xf32, #tpu.memory_space<vmem>> -> memref<32x1024xf32, #tpu.memory_space<vmem>>
      %dma_start3A_221 = arith.constant 0 : i32
      %dma_start3A_222 = tpu.memref_slice %arg4[%add3A_118, %dma_start3A_221] : memref<8192x1024xf32, #tpu.memory_space<hbm>> -> memref<32x1024xf32, #tpu.memory_space<hbm>>
      %dma_start3A_223 = arith.constant 0 : i32
      %dma_start3A_224 = tpu.memref_slice %arg4[%add3A_118, %dma_start3A_223] : memref<8192x1024xf32, #tpu.memory_space<hbm>> -> memref<32x1024xf32, #tpu.memory_space<hbm>>
      %dma_start3A_225 = arith.constant 0 : i32
      %dma_start3A_226 = arith.constant 0 : i32
      %dma_start3A_227 = tpu.memref_slice %arg6[%run_scoped3A_119, %dma_start3A_225, %dma_start3A_226] : memref<2x32x1024xf32, #tpu.memory_space<vmem>> -> memref<1x32x1024xf32, #tpu.memory_space<vmem>>
      %dma_start3A_228 = tpu.memref_squeeze %dma_start3A_227 : memref<1x32x1024xf32, #tpu.memory_space<vmem>> -> memref<32x1024xf32, #tpu.memory_space<vmem>>
      tpu.enqueue_dma source(%dma_start3A_228 : memref<32x1024xf32, #tpu.memory_space<vmem>>) target(%dma_start3A_224 : memref<32x1024xf32, #tpu.memory_space<hbm>>) target_semaphore(%run_scoped3A_216 : memref<!tpu.dma_semaphore, #tpu.memory_space<semaphore_mem>>)
      %dma_wait3A_229 = arith.constant 0 : i32
      %dma_wait3A_230 = arith.constant 0 : i32
      %dma_wait3A_231 = tpu.memref_slice %arg6[%run_scoped3A_119, %dma_wait3A_229, %dma_wait3A_230] : memref<2x32x1024xf32, #tpu.memory_space<vmem>> -> memref<1x32x1024xf32, #tpu.memory_space<vmem>>
      %dma_wait3A_232 = tpu.memref_squeeze %dma_wait3A_231 : memref<1x32x1024xf32, #tpu.memory_space<vmem>> -> memref<32x1024xf32, #tpu.memory_space<vmem>>
      %dma_wait3A_233 = arith.constant 0 : i32
      %dma_wait3A_234 = tpu.memref_slice %arg4[%add3A_118, %dma_wait3A_233] : memref<8192x1024xf32, #tpu.memory_space<hbm>> -> memref<32x1024xf32, #tpu.memory_space<hbm>>
      %dma_wait3A_235 = arith.constant 0 : i32
      %dma_wait3A_236 = tpu.memref_slice %arg4[%add3A_118, %dma_wait3A_235] : memref<8192x1024xf32, #tpu.memory_space<hbm>> -> memref<32x1024xf32, #tpu.memory_space<hbm>>
      %dma_wait3A_237 = arith.constant 0 : i32
      %dma_wait3A_238 = arith.constant 0 : i32
      %dma_wait3A_239 = tpu.memref_slice %arg6[%run_scoped3A_119, %dma_wait3A_237, %dma_wait3A_238] : memref<2x32x1024xf32, #tpu.memory_space<vmem>> -> memref<1x32x1024xf32, #tpu.memory_space<vmem>>
      %dma_wait3A_240 = tpu.memref_squeeze %dma_wait3A_239 : memref<1x32x1024xf32, #tpu.memory_space<vmem>> -> memref<32x1024xf32, #tpu.memory_space<vmem>>
      tpu.wait_dma2 semaphore(%run_scoped3A_216 : memref<!tpu.dma_semaphore, #tpu.memory_space<semaphore_mem>>) src(%dma_wait3A_240 : memref<32x1024xf32, #tpu.memory_space<vmem>>) dst(%dma_wait3A_236 : memref<32x1024xf32, #tpu.memory_space<hbm>>)
      tpu.yield
    }) : () -> ()
    %dma_start3A_120 = arith.constant 5 : i32
    %dma_start3A_121 = arith.constant 1 : i32
    %dma_start3A_122 = arith.constant 0 : i32
    %dma_start3A_123 = arith.constant 0 : i32
    %dma_start3A_124 = tpu.memref_slice %arg6[%dma_start3A_121, %dma_start3A_122, %dma_start3A_123] : memref<2x32x1024xf32, #tpu.memory_space<vmem>> -> memref<1x32x1024xf32, #tpu.memory_space<vmem>>
    %dma_start3A_125 = tpu.memref_squeeze %dma_start3A_124 : memref<1x32x1024xf32, #tpu.memory_space<vmem>> -> memref<32x1024xf32, #tpu.memory_space<vmem>>
    %dma_start3A_126 = arith.constant 0 : i32
    %dma_start3A_127 = tpu.memref_slice %arg5[%dma_start3A_120, %dma_start3A_126] : memref<8x32xi32, #tpu.memory_space<vmem>> -> memref<1x32xi32, #tpu.memory_space<vmem>>
    %dma_start3A_128 = tpu.memref_squeeze %dma_start3A_127 : memref<1x32xi32, #tpu.memory_space<vmem>> -> memref<32xi32, #tpu.memory_space<vmem>>
    %dma_start3A_129 = arith.constant 0 : i32
    %dma_start3A_130 = arith.constant 0 : i32
    %dma_start3A_131 = tpu.memref_slice %arg2[%dma_start3A_129, %dma_start3A_130] : memref<1024x1024xf32, #tpu.memory_space<hbm>> -> memref<1024x1024xf32, #tpu.memory_space<hbm>>
    tpu.enqueue_indirect_dma source(%dma_start3A_131 : memref<1024x1024xf32, #tpu.memory_space<hbm>>) target(%dma_start3A_125 : memref<32x1024xf32, #tpu.memory_space<vmem>>) offsets(%dma_start3A_128 : memref<32xi32, #tpu.memory_space<vmem>>) semaphore(%arg8 : memref<!tpu.dma_semaphore, #tpu.memory_space<semaphore_mem>>)
    %dma_wait3A_132 = arith.constant 4 : i32
    %dma_wait3A_133 = arith.constant 0 : i32
    %dma_wait3A_134 = arith.constant 0 : i32
    %dma_wait3A_135 = arith.constant 0 : i32
    %dma_wait3A_136 = tpu.memref_slice %arg6[%dma_wait3A_133, %dma_wait3A_134, %dma_wait3A_135] : memref<2x32x1024xf32, #tpu.memory_space<vmem>> -> memref<1x32x1024xf32, #tpu.memory_space<vmem>>
    %dma_wait3A_137 = tpu.memref_squeeze %dma_wait3A_136 : memref<1x32x1024xf32, #tpu.memory_space<vmem>> -> memref<32x1024xf32, #tpu.memory_space<vmem>>
    %dma_wait3A_138 = arith.constant 0 : i32
    %dma_wait3A_139 = tpu.memref_slice %arg5[%dma_wait3A_132, %dma_wait3A_138] : memref<8x32xi32, #tpu.memory_space<vmem>> -> memref<1x32xi32, #tpu.memory_space<vmem>>
    %dma_wait3A_140 = tpu.memref_squeeze %dma_wait3A_139 : memref<1x32xi32, #tpu.memory_space<vmem>> -> memref<32xi32, #tpu.memory_space<vmem>>
    %dma_wait3A_141 = arith.constant 0 : i32
    %dma_wait3A_142 = arith.constant 0 : i32
    %dma_wait3A_143 = tpu.memref_slice %arg2[%dma_wait3A_141, %dma_wait3A_142] : memref<1024x1024xf32, #tpu.memory_space<hbm>> -> memref<1024x1024xf32, #tpu.memory_space<hbm>>
    tpu.wait_indirect_dma semaphore(%arg7 : memref<!tpu.dma_semaphore, #tpu.memory_space<semaphore_mem>>) src(%dma_wait3A_143 : memref<1024x1024xf32, #tpu.memory_space<hbm>>) dst(%dma_wait3A_137 : memref<32x1024xf32, #tpu.memory_space<vmem>>)
    %add3A_144 = arith.constant 128 : i32
    %add3A_145 = arith.addi %mul3A_2, %add3A_144 : i32
    %run_scoped3A_146 = arith.constant 0 : i32
    "tpu.region"() ({
      %run_scoped3A_216 = tpu.sem_alloc : memref<!tpu.dma_semaphore, #tpu.memory_space<semaphore_mem>>
      %dma_start3A_217 = arith.constant 0 : i32
      %dma_start3A_218 = arith.constant 0 : i32
      %dma_start3A_219 = tpu.memref_slice %arg6[%run_scoped3A_146, %dma_start3A_217, %dma_start3A_218] : memref<2x32x1024xf32, #tpu.memory_space<vmem>> -> memref<1x32x1024xf32, #tpu.memory_space<vmem>>
      %dma_start3A_220 = tpu.memref_squeeze %dma_start3A_219 : memref<1x32x1024xf32, #tpu.memory_space<vmem>> -> memref<32x1024xf32, #tpu.memory_space<vmem>>
      %dma_start3A_221 = arith.constant 0 : i32
      %dma_start3A_222 = tpu.memref_slice %arg4[%add3A_145, %dma_start3A_221] : memref<8192x1024xf32, #tpu.memory_space<hbm>> -> memref<32x1024xf32, #tpu.memory_space<hbm>>
      %dma_start3A_223 = arith.constant 0 : i32
      %dma_start3A_224 = tpu.memref_slice %arg4[%add3A_145, %dma_start3A_223] : memref<8192x1024xf32, #tpu.memory_space<hbm>> -> memref<32x1024xf32, #tpu.memory_space<hbm>>
      %dma_start3A_225 = arith.constant 0 : i32
      %dma_start3A_226 = arith.constant 0 : i32
      %dma_start3A_227 = tpu.memref_slice %arg6[%run_scoped3A_146, %dma_start3A_225, %dma_start3A_226] : memref<2x32x1024xf32, #tpu.memory_space<vmem>> -> memref<1x32x1024xf32, #tpu.memory_space<vmem>>
      %dma_start3A_228 = tpu.memref_squeeze %dma_start3A_227 : memref<1x32x1024xf32, #tpu.memory_space<vmem>> -> memref<32x1024xf32, #tpu.memory_space<vmem>>
      tpu.enqueue_dma source(%dma_start3A_228 : memref<32x1024xf32, #tpu.memory_space<vmem>>) target(%dma_start3A_224 : memref<32x1024xf32, #tpu.memory_space<hbm>>) target_semaphore(%run_scoped3A_216 : memref<!tpu.dma_semaphore, #tpu.memory_space<semaphore_mem>>)
      %dma_wait3A_229 = arith.constant 0 : i32
      %dma_wait3A_230 = arith.constant 0 : i32
      %dma_wait3A_231 = tpu.memref_slice %arg6[%run_scoped3A_146, %dma_wait3A_229, %dma_wait3A_230] : memref<2x32x1024xf32, #tpu.memory_space<vmem>> -> memref<1x32x1024xf32, #tpu.memory_space<vmem>>
      %dma_wait3A_232 = tpu.memref_squeeze %dma_wait3A_231 : memref<1x32x1024xf32, #tpu.memory_space<vmem>> -> memref<32x1024xf32, #tpu.memory_space<vmem>>
      %dma_wait3A_233 = arith.constant 0 : i32
      %dma_wait3A_234 = tpu.memref_slice %arg4[%add3A_145, %dma_wait3A_233] : memref<8192x1024xf32, #tpu.memory_space<hbm>> -> memref<32x1024xf32, #tpu.memory_space<hbm>>
      %dma_wait3A_235 = arith.constant 0 : i32
      %dma_wait3A_236 = tpu.memref_slice %arg4[%add3A_145, %dma_wait3A_235] : memref<8192x1024xf32, #tpu.memory_space<hbm>> -> memref<32x1024xf32, #tpu.memory_space<hbm>>
      %dma_wait3A_237 = arith.constant 0 : i32
      %dma_wait3A_238 = arith.constant 0 : i32
      %dma_wait3A_239 = tpu.memref_slice %arg6[%run_scoped3A_146, %dma_wait3A_237, %dma_wait3A_238] : memref<2x32x1024xf32, #tpu.memory_space<vmem>> -> memref<1x32x1024xf32, #tpu.memory_space<vmem>>
      %dma_wait3A_240 = tpu.memref_squeeze %dma_wait3A_239 : memref<1x32x1024xf32, #tpu.memory_space<vmem>> -> memref<32x1024xf32, #tpu.memory_space<vmem>>
      tpu.wait_dma2 semaphore(%run_scoped3A_216 : memref<!tpu.dma_semaphore, #tpu.memory_space<semaphore_mem>>) src(%dma_wait3A_240 : memref<32x1024xf32, #tpu.memory_space<vmem>>) dst(%dma_wait3A_236 : memref<32x1024xf32, #tpu.memory_space<hbm>>)
      tpu.yield
    }) : () -> ()
    %dma_start3A_147 = arith.constant 6 : i32
    %dma_start3A_148 = arith.constant 0 : i32
    %dma_start3A_149 = arith.constant 0 : i32
    %dma_start3A_150 = arith.constant 0 : i32
    %dma_start3A_151 = tpu.memref_slice %arg6[%dma_start3A_148, %dma_start3A_149, %dma_start3A_150] : memref<2x32x1024xf32, #tpu.memory_space<vmem>> -> memref<1x32x1024xf32, #tpu.memory_space<vmem>>
    %dma_start3A_152 = tpu.memref_squeeze %dma_start3A_151 : memref<1x32x1024xf32, #tpu.memory_space<vmem>> -> memref<32x1024xf32, #tpu.memory_space<vmem>>
    %dma_start3A_153 = arith.constant 0 : i32
    %dma_start3A_154 = tpu.memref_slice %arg5[%dma_start3A_147, %dma_start3A_153] : memref<8x32xi32, #tpu.memory_space<vmem>> -> memref<1x32xi32, #tpu.memory_space<vmem>>
    %dma_start3A_155 = tpu.memref_squeeze %dma_start3A_154 : memref<1x32xi32, #tpu.memory_space<vmem>> -> memref<32xi32, #tpu.memory_space<vmem>>
    %dma_start3A_156 = arith.constant 0 : i32
    %dma_start3A_157 = arith.constant 0 : i32
    %dma_start3A_158 = tpu.memref_slice %arg2[%dma_start3A_156, %dma_start3A_157] : memref<1024x1024xf32, #tpu.memory_space<hbm>> -> memref<1024x1024xf32, #tpu.memory_space<hbm>>
    tpu.enqueue_indirect_dma source(%dma_start3A_158 : memref<1024x1024xf32, #tpu.memory_space<hbm>>) target(%dma_start3A_152 : memref<32x1024xf32, #tpu.memory_space<vmem>>) offsets(%dma_start3A_155 : memref<32xi32, #tpu.memory_space<vmem>>) semaphore(%arg7 : memref<!tpu.dma_semaphore, #tpu.memory_space<semaphore_mem>>)
    %dma_wait3A_159 = arith.constant 5 : i32
    %dma_wait3A_160 = arith.constant 1 : i32
    %dma_wait3A_161 = arith.constant 0 : i32
    %dma_wait3A_162 = arith.constant 0 : i32
    %dma_wait3A_163 = tpu.memref_slice %arg6[%dma_wait3A_160, %dma_wait3A_161, %dma_wait3A_162] : memref<2x32x1024xf32, #tpu.memory_space<vmem>> -> memref<1x32x1024xf32, #tpu.memory_space<vmem>>
    %dma_wait3A_164 = tpu.memref_squeeze %dma_wait3A_163 : memref<1x32x1024xf32, #tpu.memory_space<vmem>> -> memref<32x1024xf32, #tpu.memory_space<vmem>>
    %dma_wait3A_165 = arith.constant 0 : i32
    %dma_wait3A_166 = tpu.memref_slice %arg5[%dma_wait3A_159, %dma_wait3A_165] : memref<8x32xi32, #tpu.memory_space<vmem>> -> memref<1x32xi32, #tpu.memory_space<vmem>>
    %dma_wait3A_167 = tpu.memref_squeeze %dma_wait3A_166 : memref<1x32xi32, #tpu.memory_space<vmem>> -> memref<32xi32, #tpu.memory_space<vmem>>
    %dma_wait3A_168 = arith.constant 0 : i32
    %dma_wait3A_169 = arith.constant 0 : i32
    %dma_wait3A_170 = tpu.memref_slice %arg2[%dma_wait3A_168, %dma_wait3A_169] : memref<1024x1024xf32, #tpu.memory_space<hbm>> -> memref<1024x1024xf32, #tpu.memory_space<hbm>>
    tpu.wait_indirect_dma semaphore(%arg8 : memref<!tpu.dma_semaphore, #tpu.memory_space<semaphore_mem>>) src(%dma_wait3A_170 : memref<1024x1024xf32, #tpu.memory_space<hbm>>) dst(%dma_wait3A_164 : memref<32x1024xf32, #tpu.memory_space<vmem>>)
    %add3A_171 = arith.constant 160 : i32
    %add3A_172 = arith.addi %mul3A_2, %add3A_171 : i32
    %run_scoped3A_173 = arith.constant 1 : i32
    "tpu.region"() ({
      %run_scoped3A_216 = tpu.sem_alloc : memref<!tpu.dma_semaphore, #tpu.memory_space<semaphore_mem>>
      %dma_start3A_217 = arith.constant 0 : i32
      %dma_start3A_218 = arith.constant 0 : i32
      %dma_start3A_219 = tpu.memref_slice %arg6[%run_scoped3A_173, %dma_start3A_217, %dma_start3A_218] : memref<2x32x1024xf32, #tpu.memory_space<vmem>> -> memref<1x32x1024xf32, #tpu.memory_space<vmem>>
      %dma_start3A_220 = tpu.memref_squeeze %dma_start3A_219 : memref<1x32x1024xf32, #tpu.memory_space<vmem>> -> memref<32x1024xf32, #tpu.memory_space<vmem>>
      %dma_start3A_221 = arith.constant 0 : i32
      %dma_start3A_222 = tpu.memref_slice %arg4[%add3A_172, %dma_start3A_221] : memref<8192x1024xf32, #tpu.memory_space<hbm>> -> memref<32x1024xf32, #tpu.memory_space<hbm>>
      %dma_start3A_223 = arith.constant 0 : i32
      %dma_start3A_224 = tpu.memref_slice %arg4[%add3A_172, %dma_start3A_223] : memref<8192x1024xf32, #tpu.memory_space<hbm>> -> memref<32x1024xf32, #tpu.memory_space<hbm>>
      %dma_start3A_225 = arith.constant 0 : i32
      %dma_start3A_226 = arith.constant 0 : i32
      %dma_start3A_227 = tpu.memref_slice %arg6[%run_scoped3A_173, %dma_start3A_225, %dma_start3A_226] : memref<2x32x1024xf32, #tpu.memory_space<vmem>> -> memref<1x32x1024xf32, #tpu.memory_space<vmem>>
      %dma_start3A_228 = tpu.memref_squeeze %dma_start3A_227 : memref<1x32x1024xf32, #tpu.memory_space<vmem>> -> memref<32x1024xf32, #tpu.memory_space<vmem>>
      tpu.enqueue_dma source(%dma_start3A_228 : memref<32x1024xf32, #tpu.memory_space<vmem>>) target(%dma_start3A_224 : memref<32x1024xf32, #tpu.memory_space<hbm>>) target_semaphore(%run_scoped3A_216 : memref<!tpu.dma_semaphore, #tpu.memory_space<semaphore_mem>>)
      %dma_wait3A_229 = arith.constant 0 : i32
      %dma_wait3A_230 = arith.constant 0 : i32
      %dma_wait3A_231 = tpu.memref_slice %arg6[%run_scoped3A_173, %dma_wait3A_229, %dma_wait3A_230] : memref<2x32x1024xf32, #tpu.memory_space<vmem>> -> memref<1x32x1024xf32, #tpu.memory_space<vmem>>
      %dma_wait3A_232 = tpu.memref_squeeze %dma_wait3A_231 : memref<1x32x1024xf32, #tpu.memory_space<vmem>> -> memref<32x1024xf32, #tpu.memory_space<vmem>>
      %dma_wait3A_233 = arith.constant 0 : i32
      %dma_wait3A_234 = tpu.memref_slice %arg4[%add3A_172, %dma_wait3A_233] : memref<8192x1024xf32, #tpu.memory_space<hbm>> -> memref<32x1024xf32, #tpu.memory_space<hbm>>
      %dma_wait3A_235 = arith.constant 0 : i32
      %dma_wait3A_236 = tpu.memref_slice %arg4[%add3A_172, %dma_wait3A_235] : memref<8192x1024xf32, #tpu.memory_space<hbm>> -> memref<32x1024xf32, #tpu.memory_space<hbm>>
      %dma_wait3A_237 = arith.constant 0 : i32
      %dma_wait3A_238 = arith.constant 0 : i32
      %dma_wait3A_239 = tpu.memref_slice %arg6[%run_scoped3A_173, %dma_wait3A_237, %dma_wait3A_238] : memref<2x32x1024xf32, #tpu.memory_space<vmem>> -> memref<1x32x1024xf32, #tpu.memory_space<vmem>>
      %dma_wait3A_240 = tpu.memref_squeeze %dma_wait3A_239 : memref<1x32x1024xf32, #tpu.memory_space<vmem>> -> memref<32x1024xf32, #tpu.memory_space<vmem>>
      tpu.wait_dma2 semaphore(%run_scoped3A_216 : memref<!tpu.dma_semaphore, #tpu.memory_space<semaphore_mem>>) src(%dma_wait3A_240 : memref<32x1024xf32, #tpu.memory_space<vmem>>) dst(%dma_wait3A_236 : memref<32x1024xf32, #tpu.memory_space<hbm>>)
      tpu.yield
    }) : () -> ()
    %dma_start3A_174 = arith.constant 7 : i32
    %dma_start3A_175 = arith.constant 1 : i32
    %dma_start3A_176 = arith.constant 0 : i32
    %dma_start3A_177 = arith.constant 0 : i32
    %dma_start3A_178 = tpu.memref_slice %arg6[%dma_start3A_175, %dma_start3A_176, %dma_start3A_177] : memref<2x32x1024xf32, #tpu.memory_space<vmem>> -> memref<1x32x1024xf32, #tpu.memory_space<vmem>>
    %dma_start3A_179 = tpu.memref_squeeze %dma_start3A_178 : memref<1x32x1024xf32, #tpu.memory_space<vmem>> -> memref<32x1024xf32, #tpu.memory_space<vmem>>
    %dma_start3A_180 = arith.constant 0 : i32
    %dma_start3A_181 = tpu.memref_slice %arg5[%dma_start3A_174, %dma_start3A_180] : memref<8x32xi32, #tpu.memory_space<vmem>> -> memref<1x32xi32, #tpu.memory_space<vmem>>
    %dma_start3A_182 = tpu.memref_squeeze %dma_start3A_181 : memref<1x32xi32, #tpu.memory_space<vmem>> -> memref<32xi32, #tpu.memory_space<vmem>>
    %dma_start3A_183 = arith.constant 0 : i32
    %dma_start3A_184 = arith.constant 0 : i32
    %dma_start3A_185 = tpu.memref_slice %arg2[%dma_start3A_183, %dma_start3A_184] : memref<1024x1024xf32, #tpu.memory_space<hbm>> -> memref<1024x1024xf32, #tpu.memory_space<hbm>>
    tpu.enqueue_indirect_dma source(%dma_start3A_185 : memref<1024x1024xf32, #tpu.memory_space<hbm>>) target(%dma_start3A_179 : memref<32x1024xf32, #tpu.memory_space<vmem>>) offsets(%dma_start3A_182 : memref<32xi32, #tpu.memory_space<vmem>>) semaphore(%arg8 : memref<!tpu.dma_semaphore, #tpu.memory_space<semaphore_mem>>)
    %dma_wait3A_186 = arith.constant 6 : i32
    %dma_wait3A_187 = arith.constant 0 : i32
    %dma_wait3A_188 = arith.constant 0 : i32
    %dma_wait3A_189 = arith.constant 0 : i32
    %dma_wait3A_190 = tpu.memref_slice %arg6[%dma_wait3A_187, %dma_wait3A_188, %dma_wait3A_189] : memref<2x32x1024xf32, #tpu.memory_space<vmem>> -> memref<1x32x1024xf32, #tpu.memory_space<vmem>>
    %dma_wait3A_191 = tpu.memref_squeeze %dma_wait3A_190 : memref<1x32x1024xf32, #tpu.memory_space<vmem>> -> memref<32x1024xf32, #tpu.memory_space<vmem>>
    %dma_wait3A_192 = arith.constant 0 : i32
    %dma_wait3A_193 = tpu.memref_slice %arg5[%dma_wait3A_186, %dma_wait3A_192] : memref<8x32xi32, #tpu.memory_space<vmem>> -> memref<1x32xi32, #tpu.memory_space<vmem>>
    %dma_wait3A_194 = tpu.memref_squeeze %dma_wait3A_193 : memref<1x32xi32, #tpu.memory_space<vmem>> -> memref<32xi32, #tpu.memory_space<vmem>>
    %dma_wait3A_195 = arith.constant 0 : i32
    %dma_wait3A_196 = arith.constant 0 : i32
    %dma_wait3A_197 = tpu.memref_slice %arg2[%dma_wait3A_195, %dma_wait3A_196] : memref<1024x1024xf32, #tpu.memory_space<hbm>> -> memref<1024x1024xf32, #tpu.memory_space<hbm>>
    tpu.wait_indirect_dma semaphore(%arg7 : memref<!tpu.dma_semaphore, #tpu.memory_space<semaphore_mem>>) src(%dma_wait3A_197 : memref<1024x1024xf32, #tpu.memory_space<hbm>>) dst(%dma_wait3A_191 : memref<32x1024xf32, #tpu.memory_space<vmem>>)
    %add3A_198 = arith.constant 192 : i32
    %add3A_199 = arith.addi %mul3A_2, %add3A_198 : i32
    %run_scoped3A_200 = arith.constant 0 : i32
    "tpu.region"() ({
      %run_scoped3A_216 = tpu.sem_alloc : memref<!tpu.dma_semaphore, #tpu.memory_space<semaphore_mem>>
      %dma_start3A_217 = arith.constant 0 : i32
      %dma_start3A_218 = arith.constant 0 : i32
      %dma_start3A_219 = tpu.memref_slice %arg6[%run_scoped3A_200, %dma_start3A_217, %dma_start3A_218] : memref<2x32x1024xf32, #tpu.memory_space<vmem>> -> memref<1x32x1024xf32, #tpu.memory_space<vmem>>
      %dma_start3A_220 = tpu.memref_squeeze %dma_start3A_219 : memref<1x32x1024xf32, #tpu.memory_space<vmem>> -> memref<32x1024xf32, #tpu.memory_space<vmem>>
      %dma_start3A_221 = arith.constant 0 : i32
      %dma_start3A_222 = tpu.memref_slice %arg4[%add3A_199, %dma_start3A_221] : memref<8192x1024xf32, #tpu.memory_space<hbm>> -> memref<32x1024xf32, #tpu.memory_space<hbm>>
      %dma_start3A_223 = arith.constant 0 : i32
      %dma_start3A_224 = tpu.memref_slice %arg4[%add3A_199, %dma_start3A_223] : memref<8192x1024xf32, #tpu.memory_space<hbm>> -> memref<32x1024xf32, #tpu.memory_space<hbm>>
      %dma_start3A_225 = arith.constant 0 : i32
      %dma_start3A_226 = arith.constant 0 : i32
      %dma_start3A_227 = tpu.memref_slice %arg6[%run_scoped3A_200, %dma_start3A_225, %dma_start3A_226] : memref<2x32x1024xf32, #tpu.memory_space<vmem>> -> memref<1x32x1024xf32, #tpu.memory_space<vmem>>
      %dma_start3A_228 = tpu.memref_squeeze %dma_start3A_227 : memref<1x32x1024xf32, #tpu.memory_space<vmem>> -> memref<32x1024xf32, #tpu.memory_space<vmem>>
      tpu.enqueue_dma source(%dma_start3A_228 : memref<32x1024xf32, #tpu.memory_space<vmem>>) target(%dma_start3A_224 : memref<32x1024xf32, #tpu.memory_space<hbm>>) target_semaphore(%run_scoped3A_216 : memref<!tpu.dma_semaphore, #tpu.memory_space<semaphore_mem>>)
      %dma_wait3A_229 = arith.constant 0 : i32
      %dma_wait3A_230 = arith.constant 0 : i32
      %dma_wait3A_231 = tpu.memref_slice %arg6[%run_scoped3A_200, %dma_wait3A_229, %dma_wait3A_230] : memref<2x32x1024xf32, #tpu.memory_space<vmem>> -> memref<1x32x1024xf32, #tpu.memory_space<vmem>>
      %dma_wait3A_232 = tpu.memref_squeeze %dma_wait3A_231 : memref<1x32x1024xf32, #tpu.memory_space<vmem>> -> memref<32x1024xf32, #tpu.memory_space<vmem>>
      %dma_wait3A_233 = arith.constant 0 : i32
      %dma_wait3A_234 = tpu.memref_slice %arg4[%add3A_199, %dma_wait3A_233] : memref<8192x1024xf32, #tpu.memory_space<hbm>> -> memref<32x1024xf32, #tpu.memory_space<hbm>>
      %dma_wait3A_235 = arith.constant 0 : i32
      %dma_wait3A_236 = tpu.memref_slice %arg4[%add3A_199, %dma_wait3A_235] : memref<8192x1024xf32, #tpu.memory_space<hbm>> -> memref<32x1024xf32, #tpu.memory_space<hbm>>
      %dma_wait3A_237 = arith.constant 0 : i32
      %dma_wait3A_238 = arith.constant 0 : i32
      %dma_wait3A_239 = tpu.memref_slice %arg6[%run_scoped3A_200, %dma_wait3A_237, %dma_wait3A_238] : memref<2x32x1024xf32, #tpu.memory_space<vmem>> -> memref<1x32x1024xf32, #tpu.memory_space<vmem>>
      %dma_wait3A_240 = tpu.memref_squeeze %dma_wait3A_239 : memref<1x32x1024xf32, #tpu.memory_space<vmem>> -> memref<32x1024xf32, #tpu.memory_space<vmem>>
      tpu.wait_dma2 semaphore(%run_scoped3A_216 : memref<!tpu.dma_semaphore, #tpu.memory_space<semaphore_mem>>) src(%dma_wait3A_240 : memref<32x1024xf32, #tpu.memory_space<vmem>>) dst(%dma_wait3A_236 : memref<32x1024xf32, #tpu.memory_space<hbm>>)
      tpu.yield
    }) : () -> ()
    %dma_wait3A_201 = arith.constant 7 : i32
    %dma_wait3A_202 = arith.constant 1 : i32
    %dma_wait3A_203 = arith.constant 0 : i32
    %dma_wait3A_204 = arith.constant 0 : i32
    %dma_wait3A_205 = tpu.memref_slice %arg6[%dma_wait3A_202, %dma_wait3A_203, %dma_wait3A_204] : memref<2x32x1024xf32, #tpu.memory_space<vmem>> -> memref<1x32x1024xf32, #tpu.memory_space<vmem>>
    %dma_wait3A_206 = tpu.memref_squeeze %dma_wait3A_205 : memref<1x32x1024xf32, #tpu.memory_space<vmem>> -> memref<32x1024xf32, #tpu.memory_space<vmem>>
    %dma_wait3A_207 = arith.constant 0 : i32
    %dma_wait3A_208 = tpu.memref_slice %arg5[%dma_wait3A_201, %dma_wait3A_207] : memref<8x32xi32, #tpu.memory_space<vmem>> -> memref<1x32xi32, #tpu.memory_space<vmem>>
    %dma_wait3A_209 = tpu.memref_squeeze %dma_wait3A_208 : memref<1x32xi32, #tpu.memory_space<vmem>> -> memref<32xi32, #tpu.memory_space<vmem>>
    %dma_wait3A_210 = arith.constant 0 : i32
    %dma_wait3A_211 = arith.constant 0 : i32
    %dma_wait3A_212 = tpu.memref_slice %arg2[%dma_wait3A_210, %dma_wait3A_211] : memref<1024x1024xf32, #tpu.memory_space<hbm>> -> memref<1024x1024xf32, #tpu.memory_space<hbm>>
    tpu.wait_indirect_dma semaphore(%arg8 : memref<!tpu.dma_semaphore, #tpu.memory_space<semaphore_mem>>) src(%dma_wait3A_212 : memref<1024x1024xf32, #tpu.memory_space<hbm>>) dst(%dma_wait3A_206 : memref<32x1024xf32, #tpu.memory_space<vmem>>)
    %add3A_213 = arith.constant 224 : i32
    %add3A_214 = arith.addi %mul3A_2, %add3A_213 : i32
    %run_scoped3A_215 = arith.constant 1 : i32
    "tpu.region"() ({
      %run_scoped3A_216 = tpu.sem_alloc : memref<!tpu.dma_semaphore, #tpu.memory_space<semaphore_mem>>
      %dma_start3A_217 = arith.constant 0 : i32
      %dma_start3A_218 = arith.constant 0 : i32
      %dma_start3A_219 = tpu.memref_slice %arg6[%run_scoped3A_215, %dma_start3A_217, %dma_start3A_218] : memref<2x32x1024xf32, #tpu.memory_space<vmem>> -> memref<1x32x1024xf32, #tpu.memory_space<vmem>>
      %dma_start3A_220 = tpu.memref_squeeze %dma_start3A_219 : memref<1x32x1024xf32, #tpu.memory_space<vmem>> -> memref<32x1024xf32, #tpu.memory_space<vmem>>
      %dma_start3A_221 = arith.constant 0 : i32
      %dma_start3A_222 = tpu.memref_slice %arg4[%add3A_214, %dma_start3A_221] : memref<8192x1024xf32, #tpu.memory_space<hbm>> -> memref<32x1024xf32, #tpu.memory_space<hbm>>
      %dma_start3A_223 = arith.constant 0 : i32
      %dma_start3A_224 = tpu.memref_slice %arg4[%add3A_214, %dma_start3A_223] : memref<8192x1024xf32, #tpu.memory_space<hbm>> -> memref<32x1024xf32, #tpu.memory_space<hbm>>
      %dma_start3A_225 = arith.constant 0 : i32
      %dma_start3A_226 = arith.constant 0 : i32
      %dma_start3A_227 = tpu.memref_slice %arg6[%run_scoped3A_215, %dma_start3A_225, %dma_start3A_226] : memref<2x32x1024xf32, #tpu.memory_space<vmem>> -> memref<1x32x1024xf32, #tpu.memory_space<vmem>>
      %dma_start3A_228 = tpu.memref_squeeze %dma_start3A_227 : memref<1x32x1024xf32, #tpu.memory_space<vmem>> -> memref<32x1024xf32, #tpu.memory_space<vmem>>
      tpu.enqueue_dma source(%dma_start3A_228 : memref<32x1024xf32, #tpu.memory_space<vmem>>) target(%dma_start3A_224 : memref<32x1024xf32, #tpu.memory_space<hbm>>) target_semaphore(%run_scoped3A_216 : memref<!tpu.dma_semaphore, #tpu.memory_space<semaphore_mem>>)
      %dma_wait3A_229 = arith.constant 0 : i32
      %dma_wait3A_230 = arith.constant 0 : i32
      %dma_wait3A_231 = tpu.memref_slice %arg6[%run_scoped3A_215, %dma_wait3A_229, %dma_wait3A_230] : memref<2x32x1024xf32, #tpu.memory_space<vmem>> -> memref<1x32x1024xf32, #tpu.memory_space<vmem>>
      %dma_wait3A_232 = tpu.memref_squeeze %dma_wait3A_231 : memref<1x32x1024xf32, #tpu.memory_space<vmem>> -> memref<32x1024xf32, #tpu.memory_space<vmem>>
      %dma_wait3A_233 = arith.constant 0 : i32
      %dma_wait3A_234 = tpu.memref_slice %arg4[%add3A_214, %dma_wait3A_233] : memref<8192x1024xf32, #tpu.memory_space<hbm>> -> memref<32x1024xf32, #tpu.memory_space<hbm>>
      %dma_wait3A_235 = arith.constant 0 : i32
      %dma_wait3A_236 = tpu.memref_slice %arg4[%add3A_214, %dma_wait3A_235] : memref<8192x1024xf32, #tpu.memory_space<hbm>> -> memref<32x1024xf32, #tpu.memory_space<hbm>>
      %dma_wait3A_237 = arith.constant 0 : i32
      %dma_wait3A_238 = arith.constant 0 : i32
      %dma_wait3A_239 = tpu.memref_slice %arg6[%run_scoped3A_215, %dma_wait3A_237, %dma_wait3A_238] : memref<2x32x1024xf32, #tpu.memory_space<vmem>> -> memref<1x32x1024xf32, #tpu.memory_space<vmem>>
      %dma_wait3A_240 = tpu.memref_squeeze %dma_wait3A_239 : memref<1x32x1024xf32, #tpu.memory_space<vmem>> -> memref<32x1024xf32, #tpu.memory_space<vmem>>
      tpu.wait_dma2 semaphore(%run_scoped3A_216 : memref<!tpu.dma_semaphore, #tpu.memory_space<semaphore_mem>>) src(%dma_wait3A_240 : memref<32x1024xf32, #tpu.memory_space<vmem>>) dst(%dma_wait3A_236 : memref<32x1024xf32, #tpu.memory_space<hbm>>)
      tpu.yield
    }) : () -> ()
    return
  }
}

#map = affine_map<(d0, d1) -> (0, 0)>
#map1 = affine_map<(d0, d1) -> (0, 0, 0)>
module attributes {stable_mosaic.version = 14 : i64} {
  func.func @gather_k(%arg0: i32, %arg1: i32, %arg2: memref<1024x1024xf32, #tpu.memory_space<hbm>>, %arg3: memref<32x8x32xi32, #tpu.memory_space<hbm>>, %arg4: memref<8192x1024xf32, #tpu.memory_space<hbm>>, %arg5: memref<8x32xi32, #tpu.memory_space<vmem>>, %arg6: memref<2x32x1024xf32, #tpu.memory_space<vmem>>, %arg7: memref<!tpu.dma_semaphore, #tpu.memory_space<semaphore_mem>>, %arg8: memref<!tpu.dma_semaphore, #tpu.memory_space<semaphore_mem>>) attributes {dimension_semantics = [#tpu.dimension_semantics<core_parallel>, #tpu.dimension_semantics<subcore_parallel>], iteration_bounds = array<i64: 2, 16>, scalar_prefetch = 0 : i64, scratch_operands = 4 : i64, tpu.core_type = #tpu.core_type<sc_vector_subcore>, window_params = [{transform_indices = #map}, {transform_indices = #map1}, {transform_indices = #map}]} {
    %mul3A = arith.constant 2 : i32
    %mul3A_0 = arith.muli %arg1, %mul3A : i32
    %add3A = arith.addi %mul3A_0, %arg0 : i32
    %mul3A_1 = arith.constant 256 : i32
    %mul3A_2 = arith.muli %add3A, %mul3A_1 : i32
    "tpu.region"() ({
      %run_scoped3A_216 = tpu.sem_alloc : memref<!tpu.dma_semaphore, #tpu.memory_space<semaphore_mem>>
      %dma_start3A_217 = arith.constant 0 : i32
      %dma_start3A_218 = arith.constant 0 : i32
      %dma_start3A_219 = tpu.memref_slice %arg3[%add3A, %dma_start3A_217, %dma_start3A_218] : memref<32x8x32xi32, #tpu.memory_space<hbm>> -> memref<1x8x32xi32, #tpu.memory_space<hbm>>
      %dma_start3A_220 = tpu.memref_squeeze %dma_start3A_219 : memref<1x8x32xi32, #tpu.memory_space<hbm>> -> memref<8x32xi32, #tpu.memory_space<hbm>>
      %dma_start3A_221 = arith.constant 0 : i32
      %dma_start3A_222 = arith.constant 0 : i32
      %dma_start3A_223 = tpu.memref_slice %arg3[%add3A, %dma_start3A_221, %dma_start3A_222] : memref<32x8x32xi32, #tpu.memory_space<hbm>> -> memref<1x8x32xi32, #tpu.memory_space<hbm>>
      %dma_start3A_224 = tpu.memref_squeeze %dma_start3A_223 : memref<1x8x32xi32, #tpu.memory_space<hbm>> -> memref<8x32xi32, #tpu.memory_space<hbm>>
      tpu.enqueue_dma source(%dma_start3A_224 : memref<8x32xi32, #tpu.memory_space<hbm>>) target(%arg5 : memref<8x32xi32, #tpu.memory_space<vmem>>) target_semaphore(%run_scoped3A_216 : memref<!tpu.dma_semaphore, #tpu.memory_space<semaphore_mem>>)
      %dma_wait3A_225 = arith.constant 0 : i32
      %dma_wait3A_226 = arith.constant 0 : i32
      %dma_wait3A_227 = tpu.memref_slice %arg3[%add3A, %dma_wait3A_225, %dma_wait3A_226] : memref<32x8x32xi32, #tpu.memory_space<hbm>> -> memref<1x8x32xi32, #tpu.memory_space<hbm>>
      %dma_wait3A_228 = tpu.memref_squeeze %dma_wait3A_227 : memref<1x8x32xi32, #tpu.memory_space<hbm>> -> memref<8x32xi32, #tpu.memory_space<hbm>>
      %dma_wait3A_229 = arith.constant 0 : i32
      %dma_wait3A_230 = arith.constant 0 : i32
      %dma_wait3A_231 = tpu.memref_slice %arg3[%add3A, %dma_wait3A_229, %dma_wait3A_230] : memref<32x8x32xi32, #tpu.memory_space<hbm>> -> memref<1x8x32xi32, #tpu.memory_space<hbm>>
      %dma_wait3A_232 = tpu.memref_squeeze %dma_wait3A_231 : memref<1x8x32xi32, #tpu.memory_space<hbm>> -> memref<8x32xi32, #tpu.memory_space<hbm>>
      tpu.wait_dma2 semaphore(%run_scoped3A_216 : memref<!tpu.dma_semaphore, #tpu.memory_space<semaphore_mem>>) src(%dma_wait3A_232 : memref<8x32xi32, #tpu.memory_space<hbm>>) dst(%arg5 : memref<8x32xi32, #tpu.memory_space<vmem>>)
      tpu.yield
    }) : () -> ()
    %dma_start3A = arith.constant 0 : i32
    %dma_start3A_3 = arith.constant 0 : i32
    %dma_start3A_4 = arith.constant 0 : i32
    %dma_start3A_5 = arith.constant 0 : i32
    %dma_start3A_6 = tpu.memref_slice %arg6[%dma_start3A_3, %dma_start3A_4, %dma_start3A_5] : memref<2x32x1024xf32, #tpu.memory_space<vmem>> -> memref<1x32x1024xf32, #tpu.memory_space<vmem>>
    %dma_start3A_7 = tpu.memref_squeeze %dma_start3A_6 : memref<1x32x1024xf32, #tpu.memory_space<vmem>> -> memref<32x1024xf32, #tpu.memory_space<vmem>>
    %dma_start3A_8 = arith.constant 0 : i32
    %dma_start3A_9 = tpu.memref_slice %arg5[%dma_start3A, %dma_start3A_8] : memref<8x32xi32, #tpu.memory_space<vmem>> -> memref<1x32xi32, #tpu.memory_space<vmem>>
    %dma_start3A_10 = tpu.memref_squeeze %dma_start3A_9 : memref<1x32xi32, #tpu.memory_space<vmem>> -> memref<32xi32, #tpu.memory_space<vmem>>
    %dma_start3A_11 = arith.constant 0 : i32
    %dma_start3A_12 = arith.constant 0 : i32
    %dma_start3A_13 = tpu.memref_slice %arg2[%dma_start3A_11, %dma_start3A_12] : memref<1024x1024xf32, #tpu.memory_space<hbm>> -> memref<1024x1024xf32, #tpu.memory_space<hbm>>
    tpu.enqueue_indirect_dma source(%dma_start3A_13 : memref<1024x1024xf32, #tpu.memory_space<hbm>>) target(%dma_start3A_7 : memref<32x1024xf32, #tpu.memory_space<vmem>>) offsets(%dma_start3A_10 : memref<32xi32, #tpu.memory_space<vmem>>) semaphore(%arg7 : memref<!tpu.dma_semaphore, #tpu.memory_space<semaphore_mem>>)
    %dma_start3A_14 = arith.constant 1 : i32
    %dma_start3A_15 = arith.constant 1 : i32
    %dma_start3A_16 = arith.constant 0 : i32
    %dma_start3A_17 = arith.constant 0 : i32
    %dma_start3A_18 = tpu.memref_slice %arg6[%dma_start3A_15, %dma_start3A_16, %dma_start3A_17] : memref<2x32x1024xf32, #tpu.memory_space<vmem>> -> memref<1x32x1024xf32, #tpu.memory_space<vmem>>
    %dma_start3A_19 = tpu.memref_squeeze %dma_start3A_18 : memref<1x32x1024xf32, #tpu.memory_space<vmem>> -> memref<32x1024xf32, #tpu.memory_space<vmem>>
    %dma_start3A_20 = arith.constant 0 : i32
    %dma_start3A_21 = tpu.memref_slice %arg5[%dma_start3A_14, %dma_start3A_20] : memref<8x32xi32, #tpu.memory_space<vmem>> -> memref<1x32xi32, #tpu.memory_space<vmem>>
    %dma_start3A_22 = tpu.memref_squeeze %dma_start3A_21 : memref<1x32xi32, #tpu.memory_space<vmem>> -> memref<32xi32, #tpu.memory_space<vmem>>
    %dma_start3A_23 = arith.constant 0 : i32
    %dma_start3A_24 = arith.constant 0 : i32
    %dma_start3A_25 = tpu.memref_slice %arg2[%dma_start3A_23, %dma_start3A_24] : memref<1024x1024xf32, #tpu.memory_space<hbm>> -> memref<1024x1024xf32, #tpu.memory_space<hbm>>
    tpu.enqueue_indirect_dma source(%dma_start3A_25 : memref<1024x1024xf32, #tpu.memory_space<hbm>>) target(%dma_start3A_19 : memref<32x1024xf32, #tpu.memory_space<vmem>>) offsets(%dma_start3A_22 : memref<32xi32, #tpu.memory_space<vmem>>) semaphore(%arg8 : memref<!tpu.dma_semaphore, #tpu.memory_space<semaphore_mem>>)
    %dma_wait3A = arith.constant 0 : i32
    %dma_wait3A_26 = arith.constant 0 : i32
    %dma_wait3A_27 = arith.constant 0 : i32
    %dma_wait3A_28 = arith.constant 0 : i32
    %dma_wait3A_29 = tpu.memref_slice %arg6[%dma_wait3A_26, %dma_wait3A_27, %dma_wait3A_28] : memref<2x32x1024xf32, #tpu.memory_space<vmem>> -> memref<1x32x1024xf32, #tpu.memory_space<vmem>>
    %dma_wait3A_30 = tpu.memref_squeeze %dma_wait3A_29 : memref<1x32x1024xf32, #tpu.memory_space<vmem>> -> memref<32x1024xf32, #tpu.memory_space<vmem>>
    %dma_wait3A_31 = arith.constant 0 : i32
    %dma_wait3A_32 = tpu.memref_slice %arg5[%dma_wait3A, %dma_wait3A_31] : memref<8x32xi32, #tpu.memory_space<vmem>> -> memref<1x32xi32, #tpu.memory_space<vmem>>
    %dma_wait3A_33 = tpu.memref_squeeze %dma_wait3A_32 : memref<1x32xi32, #tpu.memory_space<vmem>> -> memref<32xi32, #tpu.memory_space<vmem>>
    %dma_wait3A_34 = arith.constant 0 : i32
    %dma_wait3A_35 = arith.constant 0 : i32
    %dma_wait3A_36 = tpu.memref_slice %arg2[%dma_wait3A_34, %dma_wait3A_35] : memref<1024x1024xf32, #tpu.memory_space<hbm>> -> memref<1024x1024xf32, #tpu.memory_space<hbm>>
    tpu.wait_indirect_dma semaphore(%arg7 : memref<!tpu.dma_semaphore, #tpu.memory_space<semaphore_mem>>) src(%dma_wait3A_36 : memref<1024x1024xf32, #tpu.memory_space<hbm>>) dst(%dma_wait3A_30 : memref<32x1024xf32, #tpu.memory_space<vmem>>)
    %add3A_37 = arith.constant 0 : i32
    %add3A_38 = arith.addi %mul3A_2, %add3A_37 : i32
    %run_scoped3A = arith.constant 0 : i32
    "tpu.region"() ({
      %run_scoped3A_216 = tpu.sem_alloc : memref<!tpu.dma_semaphore, #tpu.memory_space<semaphore_mem>>
      %dma_start3A_217 = arith.constant 0 : i32
      %dma_start3A_218 = arith.constant 0 : i32
      %dma_start3A_219 = tpu.memref_slice %arg6[%run_scoped3A, %dma_start3A_217, %dma_start3A_218] : memref<2x32x1024xf32, #tpu.memory_space<vmem>> -> memref<1x32x1024xf32, #tpu.memory_space<vmem>>
      %dma_start3A_220 = tpu.memref_squeeze %dma_start3A_219 : memref<1x32x1024xf32, #tpu.memory_space<vmem>> -> memref<32x1024xf32, #tpu.memory_space<vmem>>
      %dma_start3A_221 = arith.constant 0 : i32
      %dma_start3A_222 = tpu.memref_slice %arg4[%add3A_38, %dma_start3A_221] : memref<8192x1024xf32, #tpu.memory_space<hbm>> -> memref<32x1024xf32, #tpu.memory_space<hbm>>
      %dma_start3A_223 = arith.constant 0 : i32
      %dma_start3A_224 = tpu.memref_slice %arg4[%add3A_38, %dma_start3A_223] : memref<8192x1024xf32, #tpu.memory_space<hbm>> -> memref<32x1024xf32, #tpu.memory_space<hbm>>
      %dma_start3A_225 = arith.constant 0 : i32
      %dma_start3A_226 = arith.constant 0 : i32
      %dma_start3A_227 = tpu.memref_slice %arg6[%run_scoped3A, %dma_start3A_225, %dma_start3A_226] : memref<2x32x1024xf32, #tpu.memory_space<vmem>> -> memref<1x32x1024xf32, #tpu.memory_space<vmem>>
      %dma_start3A_228 = tpu.memref_squeeze %dma_start3A_227 : memref<1x32x1024xf32, #tpu.memory_space<vmem>> -> memref<32x1024xf32, #tpu.memory_space<vmem>>
      tpu.enqueue_dma source(%dma_start3A_228 : memref<32x1024xf32, #tpu.memory_space<vmem>>) target(%dma_start3A_224 : memref<32x1024xf32, #tpu.memory_space<hbm>>) target_semaphore(%run_scoped3A_216 : memref<!tpu.dma_semaphore, #tpu.memory_space<semaphore_mem>>)
      %dma_wait3A_229 = arith.constant 0 : i32
      %dma_wait3A_230 = arith.constant 0 : i32
      %dma_wait3A_231 = tpu.memref_slice %arg6[%run_scoped3A, %dma_wait3A_229, %dma_wait3A_230] : memref<2x32x1024xf32, #tpu.memory_space<vmem>> -> memref<1x32x1024xf32, #tpu.memory_space<vmem>>
      %dma_wait3A_232 = tpu.memref_squeeze %dma_wait3A_231 : memref<1x32x1024xf32, #tpu.memory_space<vmem>> -> memref<32x1024xf32, #tpu.memory_space<vmem>>
      %dma_wait3A_233 = arith.constant 0 : i32
      %dma_wait3A_234 = tpu.memref_slice %arg4[%add3A_38, %dma_wait3A_233] : memref<8192x1024xf32, #tpu.memory_space<hbm>> -> memref<32x1024xf32, #tpu.memory_space<hbm>>
      %dma_wait3A_235 = arith.constant 0 : i32
      %dma_wait3A_236 = tpu.memref_slice %arg4[%add3A_38, %dma_wait3A_235] : memref<8192x1024xf32, #tpu.memory_space<hbm>> -> memref<32x1024xf32, #tpu.memory_space<hbm>>
      %dma_wait3A_237 = arith.constant 0 : i32
      %dma_wait3A_238 = arith.constant 0 : i32
      %dma_wait3A_239 = tpu.memref_slice %arg6[%run_scoped3A, %dma_wait3A_237, %dma_wait3A_238] : memref<2x32x1024xf32, #tpu.memory_space<vmem>> -> memref<1x32x1024xf32, #tpu.memory_space<vmem>>
      %dma_wait3A_240 = tpu.memref_squeeze %dma_wait3A_239 : memref<1x32x1024xf32, #tpu.memory_space<vmem>> -> memref<32x1024xf32, #tpu.memory_space<vmem>>
      tpu.wait_dma2 semaphore(%run_scoped3A_216 : memref<!tpu.dma_semaphore, #tpu.memory_space<semaphore_mem>>) src(%dma_wait3A_240 : memref<32x1024xf32, #tpu.memory_space<vmem>>) dst(%dma_wait3A_236 : memref<32x1024xf32, #tpu.memory_space<hbm>>)
      tpu.yield
    }) : () -> ()
    %dma_start3A_39 = arith.constant 2 : i32
    %dma_start3A_40 = arith.constant 0 : i32
    %dma_start3A_41 = arith.constant 0 : i32
    %dma_start3A_42 = arith.constant 0 : i32
    %dma_start3A_43 = tpu.memref_slice %arg6[%dma_start3A_40, %dma_start3A_41, %dma_start3A_42] : memref<2x32x1024xf32, #tpu.memory_space<vmem>> -> memref<1x32x1024xf32, #tpu.memory_space<vmem>>
    %dma_start3A_44 = tpu.memref_squeeze %dma_start3A_43 : memref<1x32x1024xf32, #tpu.memory_space<vmem>> -> memref<32x1024xf32, #tpu.memory_space<vmem>>
    %dma_start3A_45 = arith.constant 0 : i32
    %dma_start3A_46 = tpu.memref_slice %arg5[%dma_start3A_39, %dma_start3A_45] : memref<8x32xi32, #tpu.memory_space<vmem>> -> memref<1x32xi32, #tpu.memory_space<vmem>>
    %dma_start3A_47 = tpu.memref_squeeze %dma_start3A_46 : memref<1x32xi32, #tpu.memory_space<vmem>> -> memref<32xi32, #tpu.memory_space<vmem>>
    %dma_start3A_48 = arith.constant 0 : i32
    %dma_start3A_49 = arith.constant 0 : i32
    %dma_start3A_50 = tpu.memref_slice %arg2[%dma_start3A_48, %dma_start3A_49] : memref<1024x1024xf32, #tpu.memory_space<hbm>> -> memref<1024x1024xf32, #tpu.memory_space<hbm>>
    tpu.enqueue_indirect_dma source(%dma_start3A_50 : memref<1024x1024xf32, #tpu.memory_space<hbm>>) target(%dma_start3A_44 : memref<32x1024xf32, #tpu.memory_space<vmem>>) offsets(%dma_start3A_47 : memref<32xi32, #tpu.memory_space<vmem>>) semaphore(%arg7 : memref<!tpu.dma_semaphore, #tpu.memory_space<semaphore_mem>>)
    %dma_wait3A_51 = arith.constant 1 : i32
    %dma_wait3A_52 = arith.constant 1 : i32
    %dma_wait3A_53 = arith.constant 0 : i32
    %dma_wait3A_54 = arith.constant 0 : i32
    %dma_wait3A_55 = tpu.memref_slice %arg6[%dma_wait3A_52, %dma_wait3A_53, %dma_wait3A_54] : memref<2x32x1024xf32, #tpu.memory_space<vmem>> -> memref<1x32x1024xf32, #tpu.memory_space<vmem>>
    %dma_wait3A_56 = tpu.memref_squeeze %dma_wait3A_55 : memref<1x32x1024xf32, #tpu.memory_space<vmem>> -> memref<32x1024xf32, #tpu.memory_space<vmem>>
    %dma_wait3A_57 = arith.constant 0 : i32
    %dma_wait3A_58 = tpu.memref_slice %arg5[%dma_wait3A_51, %dma_wait3A_57] : memref<8x32xi32, #tpu.memory_space<vmem>> -> memref<1x32xi32, #tpu.memory_space<vmem>>
    %dma_wait3A_59 = tpu.memref_squeeze %dma_wait3A_58 : memref<1x32xi32, #tpu.memory_space<vmem>> -> memref<32xi32, #tpu.memory_space<vmem>>
    %dma_wait3A_60 = arith.constant 0 : i32
    %dma_wait3A_61 = arith.constant 0 : i32
    %dma_wait3A_62 = tpu.memref_slice %arg2[%dma_wait3A_60, %dma_wait3A_61] : memref<1024x1024xf32, #tpu.memory_space<hbm>> -> memref<1024x1024xf32, #tpu.memory_space<hbm>>
    tpu.wait_indirect_dma semaphore(%arg8 : memref<!tpu.dma_semaphore, #tpu.memory_space<semaphore_mem>>) src(%dma_wait3A_62 : memref<1024x1024xf32, #tpu.memory_space<hbm>>) dst(%dma_wait3A_56 : memref<32x1024xf32, #tpu.memory_space<vmem>>)
    %add3A_63 = arith.constant 32 : i32
    %add3A_64 = arith.addi %mul3A_2, %add3A_63 : i32
    %run_scoped3A_65 = arith.constant 1 : i32
    "tpu.region"() ({
      %run_scoped3A_216 = tpu.sem_alloc : memref<!tpu.dma_semaphore, #tpu.memory_space<semaphore_mem>>
      %dma_start3A_217 = arith.constant 0 : i32
      %dma_start3A_218 = arith.constant 0 : i32
      %dma_start3A_219 = tpu.memref_slice %arg6[%run_scoped3A_65, %dma_start3A_217, %dma_start3A_218] : memref<2x32x1024xf32, #tpu.memory_space<vmem>> -> memref<1x32x1024xf32, #tpu.memory_space<vmem>>
      %dma_start3A_220 = tpu.memref_squeeze %dma_start3A_219 : memref<1x32x1024xf32, #tpu.memory_space<vmem>> -> memref<32x1024xf32, #tpu.memory_space<vmem>>
      %dma_start3A_221 = arith.constant 0 : i32
      %dma_start3A_222 = tpu.memref_slice %arg4[%add3A_64, %dma_start3A_221] : memref<8192x1024xf32, #tpu.memory_space<hbm>> -> memref<32x1024xf32, #tpu.memory_space<hbm>>
      %dma_start3A_223 = arith.constant 0 : i32
      %dma_start3A_224 = tpu.memref_slice %arg4[%add3A_64, %dma_start3A_223] : memref<8192x1024xf32, #tpu.memory_space<hbm>> -> memref<32x1024xf32, #tpu.memory_space<hbm>>
      %dma_start3A_225 = arith.constant 0 : i32
      %dma_start3A_226 = arith.constant 0 : i32
      %dma_start3A_227 = tpu.memref_slice %arg6[%run_scoped3A_65, %dma_start3A_225, %dma_start3A_226] : memref<2x32x1024xf32, #tpu.memory_space<vmem>> -> memref<1x32x1024xf32, #tpu.memory_space<vmem>>
      %dma_start3A_228 = tpu.memref_squeeze %dma_start3A_227 : memref<1x32x1024xf32, #tpu.memory_space<vmem>> -> memref<32x1024xf32, #tpu.memory_space<vmem>>
      tpu.enqueue_dma source(%dma_start3A_228 : memref<32x1024xf32, #tpu.memory_space<vmem>>) target(%dma_start3A_224 : memref<32x1024xf32, #tpu.memory_space<hbm>>) target_semaphore(%run_scoped3A_216 : memref<!tpu.dma_semaphore, #tpu.memory_space<semaphore_mem>>)
      %dma_wait3A_229 = arith.constant 0 : i32
      %dma_wait3A_230 = arith.constant 0 : i32
      %dma_wait3A_231 = tpu.memref_slice %arg6[%run_scoped3A_65, %dma_wait3A_229, %dma_wait3A_230] : memref<2x32x1024xf32, #tpu.memory_space<vmem>> -> memref<1x32x1024xf32, #tpu.memory_space<vmem>>
      %dma_wait3A_232 = tpu.memref_squeeze %dma_wait3A_231 : memref<1x32x1024xf32, #tpu.memory_space<vmem>> -> memref<32x1024xf32, #tpu.memory_space<vmem>>
      %dma_wait3A_233 = arith.constant 0 : i32
      %dma_wait3A_234 = tpu.memref_slice %arg4[%add3A_64, %dma_wait3A_233] : memref<8192x1024xf32, #tpu.memory_space<hbm>> -> memref<32x1024xf32, #tpu.memory_space<hbm>>
      %dma_wait3A_235 = arith.constant 0 : i32
      %dma_wait3A_236 = tpu.memref_slice %arg4[%add3A_64, %dma_wait3A_235] : memref<8192x1024xf32, #tpu.memory_space<hbm>> -> memref<32x1024xf32, #tpu.memory_space<hbm>>
      %dma_wait3A_237 = arith.constant 0 : i32
      %dma_wait3A_238 = arith.constant 0 : i32
      %dma_wait3A_239 = tpu.memref_slice %arg6[%run_scoped3A_65, %dma_wait3A_237, %dma_wait3A_238] : memref<2x32x1024xf32, #tpu.memory_space<vmem>> -> memref<1x32x1024xf32, #tpu.memory_space<vmem>>
      %dma_wait3A_240 = tpu.memref_squeeze %dma_wait3A_239 : memref<1x32x1024xf32, #tpu.memory_space<vmem>> -> memref<32x1024xf32, #tpu.memory_space<vmem>>
      tpu.wait_dma2 semaphore(%run_scoped3A_216 : memref<!tpu.dma_semaphore, #tpu.memory_space<semaphore_mem>>) src(%dma_wait3A_240 : memref<32x1024xf32, #tpu.memory_space<vmem>>) dst(%dma_wait3A_236 : memref<32x1024xf32, #tpu.memory_space<hbm>>)
      tpu.yield
    }) : () -> ()
    %dma_start3A_66 = arith.constant 3 : i32
    %dma_start3A_67 = arith.constant 1 : i32
    %dma_start3A_68 = arith.constant 0 : i32
    %dma_start3A_69 = arith.constant 0 : i32
    %dma_start3A_70 = tpu.memref_slice %arg6[%dma_start3A_67, %dma_start3A_68, %dma_start3A_69] : memref<2x32x1024xf32, #tpu.memory_space<vmem>> -> memref<1x32x1024xf32, #tpu.memory_space<vmem>>
    %dma_start3A_71 = tpu.memref_squeeze %dma_start3A_70 : memref<1x32x1024xf32, #tpu.memory_space<vmem>> -> memref<32x1024xf32, #tpu.memory_space<vmem>>
    %dma_start3A_72 = arith.constant 0 : i32
    %dma_start3A_73 = tpu.memref_slice %arg5[%dma_start3A_66, %dma_start3A_72] : memref<8x32xi32, #tpu.memory_space<vmem>> -> memref<1x32xi32, #tpu.memory_space<vmem>>
    %dma_start3A_74 = tpu.memref_squeeze %dma_start3A_73 : memref<1x32xi32, #tpu.memory_space<vmem>> -> memref<32xi32, #tpu.memory_space<vmem>>
    %dma_start3A_75 = arith.constant 0 : i32
    %dma_start3A_76 = arith.constant 0 : i32
    %dma_start3A_77 = tpu.memref_slice %arg2[%dma_start3A_75, %dma_start3A_76] : memref<1024x1024xf32, #tpu.memory_space<hbm>> -> memref<1024x1024xf32, #tpu.memory_space<hbm>>
    tpu.enqueue_indirect_dma source(%dma_start3A_77 : memref<1024x1024xf32, #tpu.memory_space<hbm>>) target(%dma_start3A_71 : memref<32x1024xf32, #tpu.memory_space<vmem>>) offsets(%dma_start3A_74 : memref<32xi32, #tpu.memory_space<vmem>>) semaphore(%arg8 : memref<!tpu.dma_semaphore, #tpu.memory_space<semaphore_mem>>)
    %dma_wait3A_78 = arith.constant 2 : i32
    %dma_wait3A_79 = arith.constant 0 : i32
    %dma_wait3A_80 = arith.constant 0 : i32
    %dma_wait3A_81 = arith.constant 0 : i32
    %dma_wait3A_82 = tpu.memref_slice %arg6[%dma_wait3A_79, %dma_wait3A_80, %dma_wait3A_81] : memref<2x32x1024xf32, #tpu.memory_space<vmem>> -> memref<1x32x1024xf32, #tpu.memory_space<vmem>>
    %dma_wait3A_83 = tpu.memref_squeeze %dma_wait3A_82 : memref<1x32x1024xf32, #tpu.memory_space<vmem>> -> memref<32x1024xf32, #tpu.memory_space<vmem>>
    %dma_wait3A_84 = arith.constant 0 : i32
    %dma_wait3A_85 = tpu.memref_slice %arg5[%dma_wait3A_78, %dma_wait3A_84] : memref<8x32xi32, #tpu.memory_space<vmem>> -> memref<1x32xi32, #tpu.memory_space<vmem>>
    %dma_wait3A_86 = tpu.memref_squeeze %dma_wait3A_85 : memref<1x32xi32, #tpu.memory_space<vmem>> -> memref<32xi32, #tpu.memory_space<vmem>>
    %dma_wait3A_87 = arith.constant 0 : i32
    %dma_wait3A_88 = arith.constant 0 : i32
    %dma_wait3A_89 = tpu.memref_slice %arg2[%dma_wait3A_87, %dma_wait3A_88] : memref<1024x1024xf32, #tpu.memory_space<hbm>> -> memref<1024x1024xf32, #tpu.memory_space<hbm>>
    tpu.wait_indirect_dma semaphore(%arg7 : memref<!tpu.dma_semaphore, #tpu.memory_space<semaphore_mem>>) src(%dma_wait3A_89 : memref<1024x1024xf32, #tpu.memory_space<hbm>>) dst(%dma_wait3A_83 : memref<32x1024xf32, #tpu.memory_space<vmem>>)
    %add3A_90 = arith.constant 64 : i32
    %add3A_91 = arith.addi %mul3A_2, %add3A_90 : i32
    %run_scoped3A_92 = arith.constant 0 : i32
    "tpu.region"() ({
      %run_scoped3A_216 = tpu.sem_alloc : memref<!tpu.dma_semaphore, #tpu.memory_space<semaphore_mem>>
      %dma_start3A_217 = arith.constant 0 : i32
      %dma_start3A_218 = arith.constant 0 : i32
      %dma_start3A_219 = tpu.memref_slice %arg6[%run_scoped3A_92, %dma_start3A_217, %dma_start3A_218] : memref<2x32x1024xf32, #tpu.memory_space<vmem>> -> memref<1x32x1024xf32, #tpu.memory_space<vmem>>
      %dma_start3A_220 = tpu.memref_squeeze %dma_start3A_219 : memref<1x32x1024xf32, #tpu.memory_space<vmem>> -> memref<32x1024xf32, #tpu.memory_space<vmem>>
      %dma_start3A_221 = arith.constant 0 : i32
      %dma_start3A_222 = tpu.memref_slice %arg4[%add3A_91, %dma_start3A_221] : memref<8192x1024xf32, #tpu.memory_space<hbm>> -> memref<32x1024xf32, #tpu.memory_space<hbm>>
      %dma_start3A_223 = arith.constant 0 : i32
      %dma_start3A_224 = tpu.memref_slice %arg4[%add3A_91, %dma_start3A_223] : memref<8192x1024xf32, #tpu.memory_space<hbm>> -> memref<32x1024xf32, #tpu.memory_space<hbm>>
      %dma_start3A_225 = arith.constant 0 : i32
      %dma_start3A_226 = arith.constant 0 : i32
      %dma_start3A_227 = tpu.memref_slice %arg6[%run_scoped3A_92, %dma_start3A_225, %dma_start3A_226] : memref<2x32x1024xf32, #tpu.memory_space<vmem>> -> memref<1x32x1024xf32, #tpu.memory_space<vmem>>
      %dma_start3A_228 = tpu.memref_squeeze %dma_start3A_227 : memref<1x32x1024xf32, #tpu.memory_space<vmem>> -> memref<32x1024xf32, #tpu.memory_space<vmem>>
      tpu.enqueue_dma source(%dma_start3A_228 : memref<32x1024xf32, #tpu.memory_space<vmem>>) target(%dma_start3A_224 : memref<32x1024xf32, #tpu.memory_space<hbm>>) target_semaphore(%run_scoped3A_216 : memref<!tpu.dma_semaphore, #tpu.memory_space<semaphore_mem>>)
      %dma_wait3A_229 = arith.constant 0 : i32
      %dma_wait3A_230 = arith.constant 0 : i32
      %dma_wait3A_231 = tpu.memref_slice %arg6[%run_scoped3A_92, %dma_wait3A_229, %dma_wait3A_230] : memref<2x32x1024xf32, #tpu.memory_space<vmem>> -> memref<1x32x1024xf32, #tpu.memory_space<vmem>>
      %dma_wait3A_232 = tpu.memref_squeeze %dma_wait3A_231 : memref<1x32x1024xf32, #tpu.memory_space<vmem>> -> memref<32x1024xf32, #tpu.memory_space<vmem>>
      %dma_wait3A_233 = arith.constant 0 : i32
      %dma_wait3A_234 = tpu.memref_slice %arg4[%add3A_91, %dma_wait3A_233] : memref<8192x1024xf32, #tpu.memory_space<hbm>> -> memref<32x1024xf32, #tpu.memory_space<hbm>>
      %dma_wait3A_235 = arith.constant 0 : i32
      %dma_wait3A_236 = tpu.memref_slice %arg4[%add3A_91, %dma_wait3A_235] : memref<8192x1024xf32, #tpu.memory_space<hbm>> -> memref<32x1024xf32, #tpu.memory_space<hbm>>
      %dma_wait3A_237 = arith.constant 0 : i32
      %dma_wait3A_238 = arith.constant 0 : i32
      %dma_wait3A_239 = tpu.memref_slice %arg6[%run_scoped3A_92, %dma_wait3A_237, %dma_wait3A_238] : memref<2x32x1024xf32, #tpu.memory_space<vmem>> -> memref<1x32x1024xf32, #tpu.memory_space<vmem>>
      %dma_wait3A_240 = tpu.memref_squeeze %dma_wait3A_239 : memref<1x32x1024xf32, #tpu.memory_space<vmem>> -> memref<32x1024xf32, #tpu.memory_space<vmem>>
      tpu.wait_dma2 semaphore(%run_scoped3A_216 : memref<!tpu.dma_semaphore, #tpu.memory_space<semaphore_mem>>) src(%dma_wait3A_240 : memref<32x1024xf32, #tpu.memory_space<vmem>>) dst(%dma_wait3A_236 : memref<32x1024xf32, #tpu.memory_space<hbm>>)
      tpu.yield
    }) : () -> ()
    %dma_start3A_93 = arith.constant 4 : i32
    %dma_start3A_94 = arith.constant 0 : i32
    %dma_start3A_95 = arith.constant 0 : i32
    %dma_start3A_96 = arith.constant 0 : i32
    %dma_start3A_97 = tpu.memref_slice %arg6[%dma_start3A_94, %dma_start3A_95, %dma_start3A_96] : memref<2x32x1024xf32, #tpu.memory_space<vmem>> -> memref<1x32x1024xf32, #tpu.memory_space<vmem>>
    %dma_start3A_98 = tpu.memref_squeeze %dma_start3A_97 : memref<1x32x1024xf32, #tpu.memory_space<vmem>> -> memref<32x1024xf32, #tpu.memory_space<vmem>>
    %dma_start3A_99 = arith.constant 0 : i32
    %dma_start3A_100 = tpu.memref_slice %arg5[%dma_start3A_93, %dma_start3A_99] : memref<8x32xi32, #tpu.memory_space<vmem>> -> memref<1x32xi32, #tpu.memory_space<vmem>>
    %dma_start3A_101 = tpu.memref_squeeze %dma_start3A_100 : memref<1x32xi32, #tpu.memory_space<vmem>> -> memref<32xi32, #tpu.memory_space<vmem>>
    %dma_start3A_102 = arith.constant 0 : i32
    %dma_start3A_103 = arith.constant 0 : i32
    %dma_start3A_104 = tpu.memref_slice %arg2[%dma_start3A_102, %dma_start3A_103] : memref<1024x1024xf32, #tpu.memory_space<hbm>> -> memref<1024x1024xf32, #tpu.memory_space<hbm>>
    tpu.enqueue_indirect_dma source(%dma_start3A_104 : memref<1024x1024xf32, #tpu.memory_space<hbm>>) target(%dma_start3A_98 : memref<32x1024xf32, #tpu.memory_space<vmem>>) offsets(%dma_start3A_101 : memref<32xi32, #tpu.memory_space<vmem>>) semaphore(%arg7 : memref<!tpu.dma_semaphore, #tpu.memory_space<semaphore_mem>>)
    %dma_wait3A_105 = arith.constant 3 : i32
    %dma_wait3A_106 = arith.constant 1 : i32
    %dma_wait3A_107 = arith.constant 0 : i32
    %dma_wait3A_108 = arith.constant 0 : i32
    %dma_wait3A_109 = tpu.memref_slice %arg6[%dma_wait3A_106, %dma_wait3A_107, %dma_wait3A_108] : memref<2x32x1024xf32, #tpu.memory_space<vmem>> -> memref<1x32x1024xf32, #tpu.memory_space<vmem>>
    %dma_wait3A_110 = tpu.memref_squeeze %dma_wait3A_109 : memref<1x32x1024xf32, #tpu.memory_space<vmem>> -> memref<32x1024xf32, #tpu.memory_space<vmem>>
    %dma_wait3A_111 = arith.constant 0 : i32
    %dma_wait3A_112 = tpu.memref_slice %arg5[%dma_wait3A_105, %dma_wait3A_111] : memref<8x32xi32, #tpu.memory_space<vmem>> -> memref<1x32xi32, #tpu.memory_space<vmem>>
    %dma_wait3A_113 = tpu.memref_squeeze %dma_wait3A_112 : memref<1x32xi32, #tpu.memory_space<vmem>> -> memref<32xi32, #tpu.memory_space<vmem>>
    %dma_wait3A_114 = arith.constant 0 : i32
    %dma_wait3A_115 = arith.constant 0 : i32
    %dma_wait3A_116 = tpu.memref_slice %arg2[%dma_wait3A_114, %dma_wait3A_115] : memref<1024x1024xf32, #tpu.memory_space<hbm>> -> memref<1024x1024xf32, #tpu.memory_space<hbm>>
    tpu.wait_indirect_dma semaphore(%arg8 : memref<!tpu.dma_semaphore, #tpu.memory_space<semaphore_mem>>) src(%dma_wait3A_116 : memref<1024x1024xf32, #tpu.memory_space<hbm>>) dst(%dma_wait3A_110 : memref<32x1024xf32, #tpu.memory_space<vmem>>)
    %add3A_117 = arith.constant 96 : i32
    %add3A_118 = arith.addi %mul3A_2, %add3A_117 : i32
    %run_scoped3A_119 = arith.constant 1 : i32
    "tpu.region"() ({
      %run_scoped3A_216 = tpu.sem_alloc : memref<!tpu.dma_semaphore, #tpu.memory_space<semaphore_mem>>
      %dma_start3A_217 = arith.constant 0 : i32
      %dma_start3A_218 = arith.constant 0 : i32
      %dma_start3A_219 = tpu.memref_slice %arg6[%run_scoped3A_119, %dma_start3A_217, %dma_start3A_218] : memref<2x32x1024xf32, #tpu.memory_space<vmem>> -> memref<1x32x1024xf32, #tpu.memory_space<vmem>>
      %dma_start3A_220 = tpu.memref_squeeze %dma_start3A_219 : memref<1x32x1024xf32, #tpu.memory_space<vmem>> -> memref<32x1024xf32, #tpu.memory_space<vmem>>
      %dma_start3A_221 = arith.constant 0 : i32
      %dma_start3A_222 = tpu.memref_slice %arg4[%add3A_118, %dma_start3A_221] : memref<8192x1024xf32, #tpu.memory_space<hbm>> -> memref<32x1024xf32, #tpu.memory_space<hbm>>
      %dma_start3A_223 = arith.constant 0 : i32
      %dma_start3A_224 = tpu.memref_slice %arg4[%add3A_118, %dma_start3A_223] : memref<8192x1024xf32, #tpu.memory_space<hbm>> -> memref<32x1024xf32, #tpu.memory_space<hbm>>
      %dma_start3A_225 = arith.constant 0 : i32
      %dma_start3A_226 = arith.constant 0 : i32
      %dma_start3A_227 = tpu.memref_slice %arg6[%run_scoped3A_119, %dma_start3A_225, %dma_start3A_226] : memref<2x32x1024xf32, #tpu.memory_space<vmem>> -> memref<1x32x1024xf32, #tpu.memory_space<vmem>>
      %dma_start3A_228 = tpu.memref_squeeze %dma_start3A_227 : memref<1x32x1024xf32, #tpu.memory_space<vmem>> -> memref<32x1024xf32, #tpu.memory_space<vmem>>
      tpu.enqueue_dma source(%dma_start3A_228 : memref<32x1024xf32, #tpu.memory_space<vmem>>) target(%dma_start3A_224 : memref<32x1024xf32, #tpu.memory_space<hbm>>) target_semaphore(%run_scoped3A_216 : memref<!tpu.dma_semaphore, #tpu.memory_space<semaphore_mem>>)
      %dma_wait3A_229 = arith.constant 0 : i32
      %dma_wait3A_230 = arith.constant 0 : i32
      %dma_wait3A_231 = tpu.memref_slice %arg6[%run_scoped3A_119, %dma_wait3A_229, %dma_wait3A_230] : memref<2x32x1024xf32, #tpu.memory_space<vmem>> -> memref<1x32x1024xf32, #tpu.memory_space<vmem>>
      %dma_wait3A_232 = tpu.memref_squeeze %dma_wait3A_231 : memref<1x32x1024xf32, #tpu.memory_space<vmem>> -> memref<32x1024xf32, #tpu.memory_space<vmem>>
      %dma_wait3A_233 = arith.constant 0 : i32
      %dma_wait3A_234 = tpu.memref_slice %arg4[%add3A_118, %dma_wait3A_233] : memref<8192x1024xf32, #tpu.memory_space<hbm>> -> memref<32x1024xf32, #tpu.memory_space<hbm>>
      %dma_wait3A_235 = arith.constant 0 : i32
      %dma_wait3A_236 = tpu.memref_slice %arg4[%add3A_118, %dma_wait3A_235] : memref<8192x1024xf32, #tpu.memory_space<hbm>> -> memref<32x1024xf32, #tpu.memory_space<hbm>>
      %dma_wait3A_237 = arith.constant 0 : i32
      %dma_wait3A_238 = arith.constant 0 : i32
      %dma_wait3A_239 = tpu.memref_slice %arg6[%run_scoped3A_119, %dma_wait3A_237, %dma_wait3A_238] : memref<2x32x1024xf32, #tpu.memory_space<vmem>> -> memref<1x32x1024xf32, #tpu.memory_space<vmem>>
      %dma_wait3A_240 = tpu.memref_squeeze %dma_wait3A_239 : memref<1x32x1024xf32, #tpu.memory_space<vmem>> -> memref<32x1024xf32, #tpu.memory_space<vmem>>
      tpu.wait_dma2 semaphore(%run_scoped3A_216 : memref<!tpu.dma_semaphore, #tpu.memory_space<semaphore_mem>>) src(%dma_wait3A_240 : memref<32x1024xf32, #tpu.memory_space<vmem>>) dst(%dma_wait3A_236 : memref<32x1024xf32, #tpu.memory_space<hbm>>)
      tpu.yield
    }) : () -> ()
    %dma_start3A_120 = arith.constant 5 : i32
    %dma_start3A_121 = arith.constant 1 : i32
    %dma_start3A_122 = arith.constant 0 : i32
    %dma_start3A_123 = arith.constant 0 : i32
    %dma_start3A_124 = tpu.memref_slice %arg6[%dma_start3A_121, %dma_start3A_122, %dma_start3A_123] : memref<2x32x1024xf32, #tpu.memory_space<vmem>> -> memref<1x32x1024xf32, #tpu.memory_space<vmem>>
    %dma_start3A_125 = tpu.memref_squeeze %dma_start3A_124 : memref<1x32x1024xf32, #tpu.memory_space<vmem>> -> memref<32x1024xf32, #tpu.memory_space<vmem>>
    %dma_start3A_126 = arith.constant 0 : i32
    %dma_start3A_127 = tpu.memref_slice %arg5[%dma_start3A_120, %dma_start3A_126] : memref<8x32xi32, #tpu.memory_space<vmem>> -> memref<1x32xi32, #tpu.memory_space<vmem>>
    %dma_start3A_128 = tpu.memref_squeeze %dma_start3A_127 : memref<1x32xi32, #tpu.memory_space<vmem>> -> memref<32xi32, #tpu.memory_space<vmem>>
    %dma_start3A_129 = arith.constant 0 : i32
    %dma_start3A_130 = arith.constant 0 : i32
    %dma_start3A_131 = tpu.memref_slice %arg2[%dma_start3A_129, %dma_start3A_130] : memref<1024x1024xf32, #tpu.memory_space<hbm>> -> memref<1024x1024xf32, #tpu.memory_space<hbm>>
    tpu.enqueue_indirect_dma source(%dma_start3A_131 : memref<1024x1024xf32, #tpu.memory_space<hbm>>) target(%dma_start3A_125 : memref<32x1024xf32, #tpu.memory_space<vmem>>) offsets(%dma_start3A_128 : memref<32xi32, #tpu.memory_space<vmem>>) semaphore(%arg8 : memref<!tpu.dma_semaphore, #tpu.memory_space<semaphore_mem>>)
    %dma_wait3A_132 = arith.constant 4 : i32
    %dma_wait3A_133 = arith.constant 0 : i32
    %dma_wait3A_134 = arith.constant 0 : i32
    %dma_wait3A_135 = arith.constant 0 : i32
    %dma_wait3A_136 = tpu.memref_slice %arg6[%dma_wait3A_133, %dma_wait3A_134, %dma_wait3A_135] : memref<2x32x1024xf32, #tpu.memory_space<vmem>> -> memref<1x32x1024xf32, #tpu.memory_space<vmem>>
    %dma_wait3A_137 = tpu.memref_squeeze %dma_wait3A_136 : memref<1x32x1024xf32, #tpu.memory_space<vmem>> -> memref<32x1024xf32, #tpu.memory_space<vmem>>
    %dma_wait3A_138 = arith.constant 0 : i32
    %dma_wait3A_139 = tpu.memref_slice %arg5[%dma_wait3A_132, %dma_wait3A_138] : memref<8x32xi32, #tpu.memory_space<vmem>> -> memref<1x32xi32, #tpu.memory_space<vmem>>
    %dma_wait3A_140 = tpu.memref_squeeze %dma_wait3A_139 : memref<1x32xi32, #tpu.memory_space<vmem>> -> memref<32xi32, #tpu.memory_space<vmem>>
    %dma_wait3A_141 = arith.constant 0 : i32
    %dma_wait3A_142 = arith.constant 0 : i32
    %dma_wait3A_143 = tpu.memref_slice %arg2[%dma_wait3A_141, %dma_wait3A_142] : memref<1024x1024xf32, #tpu.memory_space<hbm>> -> memref<1024x1024xf32, #tpu.memory_space<hbm>>
    tpu.wait_indirect_dma semaphore(%arg7 : memref<!tpu.dma_semaphore, #tpu.memory_space<semaphore_mem>>) src(%dma_wait3A_143 : memref<1024x1024xf32, #tpu.memory_space<hbm>>) dst(%dma_wait3A_137 : memref<32x1024xf32, #tpu.memory_space<vmem>>)
    %add3A_144 = arith.constant 128 : i32
    %add3A_145 = arith.addi %mul3A_2, %add3A_144 : i32
    %run_scoped3A_146 = arith.constant 0 : i32
    "tpu.region"() ({
      %run_scoped3A_216 = tpu.sem_alloc : memref<!tpu.dma_semaphore, #tpu.memory_space<semaphore_mem>>
      %dma_start3A_217 = arith.constant 0 : i32
      %dma_start3A_218 = arith.constant 0 : i32
      %dma_start3A_219 = tpu.memref_slice %arg6[%run_scoped3A_146, %dma_start3A_217, %dma_start3A_218] : memref<2x32x1024xf32, #tpu.memory_space<vmem>> -> memref<1x32x1024xf32, #tpu.memory_space<vmem>>
      %dma_start3A_220 = tpu.memref_squeeze %dma_start3A_219 : memref<1x32x1024xf32, #tpu.memory_space<vmem>> -> memref<32x1024xf32, #tpu.memory_space<vmem>>
      %dma_start3A_221 = arith.constant 0 : i32
      %dma_start3A_222 = tpu.memref_slice %arg4[%add3A_145, %dma_start3A_221] : memref<8192x1024xf32, #tpu.memory_space<hbm>> -> memref<32x1024xf32, #tpu.memory_space<hbm>>
      %dma_start3A_223 = arith.constant 0 : i32
      %dma_start3A_224 = tpu.memref_slice %arg4[%add3A_145, %dma_start3A_223] : memref<8192x1024xf32, #tpu.memory_space<hbm>> -> memref<32x1024xf32, #tpu.memory_space<hbm>>
      %dma_start3A_225 = arith.constant 0 : i32
      %dma_start3A_226 = arith.constant 0 : i32
      %dma_start3A_227 = tpu.memref_slice %arg6[%run_scoped3A_146, %dma_start3A_225, %dma_start3A_226] : memref<2x32x1024xf32, #tpu.memory_space<vmem>> -> memref<1x32x1024xf32, #tpu.memory_space<vmem>>
      %dma_start3A_228 = tpu.memref_squeeze %dma_start3A_227 : memref<1x32x1024xf32, #tpu.memory_space<vmem>> -> memref<32x1024xf32, #tpu.memory_space<vmem>>
      tpu.enqueue_dma source(%dma_start3A_228 : memref<32x1024xf32, #tpu.memory_space<vmem>>) target(%dma_start3A_224 : memref<32x1024xf32, #tpu.memory_space<hbm>>) target_semaphore(%run_scoped3A_216 : memref<!tpu.dma_semaphore, #tpu.memory_space<semaphore_mem>>)
      %dma_wait3A_229 = arith.constant 0 : i32
      %dma_wait3A_230 = arith.constant 0 : i32
      %dma_wait3A_231 = tpu.memref_slice %arg6[%run_scoped3A_146, %dma_wait3A_229, %dma_wait3A_230] : memref<2x32x1024xf32, #tpu.memory_space<vmem>> -> memref<1x32x1024xf32, #tpu.memory_space<vmem>>
      %dma_wait3A_232 = tpu.memref_squeeze %dma_wait3A_231 : memref<1x32x1024xf32, #tpu.memory_space<vmem>> -> memref<32x1024xf32, #tpu.memory_space<vmem>>
      %dma_wait3A_233 = arith.constant 0 : i32
      %dma_wait3A_234 = tpu.memref_slice %arg4[%add3A_145, %dma_wait3A_233] : memref<8192x1024xf32, #tpu.memory_space<hbm>> -> memref<32x1024xf32, #tpu.memory_space<hbm>>
      %dma_wait3A_235 = arith.constant 0 : i32
      %dma_wait3A_236 = tpu.memref_slice %arg4[%add3A_145, %dma_wait3A_235] : memref<8192x1024xf32, #tpu.memory_space<hbm>> -> memref<32x1024xf32, #tpu.memory_space<hbm>>
      %dma_wait3A_237 = arith.constant 0 : i32
      %dma_wait3A_238 = arith.constant 0 : i32
      %dma_wait3A_239 = tpu.memref_slice %arg6[%run_scoped3A_146, %dma_wait3A_237, %dma_wait3A_238] : memref<2x32x1024xf32, #tpu.memory_space<vmem>> -> memref<1x32x1024xf32, #tpu.memory_space<vmem>>
      %dma_wait3A_240 = tpu.memref_squeeze %dma_wait3A_239 : memref<1x32x1024xf32, #tpu.memory_space<vmem>> -> memref<32x1024xf32, #tpu.memory_space<vmem>>
      tpu.wait_dma2 semaphore(%run_scoped3A_216 : memref<!tpu.dma_semaphore, #tpu.memory_space<semaphore_mem>>) src(%dma_wait3A_240 : memref<32x1024xf32, #tpu.memory_space<vmem>>) dst(%dma_wait3A_236 : memref<32x1024xf32, #tpu.memory_space<hbm>>)
      tpu.yield
    }) : () -> ()
    %dma_start3A_147 = arith.constant 6 : i32
    %dma_start3A_148 = arith.constant 0 : i32
    %dma_start3A_149 = arith.constant 0 : i32
    %dma_start3A_150 = arith.constant 0 : i32
    %dma_start3A_151 = tpu.memref_slice %arg6[%dma_start3A_148, %dma_start3A_149, %dma_start3A_150] : memref<2x32x1024xf32, #tpu.memory_space<vmem>> -> memref<1x32x1024xf32, #tpu.memory_space<vmem>>
    %dma_start3A_152 = tpu.memref_squeeze %dma_start3A_151 : memref<1x32x1024xf32, #tpu.memory_space<vmem>> -> memref<32x1024xf32, #tpu.memory_space<vmem>>
    %dma_start3A_153 = arith.constant 0 : i32
    %dma_start3A_154 = tpu.memref_slice %arg5[%dma_start3A_147, %dma_start3A_153] : memref<8x32xi32, #tpu.memory_space<vmem>> -> memref<1x32xi32, #tpu.memory_space<vmem>>
    %dma_start3A_155 = tpu.memref_squeeze %dma_start3A_154 : memref<1x32xi32, #tpu.memory_space<vmem>> -> memref<32xi32, #tpu.memory_space<vmem>>
    %dma_start3A_156 = arith.constant 0 : i32
    %dma_start3A_157 = arith.constant 0 : i32
    %dma_start3A_158 = tpu.memref_slice %arg2[%dma_start3A_156, %dma_start3A_157] : memref<1024x1024xf32, #tpu.memory_space<hbm>> -> memref<1024x1024xf32, #tpu.memory_space<hbm>>
    tpu.enqueue_indirect_dma source(%dma_start3A_158 : memref<1024x1024xf32, #tpu.memory_space<hbm>>) target(%dma_start3A_152 : memref<32x1024xf32, #tpu.memory_space<vmem>>) offsets(%dma_start3A_155 : memref<32xi32, #tpu.memory_space<vmem>>) semaphore(%arg7 : memref<!tpu.dma_semaphore, #tpu.memory_space<semaphore_mem>>)
    %dma_wait3A_159 = arith.constant 5 : i32
    %dma_wait3A_160 = arith.constant 1 : i32
    %dma_wait3A_161 = arith.constant 0 : i32
    %dma_wait3A_162 = arith.constant 0 : i32
    %dma_wait3A_163 = tpu.memref_slice %arg6[%dma_wait3A_160, %dma_wait3A_161, %dma_wait3A_162] : memref<2x32x1024xf32, #tpu.memory_space<vmem>> -> memref<1x32x1024xf32, #tpu.memory_space<vmem>>
    %dma_wait3A_164 = tpu.memref_squeeze %dma_wait3A_163 : memref<1x32x1024xf32, #tpu.memory_space<vmem>> -> memref<32x1024xf32, #tpu.memory_space<vmem>>
    %dma_wait3A_165 = arith.constant 0 : i32
    %dma_wait3A_166 = tpu.memref_slice %arg5[%dma_wait3A_159, %dma_wait3A_165] : memref<8x32xi32, #tpu.memory_space<vmem>> -> memref<1x32xi32, #tpu.memory_space<vmem>>
    %dma_wait3A_167 = tpu.memref_squeeze %dma_wait3A_166 : memref<1x32xi32, #tpu.memory_space<vmem>> -> memref<32xi32, #tpu.memory_space<vmem>>
    %dma_wait3A_168 = arith.constant 0 : i32
    %dma_wait3A_169 = arith.constant 0 : i32
    %dma_wait3A_170 = tpu.memref_slice %arg2[%dma_wait3A_168, %dma_wait3A_169] : memref<1024x1024xf32, #tpu.memory_space<hbm>> -> memref<1024x1024xf32, #tpu.memory_space<hbm>>
    tpu.wait_indirect_dma semaphore(%arg8 : memref<!tpu.dma_semaphore, #tpu.memory_space<semaphore_mem>>) src(%dma_wait3A_170 : memref<1024x1024xf32, #tpu.memory_space<hbm>>) dst(%dma_wait3A_164 : memref<32x1024xf32, #tpu.memory_space<vmem>>)
    %add3A_171 = arith.constant 160 : i32
    %add3A_172 = arith.addi %mul3A_2, %add3A_171 : i32
    %run_scoped3A_173 = arith.constant 1 : i32
    "tpu.region"() ({
      %run_scoped3A_216 = tpu.sem_alloc : memref<!tpu.dma_semaphore, #tpu.memory_space<semaphore_mem>>
      %dma_start3A_217 = arith.constant 0 : i32
      %dma_start3A_218 = arith.constant 0 : i32
      %dma_start3A_219 = tpu.memref_slice %arg6[%run_scoped3A_173, %dma_start3A_217, %dma_start3A_218] : memref<2x32x1024xf32, #tpu.memory_space<vmem>> -> memref<1x32x1024xf32, #tpu.memory_space<vmem>>
      %dma_start3A_220 = tpu.memref_squeeze %dma_start3A_219 : memref<1x32x1024xf32, #tpu.memory_space<vmem>> -> memref<32x1024xf32, #tpu.memory_space<vmem>>
      %dma_start3A_221 = arith.constant 0 : i32
      %dma_start3A_222 = tpu.memref_slice %arg4[%add3A_172, %dma_start3A_221] : memref<8192x1024xf32, #tpu.memory_space<hbm>> -> memref<32x1024xf32, #tpu.memory_space<hbm>>
      %dma_start3A_223 = arith.constant 0 : i32
      %dma_start3A_224 = tpu.memref_slice %arg4[%add3A_172, %dma_start3A_223] : memref<8192x1024xf32, #tpu.memory_space<hbm>> -> memref<32x1024xf32, #tpu.memory_space<hbm>>
      %dma_start3A_225 = arith.constant 0 : i32
      %dma_start3A_226 = arith.constant 0 : i32
      %dma_start3A_227 = tpu.memref_slice %arg6[%run_scoped3A_173, %dma_start3A_225, %dma_start3A_226] : memref<2x32x1024xf32, #tpu.memory_space<vmem>> -> memref<1x32x1024xf32, #tpu.memory_space<vmem>>
      %dma_start3A_228 = tpu.memref_squeeze %dma_start3A_227 : memref<1x32x1024xf32, #tpu.memory_space<vmem>> -> memref<32x1024xf32, #tpu.memory_space<vmem>>
      tpu.enqueue_dma source(%dma_start3A_228 : memref<32x1024xf32, #tpu.memory_space<vmem>>) target(%dma_start3A_224 : memref<32x1024xf32, #tpu.memory_space<hbm>>) target_semaphore(%run_scoped3A_216 : memref<!tpu.dma_semaphore, #tpu.memory_space<semaphore_mem>>)
      %dma_wait3A_229 = arith.constant 0 : i32
      %dma_wait3A_230 = arith.constant 0 : i32
      %dma_wait3A_231 = tpu.memref_slice %arg6[%run_scoped3A_173, %dma_wait3A_229, %dma_wait3A_230] : memref<2x32x1024xf32, #tpu.memory_space<vmem>> -> memref<1x32x1024xf32, #tpu.memory_space<vmem>>
      %dma_wait3A_232 = tpu.memref_squeeze %dma_wait3A_231 : memref<1x32x1024xf32, #tpu.memory_space<vmem>> -> memref<32x1024xf32, #tpu.memory_space<vmem>>
      %dma_wait3A_233 = arith.constant 0 : i32
      %dma_wait3A_234 = tpu.memref_slice %arg4[%add3A_172, %dma_wait3A_233] : memref<8192x1024xf32, #tpu.memory_space<hbm>> -> memref<32x1024xf32, #tpu.memory_space<hbm>>
      %dma_wait3A_235 = arith.constant 0 : i32
      %dma_wait3A_236 = tpu.memref_slice %arg4[%add3A_172, %dma_wait3A_235] : memref<8192x1024xf32, #tpu.memory_space<hbm>> -> memref<32x1024xf32, #tpu.memory_space<hbm>>
      %dma_wait3A_237 = arith.constant 0 : i32
      %dma_wait3A_238 = arith.constant 0 : i32
      %dma_wait3A_239 = tpu.memref_slice %arg6[%run_scoped3A_173, %dma_wait3A_237, %dma_wait3A_238] : memref<2x32x1024xf32, #tpu.memory_space<vmem>> -> memref<1x32x1024xf32, #tpu.memory_space<vmem>>
      %dma_wait3A_240 = tpu.memref_squeeze %dma_wait3A_239 : memref<1x32x1024xf32, #tpu.memory_space<vmem>> -> memref<32x1024xf32, #tpu.memory_space<vmem>>
      tpu.wait_dma2 semaphore(%run_scoped3A_216 : memref<!tpu.dma_semaphore, #tpu.memory_space<semaphore_mem>>) src(%dma_wait3A_240 : memref<32x1024xf32, #tpu.memory_space<vmem>>) dst(%dma_wait3A_236 : memref<32x1024xf32, #tpu.memory_space<hbm>>)
      tpu.yield
    }) : () -> ()
    %dma_start3A_174 = arith.constant 7 : i32
    %dma_start3A_175 = arith.constant 1 : i32
    %dma_start3A_176 = arith.constant 0 : i32
    %dma_start3A_177 = arith.constant 0 : i32
    %dma_start3A_178 = tpu.memref_slice %arg6[%dma_start3A_175, %dma_start3A_176, %dma_start3A_177] : memref<2x32x1024xf32, #tpu.memory_space<vmem>> -> memref<1x32x1024xf32, #tpu.memory_space<vmem>>
    %dma_start3A_179 = tpu.memref_squeeze %dma_start3A_178 : memref<1x32x1024xf32, #tpu.memory_space<vmem>> -> memref<32x1024xf32, #tpu.memory_space<vmem>>
    %dma_start3A_180 = arith.constant 0 : i32
    %dma_start3A_181 = tpu.memref_slice %arg5[%dma_start3A_174, %dma_start3A_180] : memref<8x32xi32, #tpu.memory_space<vmem>> -> memref<1x32xi32, #tpu.memory_space<vmem>>
    %dma_start3A_182 = tpu.memref_squeeze %dma_start3A_181 : memref<1x32xi32, #tpu.memory_space<vmem>> -> memref<32xi32, #tpu.memory_space<vmem>>
    %dma_start3A_183 = arith.constant 0 : i32
    %dma_start3A_184 = arith.constant 0 : i32
    %dma_start3A_185 = tpu.memref_slice %arg2[%dma_start3A_183, %dma_start3A_184] : memref<1024x1024xf32, #tpu.memory_space<hbm>> -> memref<1024x1024xf32, #tpu.memory_space<hbm>>
    tpu.enqueue_indirect_dma source(%dma_start3A_185 : memref<1024x1024xf32, #tpu.memory_space<hbm>>) target(%dma_start3A_179 : memref<32x1024xf32, #tpu.memory_space<vmem>>) offsets(%dma_start3A_182 : memref<32xi32, #tpu.memory_space<vmem>>) semaphore(%arg8 : memref<!tpu.dma_semaphore, #tpu.memory_space<semaphore_mem>>)
    %dma_wait3A_186 = arith.constant 6 : i32
    %dma_wait3A_187 = arith.constant 0 : i32
    %dma_wait3A_188 = arith.constant 0 : i32
    %dma_wait3A_189 = arith.constant 0 : i32
    %dma_wait3A_190 = tpu.memref_slice %arg6[%dma_wait3A_187, %dma_wait3A_188, %dma_wait3A_189] : memref<2x32x1024xf32, #tpu.memory_space<vmem>> -> memref<1x32x1024xf32, #tpu.memory_space<vmem>>
    %dma_wait3A_191 = tpu.memref_squeeze %dma_wait3A_190 : memref<1x32x1024xf32, #tpu.memory_space<vmem>> -> memref<32x1024xf32, #tpu.memory_space<vmem>>
    %dma_wait3A_192 = arith.constant 0 : i32
    %dma_wait3A_193 = tpu.memref_slice %arg5[%dma_wait3A_186, %dma_wait3A_192] : memref<8x32xi32, #tpu.memory_space<vmem>> -> memref<1x32xi32, #tpu.memory_space<vmem>>
    %dma_wait3A_194 = tpu.memref_squeeze %dma_wait3A_193 : memref<1x32xi32, #tpu.memory_space<vmem>> -> memref<32xi32, #tpu.memory_space<vmem>>
    %dma_wait3A_195 = arith.constant 0 : i32
    %dma_wait3A_196 = arith.constant 0 : i32
    %dma_wait3A_197 = tpu.memref_slice %arg2[%dma_wait3A_195, %dma_wait3A_196] : memref<1024x1024xf32, #tpu.memory_space<hbm>> -> memref<1024x1024xf32, #tpu.memory_space<hbm>>
    tpu.wait_indirect_dma semaphore(%arg7 : memref<!tpu.dma_semaphore, #tpu.memory_space<semaphore_mem>>) src(%dma_wait3A_197 : memref<1024x1024xf32, #tpu.memory_space<hbm>>) dst(%dma_wait3A_191 : memref<32x1024xf32, #tpu.memory_space<vmem>>)
    %add3A_198 = arith.constant 192 : i32
    %add3A_199 = arith.addi %mul3A_2, %add3A_198 : i32
    %run_scoped3A_200 = arith.constant 0 : i32
    "tpu.region"() ({
      %run_scoped3A_216 = tpu.sem_alloc : memref<!tpu.dma_semaphore, #tpu.memory_space<semaphore_mem>>
      %dma_start3A_217 = arith.constant 0 : i32
      %dma_start3A_218 = arith.constant 0 : i32
      %dma_start3A_219 = tpu.memref_slice %arg6[%run_scoped3A_200, %dma_start3A_217, %dma_start3A_218] : memref<2x32x1024xf32, #tpu.memory_space<vmem>> -> memref<1x32x1024xf32, #tpu.memory_space<vmem>>
      %dma_start3A_220 = tpu.memref_squeeze %dma_start3A_219 : memref<1x32x1024xf32, #tpu.memory_space<vmem>> -> memref<32x1024xf32, #tpu.memory_space<vmem>>
      %dma_start3A_221 = arith.constant 0 : i32
      %dma_start3A_222 = tpu.memref_slice %arg4[%add3A_199, %dma_start3A_221] : memref<8192x1024xf32, #tpu.memory_space<hbm>> -> memref<32x1024xf32, #tpu.memory_space<hbm>>
      %dma_start3A_223 = arith.constant 0 : i32
      %dma_start3A_224 = tpu.memref_slice %arg4[%add3A_199, %dma_start3A_223] : memref<8192x1024xf32, #tpu.memory_space<hbm>> -> memref<32x1024xf32, #tpu.memory_space<hbm>>
      %dma_start3A_225 = arith.constant 0 : i32
      %dma_start3A_226 = arith.constant 0 : i32
      %dma_start3A_227 = tpu.memref_slice %arg6[%run_scoped3A_200, %dma_start3A_225, %dma_start3A_226] : memref<2x32x1024xf32, #tpu.memory_space<vmem>> -> memref<1x32x1024xf32, #tpu.memory_space<vmem>>
      %dma_start3A_228 = tpu.memref_squeeze %dma_start3A_227 : memref<1x32x1024xf32, #tpu.memory_space<vmem>> -> memref<32x1024xf32, #tpu.memory_space<vmem>>
      tpu.enqueue_dma source(%dma_start3A_228 : memref<32x1024xf32, #tpu.memory_space<vmem>>) target(%dma_start3A_224 : memref<32x1024xf32, #tpu.memory_space<hbm>>) target_semaphore(%run_scoped3A_216 : memref<!tpu.dma_semaphore, #tpu.memory_space<semaphore_mem>>)
      %dma_wait3A_229 = arith.constant 0 : i32
      %dma_wait3A_230 = arith.constant 0 : i32
      %dma_wait3A_231 = tpu.memref_slice %arg6[%run_scoped3A_200, %dma_wait3A_229, %dma_wait3A_230] : memref<2x32x1024xf32, #tpu.memory_space<vmem>> -> memref<1x32x1024xf32, #tpu.memory_space<vmem>>
      %dma_wait3A_232 = tpu.memref_squeeze %dma_wait3A_231 : memref<1x32x1024xf32, #tpu.memory_space<vmem>> -> memref<32x1024xf32, #tpu.memory_space<vmem>>
      %dma_wait3A_233 = arith.constant 0 : i32
      %dma_wait3A_234 = tpu.memref_slice %arg4[%add3A_199, %dma_wait3A_233] : memref<8192x1024xf32, #tpu.memory_space<hbm>> -> memref<32x1024xf32, #tpu.memory_space<hbm>>
      %dma_wait3A_235 = arith.constant 0 : i32
      %dma_wait3A_236 = tpu.memref_slice %arg4[%add3A_199, %dma_wait3A_235] : memref<8192x1024xf32, #tpu.memory_space<hbm>> -> memref<32x1024xf32, #tpu.memory_space<hbm>>
      %dma_wait3A_237 = arith.constant 0 : i32
      %dma_wait3A_238 = arith.constant 0 : i32
      %dma_wait3A_239 = tpu.memref_slice %arg6[%run_scoped3A_200, %dma_wait3A_237, %dma_wait3A_238] : memref<2x32x1024xf32, #tpu.memory_space<vmem>> -> memref<1x32x1024xf32, #tpu.memory_space<vmem>>
      %dma_wait3A_240 = tpu.memref_squeeze %dma_wait3A_239 : memref<1x32x1024xf32, #tpu.memory_space<vmem>> -> memref<32x1024xf32, #tpu.memory_space<vmem>>
      tpu.wait_dma2 semaphore(%run_scoped3A_216 : memref<!tpu.dma_semaphore, #tpu.memory_space<semaphore_mem>>) src(%dma_wait3A_240 : memref<32x1024xf32, #tpu.memory_space<vmem>>) dst(%dma_wait3A_236 : memref<32x1024xf32, #tpu.memory_space<hbm>>)
      tpu.yield
    }) : () -> ()
    %dma_wait3A_201 = arith.constant 7 : i32
    %dma_wait3A_202 = arith.constant 1 : i32
    %dma_wait3A_203 = arith.constant 0 : i32
    %dma_wait3A_204 = arith.constant 0 : i32
    %dma_wait3A_205 = tpu.memref_slice %arg6[%dma_wait3A_202, %dma_wait3A_203, %dma_wait3A_204] : memref<2x32x1024xf32, #tpu.memory_space<vmem>> -> memref<1x32x1024xf32, #tpu.memory_space<vmem>>
    %dma_wait3A_206 = tpu.memref_squeeze %dma_wait3A_205 : memref<1x32x1024xf32, #tpu.memory_space<vmem>> -> memref<32x1024xf32, #tpu.memory_space<vmem>>
    %dma_wait3A_207 = arith.constant 0 : i32
    %dma_wait3A_208 = tpu.memref_slice %arg5[%dma_wait3A_201, %dma_wait3A_207] : memref<8x32xi32, #tpu.memory_space<vmem>> -> memref<1x32xi32, #tpu.memory_space<vmem>>
    %dma_wait3A_209 = tpu.memref_squeeze %dma_wait3A_208 : memref<1x32xi32, #tpu.memory_space<vmem>> -> memref<32xi32, #tpu.memory_space<vmem>>
    %dma_wait3A_210 = arith.constant 0 : i32
    %dma_wait3A_211 = arith.constant 0 : i32
    %dma_wait3A_212 = tpu.memref_slice %arg2[%dma_wait3A_210, %dma_wait3A_211] : memref<1024x1024xf32, #tpu.memory_space<hbm>> -> memref<1024x1024xf32, #tpu.memory_space<hbm>>
    tpu.wait_indirect_dma semaphore(%arg8 : memref<!tpu.dma_semaphore, #tpu.memory_space<semaphore_mem>>) src(%dma_wait3A_212 : memref<1024x1024xf32, #tpu.memory_space<hbm>>) dst(%dma_wait3A_206 : memref<32x1024xf32, #tpu.memory_space<vmem>>)
    %add3A_213 = arith.constant 224 : i32
    %add3A_214 = arith.addi %mul3A_2, %add3A_213 : i32
    %run_scoped3A_215 = arith.constant 1 : i32
    "tpu.region"() ({
      %run_scoped3A_216 = tpu.sem_alloc : memref<!tpu.dma_semaphore, #tpu.memory_space<semaphore_mem>>
      %dma_start3A_217 = arith.constant 0 : i32
      %dma_start3A_218 = arith.constant 0 : i32
      %dma_start3A_219 = tpu.memref_slice %arg6[%run_scoped3A_215, %dma_start3A_217, %dma_start3A_218] : memref<2x32x1024xf32, #tpu.memory_space<vmem>> -> memref<1x32x1024xf32, #tpu.memory_space<vmem>>
      %dma_start3A_220 = tpu.memref_squeeze %dma_start3A_219 : memref<1x32x1024xf32, #tpu.memory_space<vmem>> -> memref<32x1024xf32, #tpu.memory_space<vmem>>
      %dma_start3A_221 = arith.constant 0 : i32
      %dma_start3A_222 = tpu.memref_slice %arg4[%add3A_214, %dma_start3A_221] : memref<8192x1024xf32, #tpu.memory_space<hbm>> -> memref<32x1024xf32, #tpu.memory_space<hbm>>
      %dma_start3A_223 = arith.constant 0 : i32
      %dma_start3A_224 = tpu.memref_slice %arg4[%add3A_214, %dma_start3A_223] : memref<8192x1024xf32, #tpu.memory_space<hbm>> -> memref<32x1024xf32, #tpu.memory_space<hbm>>
      %dma_start3A_225 = arith.constant 0 : i32
      %dma_start3A_226 = arith.constant 0 : i32
      %dma_start3A_227 = tpu.memref_slice %arg6[%run_scoped3A_215, %dma_start3A_225, %dma_start3A_226] : memref<2x32x1024xf32, #tpu.memory_space<vmem>> -> memref<1x32x1024xf32, #tpu.memory_space<vmem>>
      %dma_start3A_228 = tpu.memref_squeeze %dma_start3A_227 : memref<1x32x1024xf32, #tpu.memory_space<vmem>> -> memref<32x1024xf32, #tpu.memory_space<vmem>>
      tpu.enqueue_dma source(%dma_start3A_228 : memref<32x1024xf32, #tpu.memory_space<vmem>>) target(%dma_start3A_224 : memref<32x1024xf32, #tpu.memory_space<hbm>>) target_semaphore(%run_scoped3A_216 : memref<!tpu.dma_semaphore, #tpu.memory_space<semaphore_mem>>)
      %dma_wait3A_229 = arith.constant 0 : i32
      %dma_wait3A_230 = arith.constant 0 : i32
      %dma_wait3A_231 = tpu.memref_slice %arg6[%run_scoped3A_215, %dma_wait3A_229, %dma_wait3A_230] : memref<2x32x1024xf32, #tpu.memory_space<vmem>> -> memref<1x32x1024xf32, #tpu.memory_space<vmem>>
      %dma_wait3A_232 = tpu.memref_squeeze %dma_wait3A_231 : memref<1x32x1024xf32, #tpu.memory_space<vmem>> -> memref<32x1024xf32, #tpu.memory_space<vmem>>
      %dma_wait3A_233 = arith.constant 0 : i32
      %dma_wait3A_234 = tpu.memref_slice %arg4[%add3A_214, %dma_wait3A_233] : memref<8192x1024xf32, #tpu.memory_space<hbm>> -> memref<32x1024xf32, #tpu.memory_space<hbm>>
      %dma_wait3A_235 = arith.constant 0 : i32
      %dma_wait3A_236 = tpu.memref_slice %arg4[%add3A_214, %dma_wait3A_235] : memref<8192x1024xf32, #tpu.memory_space<hbm>> -> memref<32x1024xf32, #tpu.memory_space<hbm>>
      %dma_wait3A_237 = arith.constant 0 : i32
      %dma_wait3A_238 = arith.constant 0 : i32
      %dma_wait3A_239 = tpu.memref_slice %arg6[%run_scoped3A_215, %dma_wait3A_237, %dma_wait3A_238] : memref<2x32x1024xf32, #tpu.memory_space<vmem>> -> memref<1x32x1024xf32, #tpu.memory_space<vmem>>
      %dma_wait3A_240 = tpu.memref_squeeze %dma_wait3A_239 : memref<1x32x1024xf32, #tpu.memory_space<vmem>> -> memref<32x1024xf32, #tpu.memory_space<vmem>>
      tpu.wait_dma2 semaphore(%run_scoped3A_216 : memref<!tpu.dma_semaphore, #tpu.memory_space<semaphore_mem>>) src(%dma_wait3A_240 : memref<32x1024xf32, #tpu.memory_space<vmem>>) dst(%dma_wait3A_236 : memref<32x1024xf32, #tpu.memory_space<hbm>>)
      tpu.yield
    }) : () -> ()
    return
  }
}

module attributes {stable_mosaic.version = 14 : i64} {
  func.func @_argmax_body(%arg0: i32, %arg1: memref<2048x1024xf32, #tpu.memory_space<vmem>>, %arg2: memref<2048x1xi32, #tpu.memory_space<vmem>>) attributes {dimension_semantics = [#tpu.dimension_semantics<arbitrary>], iteration_bounds = array<i64: 4>, scalar_prefetch = 0 : i64, scratch_operands = 0 : i64, tpu.core_type = #tpu.core_type<tc>, window_params = [{transform_indices = @transform_0, window_bounds = array<i64: 2048, 1024>}, {transform_indices = @transform_1, window_bounds = array<i64: 2048, 1>}]} {
    %get3A = arith.constant 0 : index
    %get3A_0 = arith.constant 0 : index
    %get3A_1 = vector.load %arg1[%get3A, %get3A_0] : memref<2048x1024xf32, #tpu.memory_space<vmem>>, vector<2048x1024xf32>
    %reduce_max3A = arith.constant dense<0xFF800000> : vector<2048xf32>
    %reduce_max3A_2 = vector.multi_reduction <maximumf>, %get3A_1, %reduce_max3A [1] : vector<2048x1024xf32> to vector<2048xf32>
    %broadcast_in_dim3A = vector.shape_cast %reduce_max3A_2 : vector<2048xf32> to vector<2048x1xf32>
    %iota3A = tpu.iota {dimensions = array<i32: 1>} : vector<2048x1024xi32>
    %eq3A = vector.broadcast %broadcast_in_dim3A : vector<2048x1xf32> to vector<2048x1024xf32>
    %eq3A_3 = arith.cmpf oeq, %get3A_1, %eq3A : vector<2048x1024xf32>
    %jit3A = arith.constant 1073741824 : i32
    %broadcast_in_dim3A_4 = vector.broadcast %jit3A : i32 to vector<2048x1024xi32>
    %select_n3A = arith.select %eq3A_3, %iota3A, %broadcast_in_dim3A_4 : vector<2048x1024xi1>, vector<2048x1024xi32>
    %reduce_min3A = arith.constant dense<2147483647> : vector<2048xi32>
    %reduce_min3A_5 = vector.multi_reduction <minsi>, %select_n3A, %reduce_min3A [1] : vector<2048x1024xi32> to vector<2048xi32>
    %broadcast_in_dim3A_6 = vector.shape_cast %reduce_min3A_5 : vector<2048xi32> to vector<2048x1xi32>
    %swap3A = arith.constant 0 : index
    %swap3A_7 = arith.constant 0 : index
    %swap3A_8 = vector.load %arg2[%swap3A, %swap3A_7] : memref<2048x1xi32, #tpu.memory_space<vmem>>, vector<2048x1xi32>
    tpu.vector_store %arg2[%swap3A, %swap3A_7], %broadcast_in_dim3A_6 {strides = array<i32>} : memref<2048x1xi32, #tpu.memory_space<vmem>>, vector<2048x1xi32>,
    return
  }
  func.func @transform_0(%arg0: i32) -> (i32, i32) {
    %add3A = arith.constant 0 : i32
    %add3A_0 = arith.addi %arg0, %add3A : i32
    %c0_i32 = arith.constant 0 : i32
    %c0_i32_1 = arith.constant 0 : i32
    return %add3A_0, %c0_i32 : i32, i32
  }
  func.func @transform_1(%arg0: i32) -> (i32, i32) {
    %c0_i32 = arith.constant 0 : i32
    %c0_i32_0 = arith.constant 0 : i32
    return %arg0, %c0_i32 : i32, i32
  }
}

module attributes {stable_mosaic.version = 14 : i64} {
  func.func @_argmax_body(%arg0: i32, %arg1: memref<2048x1024xf32, #tpu.memory_space<vmem>>, %arg2: memref<2048x1xi32, #tpu.memory_space<vmem>>) attributes {dimension_semantics = [#tpu.dimension_semantics<arbitrary>], iteration_bounds = array<i64: 4>, scalar_prefetch = 0 : i64, scratch_operands = 0 : i64, tpu.core_type = #tpu.core_type<tc>, window_params = [{transform_indices = @transform_0, window_bounds = array<i64: 2048, 1024>}, {transform_indices = @transform_1, window_bounds = array<i64: 2048, 1>}]} {
    %get3A = arith.constant 0 : index
    %get3A_0 = arith.constant 0 : index
    %get3A_1 = vector.load %arg1[%get3A, %get3A_0] : memref<2048x1024xf32, #tpu.memory_space<vmem>>, vector<2048x1024xf32>
    %reduce_max3A = arith.constant dense<0xFF800000> : vector<2048xf32>
    %reduce_max3A_2 = vector.multi_reduction <maximumf>, %get3A_1, %reduce_max3A [1] : vector<2048x1024xf32> to vector<2048xf32>
    %broadcast_in_dim3A = vector.shape_cast %reduce_max3A_2 : vector<2048xf32> to vector<2048x1xf32>
    %iota3A = tpu.iota {dimensions = array<i32: 1>} : vector<2048x1024xi32>
    %eq3A = vector.broadcast %broadcast_in_dim3A : vector<2048x1xf32> to vector<2048x1024xf32>
    %eq3A_3 = arith.cmpf oeq, %get3A_1, %eq3A : vector<2048x1024xf32>
    %jit3A = arith.constant 1073741824 : i32
    %broadcast_in_dim3A_4 = vector.broadcast %jit3A : i32 to vector<2048x1024xi32>
    %select_n3A = arith.select %eq3A_3, %iota3A, %broadcast_in_dim3A_4 : vector<2048x1024xi1>, vector<2048x1024xi32>
    %reduce_min3A = arith.constant dense<2147483647> : vector<2048xi32>
    %reduce_min3A_5 = vector.multi_reduction <minsi>, %select_n3A, %reduce_min3A [1] : vector<2048x1024xi32> to vector<2048xi32>
    %broadcast_in_dim3A_6 = vector.shape_cast %reduce_min3A_5 : vector<2048xi32> to vector<2048x1xi32>
    %swap3A = arith.constant 0 : index
    %swap3A_7 = arith.constant 0 : index
    %swap3A_8 = vector.load %arg2[%swap3A, %swap3A_7] : memref<2048x1xi32, #tpu.memory_space<vmem>>, vector<2048x1xi32>
    tpu.vector_store %arg2[%swap3A, %swap3A_7], %broadcast_in_dim3A_6 {strides = array<i32>} : memref<2048x1xi32, #tpu.memory_space<vmem>>, vector<2048x1xi32>,
    return
  }
  func.func @transform_0(%arg0: i32) -> (i32, i32) {
    %add3A = arith.constant 4 : i32
    %add3A_0 = arith.addi %arg0, %add3A : i32
    %c0_i32 = arith.constant 0 : i32
    %c0_i32_1 = arith.constant 0 : i32
    return %add3A_0, %c0_i32 : i32, i32
  }
  func.func @transform_1(%arg0: i32) -> (i32, i32) {
    %c0_i32 = arith.constant 0 : i32
    %c0_i32_0 = arith.constant 0 : i32
    return %arg0, %c0_i32 : i32, i32
  }
}

module attributes {stable_mosaic.version = 14 : i64} {
  func.func @_tr_body(%arg0: i32, %arg1: memref<8x128x1024xf32, #tpu.memory_space<vmem>>, %arg2: memref<900x8x128xf32, #tpu.memory_space<vmem>>) attributes {dimension_semantics = [#tpu.dimension_semantics<arbitrary>], iteration_bounds = array<i64: 8>, scalar_prefetch = 0 : i64, scratch_operands = 0 : i64, tpu.core_type = #tpu.core_type<tc>, window_params = [{transform_indices = @transform_0, window_bounds = array<i64: 8, 128, 1024>}, {transform_indices = @transform_1, window_bounds = array<i64: 900, 8, 128>}]} {
    %get3A = arith.constant 0 : index
    %get3A_0 = arith.constant 0 : index
    %get3A_1 = arith.constant 0 : index
    %get3A_2 = vector.load %arg1[%get3A, %get3A_0, %get3A_1] : memref<8x128x1024xf32, #tpu.memory_space<vmem>>, vector<1x128x900xf32>
    %get3A_3 = vector.shape_cast %get3A_2 : vector<1x128x900xf32> to vector<128x900xf32>
    %transpose3A = tpu.transpose %get3A_3, [1, 0] : vector<128x900xf32> -> vector<900x128xf32>
    %swap3A = arith.constant 0 : index
    %swap3A_4 = arith.constant 0 : index
    %swap3A_5 = arith.constant 0 : index
    %swap3A_6 = vector.load %arg2[%swap3A, %swap3A_4, %swap3A_5] : memref<900x8x128xf32, #tpu.memory_space<vmem>>, vector<900x1x128xf32>
    %swap3A_7 = vector.shape_cast %swap3A_6 : vector<900x1x128xf32> to vector<900x128xf32>
    %swap3A_8 = vector.shape_cast %transpose3A : vector<900x128xf32> to vector<900x1x128xf32>
    tpu.vector_store %arg2[%swap3A, %swap3A_4, %swap3A_5], %swap3A_8 {strides = array<i32>} : memref<900x8x128xf32, #tpu.memory_space<vmem>>, vector<900x1x128xf32>,
    %get3A_9 = arith.constant 1 : index
    %get3A_10 = arith.constant 0 : index
    %get3A_11 = arith.constant 0 : index
    %get3A_12 = vector.load %arg1[%get3A_9, %get3A_10, %get3A_11] : memref<8x128x1024xf32, #tpu.memory_space<vmem>>, vector<1x128x900xf32>
    %get3A_13 = vector.shape_cast %get3A_12 : vector<1x128x900xf32> to vector<128x900xf32>
    %transpose3A_14 = tpu.transpose %get3A_13, [1, 0] : vector<128x900xf32> -> vector<900x128xf32>
    %swap3A_15 = arith.constant 0 : index
    %swap3A_16 = arith.constant 1 : index
    %swap3A_17 = arith.constant 0 : index
    %swap3A_18 = vector.load %arg2[%swap3A_15, %swap3A_16, %swap3A_17] : memref<900x8x128xf32, #tpu.memory_space<vmem>>, vector<900x1x128xf32>
    %swap3A_19 = vector.shape_cast %swap3A_18 : vector<900x1x128xf32> to vector<900x128xf32>
    %swap3A_20 = vector.shape_cast %transpose3A_14 : vector<900x128xf32> to vector<900x1x128xf32>
    tpu.vector_store %arg2[%swap3A_15, %swap3A_16, %swap3A_17], %swap3A_20 {strides = array<i32>} : memref<900x8x128xf32, #tpu.memory_space<vmem>>, vector<900x1x128xf32>,
    %get3A_21 = arith.constant 2 : index
    %get3A_22 = arith.constant 0 : index
    %get3A_23 = arith.constant 0 : index
    %get3A_24 = vector.load %arg1[%get3A_21, %get3A_22, %get3A_23] : memref<8x128x1024xf32, #tpu.memory_space<vmem>>, vector<1x128x900xf32>
    %get3A_25 = vector.shape_cast %get3A_24 : vector<1x128x900xf32> to vector<128x900xf32>
    %transpose3A_26 = tpu.transpose %get3A_25, [1, 0] : vector<128x900xf32> -> vector<900x128xf32>
    %swap3A_27 = arith.constant 0 : index
    %swap3A_28 = arith.constant 2 : index
    %swap3A_29 = arith.constant 0 : index
    %swap3A_30 = vector.load %arg2[%swap3A_27, %swap3A_28, %swap3A_29] : memref<900x8x128xf32, #tpu.memory_space<vmem>>, vector<900x1x128xf32>
    %swap3A_31 = vector.shape_cast %swap3A_30 : vector<900x1x128xf32> to vector<900x128xf32>
    %swap3A_32 = vector.shape_cast %transpose3A_26 : vector<900x128xf32> to vector<900x1x128xf32>
    tpu.vector_store %arg2[%swap3A_27, %swap3A_28, %swap3A_29], %swap3A_32 {strides = array<i32>} : memref<900x8x128xf32, #tpu.memory_space<vmem>>, vector<900x1x128xf32>,
    %get3A_33 = arith.constant 3 : index
    %get3A_34 = arith.constant 0 : index
    %get3A_35 = arith.constant 0 : index
    %get3A_36 = vector.load %arg1[%get3A_33, %get3A_34, %get3A_35] : memref<8x128x1024xf32, #tpu.memory_space<vmem>>, vector<1x128x900xf32>
    %get3A_37 = vector.shape_cast %get3A_36 : vector<1x128x900xf32> to vector<128x900xf32>
    %transpose3A_38 = tpu.transpose %get3A_37, [1, 0] : vector<128x900xf32> -> vector<900x128xf32>
    %swap3A_39 = arith.constant 0 : index
    %swap3A_40 = arith.constant 3 : index
    %swap3A_41 = arith.constant 0 : index
    %swap3A_42 = vector.load %arg2[%swap3A_39, %swap3A_40, %swap3A_41] : memref<900x8x128xf32, #tpu.memory_space<vmem>>, vector<900x1x128xf32>
    %swap3A_43 = vector.shape_cast %swap3A_42 : vector<900x1x128xf32> to vector<900x128xf32>
    %swap3A_44 = vector.shape_cast %transpose3A_38 : vector<900x128xf32> to vector<900x1x128xf32>
    tpu.vector_store %arg2[%swap3A_39, %swap3A_40, %swap3A_41], %swap3A_44 {strides = array<i32>} : memref<900x8x128xf32, #tpu.memory_space<vmem>>, vector<900x1x128xf32>,
    %get3A_45 = arith.constant 4 : index
    %get3A_46 = arith.constant 0 : index
    %get3A_47 = arith.constant 0 : index
    %get3A_48 = vector.load %arg1[%get3A_45, %get3A_46, %get3A_47] : memref<8x128x1024xf32, #tpu.memory_space<vmem>>, vector<1x128x900xf32>
    %get3A_49 = vector.shape_cast %get3A_48 : vector<1x128x900xf32> to vector<128x900xf32>
    %transpose3A_50 = tpu.transpose %get3A_49, [1, 0] : vector<128x900xf32> -> vector<900x128xf32>
    %swap3A_51 = arith.constant 0 : index
    %swap3A_52 = arith.constant 4 : index
    %swap3A_53 = arith.constant 0 : index
    %swap3A_54 = vector.load %arg2[%swap3A_51, %swap3A_52, %swap3A_53] : memref<900x8x128xf32, #tpu.memory_space<vmem>>, vector<900x1x128xf32>
    %swap3A_55 = vector.shape_cast %swap3A_54 : vector<900x1x128xf32> to vector<900x128xf32>
    %swap3A_56 = vector.shape_cast %transpose3A_50 : vector<900x128xf32> to vector<900x1x128xf32>
    tpu.vector_store %arg2[%swap3A_51, %swap3A_52, %swap3A_53], %swap3A_56 {strides = array<i32>} : memref<900x8x128xf32, #tpu.memory_space<vmem>>, vector<900x1x128xf32>,
    %get3A_57 = arith.constant 5 : index
    %get3A_58 = arith.constant 0 : index
    %get3A_59 = arith.constant 0 : index
    %get3A_60 = vector.load %arg1[%get3A_57, %get3A_58, %get3A_59] : memref<8x128x1024xf32, #tpu.memory_space<vmem>>, vector<1x128x900xf32>
    %get3A_61 = vector.shape_cast %get3A_60 : vector<1x128x900xf32> to vector<128x900xf32>
    %transpose3A_62 = tpu.transpose %get3A_61, [1, 0] : vector<128x900xf32> -> vector<900x128xf32>
    %swap3A_63 = arith.constant 0 : index
    %swap3A_64 = arith.constant 5 : index
    %swap3A_65 = arith.constant 0 : index
    %swap3A_66 = vector.load %arg2[%swap3A_63, %swap3A_64, %swap3A_65] : memref<900x8x128xf32, #tpu.memory_space<vmem>>, vector<900x1x128xf32>
    %swap3A_67 = vector.shape_cast %swap3A_66 : vector<900x1x128xf32> to vector<900x128xf32>
    %swap3A_68 = vector.shape_cast %transpose3A_62 : vector<900x128xf32> to vector<900x1x128xf32>
    tpu.vector_store %arg2[%swap3A_63, %swap3A_64, %swap3A_65], %swap3A_68 {strides = array<i32>} : memref<900x8x128xf32, #tpu.memory_space<vmem>>, vector<900x1x128xf32>,
    %get3A_69 = arith.constant 6 : index
    %get3A_70 = arith.constant 0 : index
    %get3A_71 = arith.constant 0 : index
    %get3A_72 = vector.load %arg1[%get3A_69, %get3A_70, %get3A_71] : memref<8x128x1024xf32, #tpu.memory_space<vmem>>, vector<1x128x900xf32>
    %get3A_73 = vector.shape_cast %get3A_72 : vector<1x128x900xf32> to vector<128x900xf32>
    %transpose3A_74 = tpu.transpose %get3A_73, [1, 0] : vector<128x900xf32> -> vector<900x128xf32>
    %swap3A_75 = arith.constant 0 : index
    %swap3A_76 = arith.constant 6 : index
    %swap3A_77 = arith.constant 0 : index
    %swap3A_78 = vector.load %arg2[%swap3A_75, %swap3A_76, %swap3A_77] : memref<900x8x128xf32, #tpu.memory_space<vmem>>, vector<900x1x128xf32>
    %swap3A_79 = vector.shape_cast %swap3A_78 : vector<900x1x128xf32> to vector<900x128xf32>
    %swap3A_80 = vector.shape_cast %transpose3A_74 : vector<900x128xf32> to vector<900x1x128xf32>
    tpu.vector_store %arg2[%swap3A_75, %swap3A_76, %swap3A_77], %swap3A_80 {strides = array<i32>} : memref<900x8x128xf32, #tpu.memory_space<vmem>>, vector<900x1x128xf32>,
    %get3A_81 = arith.constant 7 : index
    %get3A_82 = arith.constant 0 : index
    %get3A_83 = arith.constant 0 : index
    %get3A_84 = vector.load %arg1[%get3A_81, %get3A_82, %get3A_83] : memref<8x128x1024xf32, #tpu.memory_space<vmem>>, vector<1x128x900xf32>
    %get3A_85 = vector.shape_cast %get3A_84 : vector<1x128x900xf32> to vector<128x900xf32>
    %transpose3A_86 = tpu.transpose %get3A_85, [1, 0] : vector<128x900xf32> -> vector<900x128xf32>
    %swap3A_87 = arith.constant 0 : index
    %swap3A_88 = arith.constant 7 : index
    %swap3A_89 = arith.constant 0 : index
    %swap3A_90 = vector.load %arg2[%swap3A_87, %swap3A_88, %swap3A_89] : memref<900x8x128xf32, #tpu.memory_space<vmem>>, vector<900x1x128xf32>
    %swap3A_91 = vector.shape_cast %swap3A_90 : vector<900x1x128xf32> to vector<900x128xf32>
    %swap3A_92 = vector.shape_cast %transpose3A_86 : vector<900x128xf32> to vector<900x1x128xf32>
    tpu.vector_store %arg2[%swap3A_87, %swap3A_88, %swap3A_89], %swap3A_92 {strides = array<i32>} : memref<900x8x128xf32, #tpu.memory_space<vmem>>, vector<900x1x128xf32>,
    return
  }
  func.func @transform_0(%arg0: i32) -> (i32, i32, i32) {
    %c0_i32 = arith.constant 0 : i32
    %c0_i32_0 = arith.constant 0 : i32
    %c0_i32_1 = arith.constant 0 : i32
    return %c0_i32, %arg0, %c0_i32_0 : i32, i32, i32
  }
  func.func @transform_1(%arg0: i32) -> (i32, i32, i32) {
    %c0_i32 = arith.constant 0 : i32
    %c0_i32_0 = arith.constant 0 : i32
    %c0_i32_1 = arith.constant 0 : i32
    return %c0_i32, %c0_i32_0, %arg0 : i32, i32, i32
  }
}

module attributes {stable_mosaic.version = 14 : i64} {
  func.func @_tr_body_acc(%arg0: i32, %arg1: memref<8x128x1024xf32, #tpu.memory_space<vmem>>, %arg2: memref<900x16x1024xf32, #tpu.memory_space<hbm>>, %arg3: memref<900x8x128xf32, #tpu.memory_space<vmem>>) attributes {dimension_semantics = [#tpu.dimension_semantics<arbitrary>], iteration_bounds = array<i64: 8>, scalar_prefetch = 0 : i64, scratch_operands = 0 : i64, tpu.core_type = #tpu.core_type<tc>, window_params = [{transform_indices = @transform_0, window_bounds = array<i64: 8, 128, 1024>}, {}, {transform_indices = @transform_2, window_bounds = array<i64: 900, 8, 128>}]} {
    %get3A = arith.constant 0 : index
    %get3A_0 = arith.constant 0 : index
    %get3A_1 = arith.constant 0 : index
    %get3A_2 = vector.load %arg1[%get3A, %get3A_0, %get3A_1] : memref<8x128x1024xf32, #tpu.memory_space<vmem>>, vector<1x128x900xf32>
    %get3A_3 = vector.shape_cast %get3A_2 : vector<1x128x900xf32> to vector<128x900xf32>
    %transpose3A = tpu.transpose %get3A_3, [1, 0] : vector<128x900xf32> -> vector<900x128xf32>
    %swap3A = arith.constant 0 : index
    %swap3A_4 = arith.constant 0 : index
    %swap3A_5 = arith.constant 0 : index
    %swap3A_6 = vector.load %arg3[%swap3A, %swap3A_4, %swap3A_5] : memref<900x8x128xf32, #tpu.memory_space<vmem>>, vector<900x1x128xf32>
    %swap3A_7 = vector.shape_cast %swap3A_6 : vector<900x1x128xf32> to vector<900x128xf32>
    %swap3A_8 = vector.shape_cast %transpose3A : vector<900x128xf32> to vector<900x1x128xf32>
    tpu.vector_store %arg3[%swap3A, %swap3A_4, %swap3A_5], %swap3A_8 {strides = array<i32>} : memref<900x8x128xf32, #tpu.memory_space<vmem>>, vector<900x1x128xf32>,
    %get3A_9 = arith.constant 1 : index
    %get3A_10 = arith.constant 0 : index
    %get3A_11 = arith.constant 0 : index
    %get3A_12 = vector.load %arg1[%get3A_9, %get3A_10, %get3A_11] : memref<8x128x1024xf32, #tpu.memory_space<vmem>>, vector<1x128x900xf32>
    %get3A_13 = vector.shape_cast %get3A_12 : vector<1x128x900xf32> to vector<128x900xf32>
    %transpose3A_14 = tpu.transpose %get3A_13, [1, 0] : vector<128x900xf32> -> vector<900x128xf32>
    %swap3A_15 = arith.constant 0 : index
    %swap3A_16 = arith.constant 1 : index
    %swap3A_17 = arith.constant 0 : index
    %swap3A_18 = vector.load %arg3[%swap3A_15, %swap3A_16, %swap3A_17] : memref<900x8x128xf32, #tpu.memory_space<vmem>>, vector<900x1x128xf32>
    %swap3A_19 = vector.shape_cast %swap3A_18 : vector<900x1x128xf32> to vector<900x128xf32>
    %swap3A_20 = vector.shape_cast %transpose3A_14 : vector<900x128xf32> to vector<900x1x128xf32>
    tpu.vector_store %arg3[%swap3A_15, %swap3A_16, %swap3A_17], %swap3A_20 {strides = array<i32>} : memref<900x8x128xf32, #tpu.memory_space<vmem>>, vector<900x1x128xf32>,
    %get3A_21 = arith.constant 2 : index
    %get3A_22 = arith.constant 0 : index
    %get3A_23 = arith.constant 0 : index
    %get3A_24 = vector.load %arg1[%get3A_21, %get3A_22, %get3A_23] : memref<8x128x1024xf32, #tpu.memory_space<vmem>>, vector<1x128x900xf32>
    %get3A_25 = vector.shape_cast %get3A_24 : vector<1x128x900xf32> to vector<128x900xf32>
    %transpose3A_26 = tpu.transpose %get3A_25, [1, 0] : vector<128x900xf32> -> vector<900x128xf32>
    %swap3A_27 = arith.constant 0 : index
    %swap3A_28 = arith.constant 2 : index
    %swap3A_29 = arith.constant 0 : index
    %swap3A_30 = vector.load %arg3[%swap3A_27, %swap3A_28, %swap3A_29] : memref<900x8x128xf32, #tpu.memory_space<vmem>>, vector<900x1x128xf32>
    %swap3A_31 = vector.shape_cast %swap3A_30 : vector<900x1x128xf32> to vector<900x128xf32>
    %swap3A_32 = vector.shape_cast %transpose3A_26 : vector<900x128xf32> to vector<900x1x128xf32>
    tpu.vector_store %arg3[%swap3A_27, %swap3A_28, %swap3A_29], %swap3A_32 {strides = array<i32>} : memref<900x8x128xf32, #tpu.memory_space<vmem>>, vector<900x1x128xf32>,
    %get3A_33 = arith.constant 3 : index
    %get3A_34 = arith.constant 0 : index
    %get3A_35 = arith.constant 0 : index
    %get3A_36 = vector.load %arg1[%get3A_33, %get3A_34, %get3A_35] : memref<8x128x1024xf32, #tpu.memory_space<vmem>>, vector<1x128x900xf32>
    %get3A_37 = vector.shape_cast %get3A_36 : vector<1x128x900xf32> to vector<128x900xf32>
    %transpose3A_38 = tpu.transpose %get3A_37, [1, 0] : vector<128x900xf32> -> vector<900x128xf32>
    %swap3A_39 = arith.constant 0 : index
    %swap3A_40 = arith.constant 3 : index
    %swap3A_41 = arith.constant 0 : index
    %swap3A_42 = vector.load %arg3[%swap3A_39, %swap3A_40, %swap3A_41] : memref<900x8x128xf32, #tpu.memory_space<vmem>>, vector<900x1x128xf32>
    %swap3A_43 = vector.shape_cast %swap3A_42 : vector<900x1x128xf32> to vector<900x128xf32>
    %swap3A_44 = vector.shape_cast %transpose3A_38 : vector<900x128xf32> to vector<900x1x128xf32>
    tpu.vector_store %arg3[%swap3A_39, %swap3A_40, %swap3A_41], %swap3A_44 {strides = array<i32>} : memref<900x8x128xf32, #tpu.memory_space<vmem>>, vector<900x1x128xf32>,
    %get3A_45 = arith.constant 4 : index
    %get3A_46 = arith.constant 0 : index
    %get3A_47 = arith.constant 0 : index
    %get3A_48 = vector.load %arg1[%get3A_45, %get3A_46, %get3A_47] : memref<8x128x1024xf32, #tpu.memory_space<vmem>>, vector<1x128x900xf32>
    %get3A_49 = vector.shape_cast %get3A_48 : vector<1x128x900xf32> to vector<128x900xf32>
    %transpose3A_50 = tpu.transpose %get3A_49, [1, 0] : vector<128x900xf32> -> vector<900x128xf32>
    %swap3A_51 = arith.constant 0 : index
    %swap3A_52 = arith.constant 4 : index
    %swap3A_53 = arith.constant 0 : index
    %swap3A_54 = vector.load %arg3[%swap3A_51, %swap3A_52, %swap3A_53] : memref<900x8x128xf32, #tpu.memory_space<vmem>>, vector<900x1x128xf32>
    %swap3A_55 = vector.shape_cast %swap3A_54 : vector<900x1x128xf32> to vector<900x128xf32>
    %swap3A_56 = vector.shape_cast %transpose3A_50 : vector<900x128xf32> to vector<900x1x128xf32>
    tpu.vector_store %arg3[%swap3A_51, %swap3A_52, %swap3A_53], %swap3A_56 {strides = array<i32>} : memref<900x8x128xf32, #tpu.memory_space<vmem>>, vector<900x1x128xf32>,
    %get3A_57 = arith.constant 5 : index
    %get3A_58 = arith.constant 0 : index
    %get3A_59 = arith.constant 0 : index
    %get3A_60 = vector.load %arg1[%get3A_57, %get3A_58, %get3A_59] : memref<8x128x1024xf32, #tpu.memory_space<vmem>>, vector<1x128x900xf32>
    %get3A_61 = vector.shape_cast %get3A_60 : vector<1x128x900xf32> to vector<128x900xf32>
    %transpose3A_62 = tpu.transpose %get3A_61, [1, 0] : vector<128x900xf32> -> vector<900x128xf32>
    %swap3A_63 = arith.constant 0 : index
    %swap3A_64 = arith.constant 5 : index
    %swap3A_65 = arith.constant 0 : index
    %swap3A_66 = vector.load %arg3[%swap3A_63, %swap3A_64, %swap3A_65] : memref<900x8x128xf32, #tpu.memory_space<vmem>>, vector<900x1x128xf32>
    %swap3A_67 = vector.shape_cast %swap3A_66 : vector<900x1x128xf32> to vector<900x128xf32>
    %swap3A_68 = vector.shape_cast %transpose3A_62 : vector<900x128xf32> to vector<900x1x128xf32>
    tpu.vector_store %arg3[%swap3A_63, %swap3A_64, %swap3A_65], %swap3A_68 {strides = array<i32>} : memref<900x8x128xf32, #tpu.memory_space<vmem>>, vector<900x1x128xf32>,
    %get3A_69 = arith.constant 6 : index
    %get3A_70 = arith.constant 0 : index
    %get3A_71 = arith.constant 0 : index
    %get3A_72 = vector.load %arg1[%get3A_69, %get3A_70, %get3A_71] : memref<8x128x1024xf32, #tpu.memory_space<vmem>>, vector<1x128x900xf32>
    %get3A_73 = vector.shape_cast %get3A_72 : vector<1x128x900xf32> to vector<128x900xf32>
    %transpose3A_74 = tpu.transpose %get3A_73, [1, 0] : vector<128x900xf32> -> vector<900x128xf32>
    %swap3A_75 = arith.constant 0 : index
    %swap3A_76 = arith.constant 6 : index
    %swap3A_77 = arith.constant 0 : index
    %swap3A_78 = vector.load %arg3[%swap3A_75, %swap3A_76, %swap3A_77] : memref<900x8x128xf32, #tpu.memory_space<vmem>>, vector<900x1x128xf32>
    %swap3A_79 = vector.shape_cast %swap3A_78 : vector<900x1x128xf32> to vector<900x128xf32>
    %swap3A_80 = vector.shape_cast %transpose3A_74 : vector<900x128xf32> to vector<900x1x128xf32>
    tpu.vector_store %arg3[%swap3A_75, %swap3A_76, %swap3A_77], %swap3A_80 {strides = array<i32>} : memref<900x8x128xf32, #tpu.memory_space<vmem>>, vector<900x1x128xf32>,
    %get3A_81 = arith.constant 7 : index
    %get3A_82 = arith.constant 0 : index
    %get3A_83 = arith.constant 0 : index
    %get3A_84 = vector.load %arg1[%get3A_81, %get3A_82, %get3A_83] : memref<8x128x1024xf32, #tpu.memory_space<vmem>>, vector<1x128x900xf32>
    %get3A_85 = vector.shape_cast %get3A_84 : vector<1x128x900xf32> to vector<128x900xf32>
    %transpose3A_86 = tpu.transpose %get3A_85, [1, 0] : vector<128x900xf32> -> vector<900x128xf32>
    %swap3A_87 = arith.constant 0 : index
    %swap3A_88 = arith.constant 7 : index
    %swap3A_89 = arith.constant 0 : index
    %swap3A_90 = vector.load %arg3[%swap3A_87, %swap3A_88, %swap3A_89] : memref<900x8x128xf32, #tpu.memory_space<vmem>>, vector<900x1x128xf32>
    %swap3A_91 = vector.shape_cast %swap3A_90 : vector<900x1x128xf32> to vector<900x128xf32>
    %swap3A_92 = vector.shape_cast %transpose3A_86 : vector<900x128xf32> to vector<900x1x128xf32>
    tpu.vector_store %arg3[%swap3A_87, %swap3A_88, %swap3A_89], %swap3A_92 {strides = array<i32>} : memref<900x8x128xf32, #tpu.memory_space<vmem>>, vector<900x1x128xf32>,
    return
  }
  func.func @transform_0(%arg0: i32) -> (i32, i32, i32) {
    %c0_i32 = arith.constant 0 : i32
    %c0_i32_0 = arith.constant 0 : i32
    %c0_i32_1 = arith.constant 0 : i32
    return %c0_i32, %arg0, %c0_i32_0 : i32, i32, i32
  }
  func.func @transform_2(%arg0: i32) -> (i32, i32, i32) {
    %c0_i32 = arith.constant 0 : i32
    %c1_i32 = arith.constant 1 : i32
    %c0_i32_0 = arith.constant 0 : i32
    return %c0_i32, %c1_i32, %arg0 : i32, i32, i32
  }
}

</mosaic_0001>

<sc_bundles>
// kernel: kernel.11.cloned.1.call-start
scs
__scs_entry_jumppad:
0x0: {  	(pc) =	sbr.rel $0x88, $3  }
0x1: {  	(tag) =	ssettag $0x0;
	lr =	simm.s32 $0x1  }
0x2: {  	[smem:$0x3F9F] =	sst lr;
	_ =	strace $0xD0000000  }
0x3: {  	_ = 	snop  }
0x4: {  	_ = 	snop  }
0x5: {  	_ = 	snop  }
0x6: {  	_ = 	snop  }
0x7: {  	_ = 	snop  }
__scs_overlays_trampoline_lowered:
0x8: {  	[smem:$0x3FAE] =	sst s0  }
0x9: {  	[smem:$0x3FAF] =	sst s1  }
0xa: {  	[smem:$0x3FB0] =	sst s2  }
0xb: {  	[smem:$0x3FB1] =	sst s3  }
0xc: {  	[smem:$0x3FB2] =	sst s4  }
0xd: {  	[smem:$0x3FB3] =	sst s5  }
0xe: {  	[smem:$0x3FB4] =	sst s6  }
0xf: {  	[smem:$0x3FB5] =	sst s7  }
0x10: {  	[smem:$0x3FB6] =	sst s8  }
0x11: {  	[smem:$0x3FB7] =	sst s9;
	s0 =	simm.s32 @!p0 $0x0  }
0x12: {  	s1 =	sld [smem:$0x3F9D];
	s0 =	simm.s32 @p0 $0x1  }
0x13: {  	[smem:$0x3FB8] =	sst s0;
	s0 =	simm.s32 @!p1 $0x0  }
0x14: {  	s2 =	sld [smem:$0x3F9C];
	s0 =	simm.s32 @p1 $0x1  }
0x15: {  	[smem:$0x3FB9] =	sst s0;
	s0 =	simm.s32 @!p2 $0x0  }
0x16: {  	s3 =	sld [smem:$0x3FDB];
	s0 =	simm.s32 @p2 $0x1  }
0x17: {  	s4 =	simm.s32 $0x1BF5;
	[smem:$0x3FBB] =	sst s0  }
0x18: {  	s0 =	sld [smem:$0x3F9E];
	_ =	swait.ge [sflag:s4], $0x0  }
0x19: {  	s7 =	sld [smem:$0x3F9F]  }
0x1a: {  	s8 =	sadd.s32 $0xFFFFE003, lr  }
0x1b: {  	s9 =	sadd.s32 $0xFFFFFEF7, lr;
	s5 =	simm.s32 $0xFFFFFFFF;
	p2 =	slt.u32 s8, $0xFFFFF086  }
0x1c: {  	p1 =	slt.u32 s9, $0xF7A;
	s5 =	simm.s32 @!p2 $0x0  }
0x1d: {  	s5 =	simm.s32 @p1 $0x1;
	p0 =	seq.s32 s7, s2  }
0x1e: {  	s7 =	smul.u32 @!p0 $0xF7A, s2;
	p2 =	seq.s32 @!p0 s5, $0x0  }
0x1f: {  	s9 =	smul.u32 $0xF7A, s1;
	s8 =	simm.s32 @!p0 $0x1BF5;
	p2 =	por !p2, p0  }
0x20: {  	[sflag:s8] =	ssyncset.s32 @!p0 $0xFFFFF086;
	s6 =	sadd.s32 @!p0 s3, s7;
	s7 =	simm.s32 @!p0 $0x108  }
0x21: {  	s3 =	sadd.s32 s3, s9;
	s6 =	sadd.s32 @!p0 $0x88, s6;
	s7 =	simm.s32 @p2 $0x1082  }
0x22: {  	[simem:s7], [sflag:s8] =	dma.local @!p0 [hbm:s6], $0xF7A  }
0x23: {  	s9 =	sor.u32 $0xD0000000, s2;
	s6 =	simm.s32 $0x108;
	_ =	swait.ge @!p0 [sflag:s8], $0x0  }
0x24: {  	s3 =	sadd.s32 $0x88, s3;
	s6 =	simm.s32 @!p1 $0x1082;
	[sflag:s4] =	ssyncset.s32 $0xFFFFF086  }
0x25: {  	[simem:s6], [sflag:s4] =	dma.local [hbm:s3], $0xF7A  }
0x26: {  	[smem:$0x3F9F] =	sst s1;
	(tag) =	ssettag s2;
	_ =	strace s9  }
0x27: {  	s1 =	sld [smem:$0x3FAF]  }
0x28: {  	s2 =	sld [smem:$0x3FB0]  }
0x29: {  	s4 =	sld [smem:$0x3FB2]  }
0x2a: {  	p0 =	seq.s32 s5, $0x0;
	s5 =	sld [smem:$0x3FB3]  }
0x2b: {  	s6 =	sld [smem:$0x3FB4]  }
0x2c: {  	s7 =	sld [smem:$0x3FB5]  }
0x2d: {  	s3 =	simm.s32 $0x108;
	s8 =	sld [smem:$0x3FB6]  }
0x2e: {  	s3 =	simm.s32 @!p0 $0x1082;
	s9 =	sld [smem:$0x3FB7]  }
0x2f: {  	lr =	sadd.s32 s0, s3;
	s0 =	sld [smem:$0x3FAE]  }
0x30: {  	s3 =	sld [smem:$0x3FB1]  }
0x31: {  	[smem:$0x3FBA] =	sst s10  }
0x32: {  	s10 =	sld [smem:$0x3FB8];
	_ =	sdelay $0x3  }
0x33: {  	p0 =	seq.s32 s10, $0x1;
	s10 =	sld [smem:$0x3FBA];
	_ =	sdelay $0x3  }
0x34: {  	[smem:$0x3FBA] =	sst s10  }
0x35: {  	s10 =	sld [smem:$0x3FB9];
	_ =	sdelay $0x3  }
0x36: {  	p1 =	seq.s32 s10, $0x1;
	s10 =	sld [smem:$0x3FBA];
	_ =	sdelay $0x3  }
0x37: {  	[smem:$0x3FBA] =	sst s10  }
0x38: {  	s10 =	sld [smem:$0x3FBB]  }
0x39: {  	_ = 	snop;
	(pc) =	sbr.ind lr, $3  }
0x3a: {  	_ = 	snop  }
0x3b: {  	_ = 	snop  }
0x3c: {  	p2 =	seq.s32 s10, $0x1;
	s10 =	sld [smem:$0x3FBA]  }
0x3d: {  	_ =	shalt  }
0x3e: {  	_ =	shalt  }
0x3f: {  	_ =	shalt  }
0x40: {  	_ =	shalt  }
0x41: {  	_ =	shalt  }
0x42: {  	_ =	shalt  }
0x43: {  	_ =	shalt  }
0x44: {  	_ =	shalt  }
0x45: {  	_ =	shalt  }
0x46: {  	_ =	shalt  }
0x47: {  	_ =	shalt  }
0x48: {  	_ =	shalt  }
0x49: {  	_ =	shalt  }
0x4a: {  	_ =	shalt  }
0x4b: {  	_ =	shalt  }
0x4c: {  	_ =	shalt  }
0x4d: {  	_ =	shalt  }
0x4e: {  	_ =	shalt  }
0x4f: {  	_ =	shalt  }
0x50: {  	_ =	shalt  }
0x51: {  	_ =	shalt  }
0x52: {  	_ =	shalt  }
0x53: {  	_ =	shalt  }
0x54: {  	_ =	shalt  }
0x55: {  	_ =	shalt  }
0x56: {  	_ =	shalt  }
0x57: {  	_ =	shalt  }
0x58: {  	_ =	shalt  }
0x59: {  	_ =	shalt  }
0x5a: {  	_ =	shalt  }
0x5b: {  	_ =	shalt  }
0x5c: {  	_ =	shalt  }
0x5d: {  	_ =	shalt  }
0x5e: {  	_ =	shalt  }
0x5f: {  	_ =	shalt  }
0x60: {  	_ =	shalt  }
0x61: {  	_ =	shalt  }
0x62: {  	_ =	shalt  }
0x63: {  	_ =	shalt  }
0x64: {  	_ =	shalt  }
0x65: {  	_ =	shalt  }
0x66: {  	_ =	shalt  }
0x67: {  	_ =	shalt  }
0x68: {  	_ =	shalt  }
0x69: {  	_ =	shalt  }
0x6a: {  	_ =	shalt  }
0x6b: {  	_ =	shalt  }
0x6c: {  	_ =	shalt  }
0x6d: {  	_ =	shalt  }
0x6e: {  	_ =	shalt  }
0x6f: {  	_ =	shalt  }
0x70: {  	_ =	shalt  }
0x71: {  	_ =	shalt  }
0x72: {  	_ =	shalt  }
0x73: {  	_ =	shalt  }
0x74: {  	_ =	shalt  }
0x75: {  	_ =	shalt  }
0x76: {  	_ =	shalt  }
0x77: {  	_ =	shalt  }
0x78: {  	_ =	shalt  }
0x79: {  	_ =	shalt  }
0x7a: {  	_ =	shalt  }
0x7b: {  	_ =	shalt  }
0x7c: {  	_ =	shalt  }
0x7d: {  	_ =	shalt  }
0x7e: {  	_ =	shalt  }
0x7f: {  	_ =	shalt  }
0x80: {  	_ =	shalt  }
0x81: {  	_ =	shalt  }
0x82: {  	_ =	shalt  }
0x83: {  	_ =	shalt  }
0x84: {  	_ =	shalt  }
0x85: {  	_ =	shalt  }
0x86: {  	_ =	shalt  }
0x87: {  	_ =	shalt  }
.Lfunc_end0:
.L_simem_size_0:
called_computation.1_lowered:
.L_overlay_start_0:
0x88: {  	s2 =	sld [smem:$0x3FD9]  }
0x89: {  	s3 =	sld [smem:$0x3FFE];
	_ =	sdelay $0x1  }
0x8a: {  	s1 =	srdreg.scid  }
0x8b: {  	s0 =	sand.u32 $0x1, s1  }
0x8c: {  	s17 =	sshll.u32 s0, $0xA;
	s2 =	sadd.s32 s3, s2  }
0x8d: {  	s2 =	sadd.s32 s2, s17  }
0x8e: {  	[smem:$0x3FC6] =	sst s2  }
0x8f: {  	_ = 	snop  }
0x90: {  	(tm) =	ssettm $0x1  }
0x91: {  	s18 =	sld [smem:$0x3FFB];
	_ =	sdelay $0x3  }
0x92: {  	_ =	strace s18  }
0x93: {  	s2 =	sld [smem:$0x3FFC];
	_ =	sdelay $0x3  }
0x94: {  	_ =	strace s2  }
0x95: {  	s2 =	sld [smem:$0x3FFD];
	_ =	sdelay $0x3  }
0x96: {  	_ =	strace s2  }
0x97: {  	_ =	strace $0x8FFFFFFF  }
0x98: {  	s19 =	sld [smem:$0x3FDB];
	_ =	sdelay $0x1  }
0x99: {  	s20 =	simm.s32 $_scs_section_size  }
0x9a: {  	s4 =	simm.s32 $_size__tile_overlayer_lowered;
	s5 =	simm.s32 $_tile_overlayer_lowered  }
0x9b: {  	s6 =	simm.s32 $0x1BFF;
	s21 =	sshll.u32 s5, $0x1;
	s3 =	sadd.s32 s20, s19  }
0x9c: {  	s22 =	simm.s32 $0x0;
	s4 =	sshll.u32 s4, $0x1;
	s5 =	sadd.s32 s21, s3  }
0x9d: {  	[timem:s22], [sflag:s6] =	dma.local [hbm:s5], s4  }
0x9e: {  	_ =	swait.ge [sflag:s6], s4  }
0x9f: {  	s4 =	ssub.s32 $0x0, s4;
	[sflag:s6] =	ssyncset.done $0x0  }
0xa0: {  	[sflag:s6] =	ssyncadd.s32 s4;
	_ =	sdelay $0x1  }
0xa1: {  	s23 =	simm.s32 $0x1B8B  }
0xa2: {  	_ =	swait.ge [sflag:s23], $0x1  }
0xa3: {  	[sflag:s23] =	ssyncset.done $0x0  }
0xa4: {  	[sflag:s23] =	ssyncadd.s32 $0xFFFFFFFF  }
0xa5: {  	s4 =	sld [smem:$0x0]  }
0xa6: {  	s5 =	sand.u32 $0xFFFFFFFE, s1  }
0xa7: {  	p0 =	sne.s32 s1, s5  }
0xa8: {  	s5 =	sshll.u32 @p0 s5, $0xE  }
0xa9: {  	s5 =	sadd.s32 @p0 $0x11B8D, s5;
	s6 =	sshll.u32 @p0 s4, $0x11  }
0xaa: {  	s5 =	sor.u32 @p0 s6, s5  }
0xab: {  	[sflag:s5] =	ssyncadd.remote.s32 @p0 $0x1;
	_ =	sdelay $0x1  }
0xac: {  	s5 =	simm.s32 @p0 $0x1B8D  }
0xad: {  	_ =	swait.eq @p0 [sflag:s5], $0x1  }
0xae: {  	[sflag:s5] =	ssyncadd.s32 @p0 $0xFFFFFFFF  }
0xaf: {  	s6 =	sshll.u32 @!p0 s1, $0xE  }
0xb0: {  	s6 =	sor.u32 @!p0 $0x4000, s6;
	s5 =	simm.s32 @!p0 $0x1B8D  }
0xb1: {  	s4 =	sshll.u32 @!p0 s4, $0x11;
	s6 =	sadd.s32 @!p0 $0x11B8D, s6;
	_ =	swait.eq @!p0 [sflag:s5], $0x1  }
0xb2: {  	s4 =	sor.u32 @!p0 s4, s6;
	[sflag:s5] =	ssyncadd.s32 @!p0 $0xFFFFFFFF  }
0xb3: {  	s25 =	simm.s32 $0x1B8E;
	s24 =	sld [smem:$0x3FFE];
	[sflag:s4] =	ssyncadd.remote.s32 @!p0 $0x1  }
0xb4: {  	s26 =	simm.s32 $execute0_lowered;
	[smem:$0x3FD2] =	sst s25  }
0xb5: {  	s5 =	sshll.u32 s26, $0x1;
	_ =	strace $0x80000049;
	[dreg:$0x1] =	wrdreg $0xFFFFFFFF  }
0xb6: {  	s28 =	simm.s32 $_size_execute0_lowered;
	s3 =	sadd.s32 s3, s5;
	[dreg:$0x0] =	wrdreg $0x0  }
0xb7: {  	s5 =	sshll.u32 s28, $0x1;
	[dreg:$0x2] =	wrdreg s3  }
0xb8: {  	[dreg:$0x3] =	wrdreg s5  }
0xb9: {  	[dreg:$0x4] =	wrdreg $0xC0  }
0xba: {  	_ =	task [dreg:s22], $0x5FFFF  }
0xbb: {  	[dreg:$0x1] =	wrdreg $0xFFFFFFFF  }
0xbc: {  	[dreg:$0x0] =	wrdreg $0x60  }
0xbd: {  	[dreg:$0x2] =	wrdreg s24  }
0xbe: {  	[dreg:$0x3] =	wrdreg $0xA  }
0xbf: {  	_ =	task.clear_ibuf [dreg:s22], $0x4FFFF;
	_ =	strace $0x90000049  }
0xc0: {  	s29 =	simm.s32 $0xA;
	_ =	strace $0x8000004B  }
0xc1: {  	_ =	swait.ge [sflag:s29], $0x1  }
0xc2: {  	[sflag:s29] =	ssyncadd.s32 $0xFFFFFFFF  }
0xc3: {  	_ =	strace $0x9000004B  }
0xc4: {  	_ =	sfence  }
0xc5: {  	s30 =	sld [smem:$0x0];
	_ =	sdelay $0x2  }
0xc6: {  	s31 =	sshll.u32 s1, $0xD;
	s1 =	sshrl.u32 s1, $0x2  }
0xc7: {  	s4 =	sand.u32 $0x4000, s31;
	s1 =	sadd.s32 s1, s30  }
0xc8: {  	s0 =	sor.u32 s4, s0;
	s1 =	sshll.u32 s1, $0x11  }
0xc9: {  	s0 =	sor.u32 s1, s0  }
0xca: {  	s0 =	sadd.s32 $0x8F2B, s0  }
0xcb: {  	[sflag:s0] =	ssyncadd.remote.s32 $0x1  }
0xcc: {  	_ =	sfence.sel $0xFFFF  }
0xcd: {  	[dreg:$0x0] =	wrdreg $0xFFFFFFFF;
	(pc) =	sbr.abs _section_cstart, $3  }
0xce: {  	[dreg:$0x1] =	wrdreg $0xFFFFFFFF  }
0xcf: {  	_ =	task.clear_ibuf [dreg:s22], $0x2FFFF;
	_ =	strace $0x9FFFFFFF  }
0xd0: {  	(tm) =	ssettm $0x7FFFFFFF  }
0xd1: {  	_ =	shalt  }
tec
execute0_lowered:
.L_overlay_start_1:
0x0: {  	(tag) =	ssettag $0x1  }
0x1: {  	s0 =	srdreg.scid  }
0x2: {  	s1 =	stileid.u32;
	s2 =	rddreg [dreg:$0x0]  }
0x3: {  	s3 =	simm.s32 $0x0;
	s8 =	simm.s32 $0x3;
	s9 =	simm.s32 $0x400  }
0x4: {  	s18 =	simm.s32 $0x1;
	s19 =	simm.s32 $0x2;
	s28 =	simm.s32 $0x3400  }
0x5: {  	s29 =	simm.s32 $0x3C00;
	s0 =	sand.u32 $0x1, s0;
	s1 =	sshll.u32 s1, $0x1  }
0x6: {  	s30 =	simm.s32 $0x4400;
	s31 =	simm.s32 $0x4C00;
	s1 =	sor.u32 s0, s1  }
0x7: {  	s16 =	simm.s32 $0x5400;
	s15 =	simm.s32 $0x5C00;
	s4 =	sshll.u32 s1, $0x7  }
0x8: {  	s11 =	simm.s32 $0x6C00;
	s1 =	sshll.u32 s1, $0xF;
	s4 =	sadd.s32 s4, s2  }
0x9: {  	[smem:$0x7FF] =	sst s3;
	s1 =	sadd.s32 s1, s2;
	s4 =	sadd.s32 $0x120000, s4  }
0xa: {  	_ =	strace $0x8000004A;
	s20 =	sadd.s32 $0x121000, s1;
	[dreg:$0x2] =	wrdreg s4  }
0xb: {  	s12 =	simm.s32 $0x7400;
	s21 =	sadd.s32 $0x122000, s1;
	[dreg:$0x3] =	wrdreg s20  }
0xc: {  	s13 =	simm.s32 $0x7C00;
	s22 =	sadd.s32 $0x123000, s1;
	[dreg:$0x4] =	wrdreg s21  }
0xd: {  	s6 =	sadd.s32 $0x300, s2;
	s23 =	sadd.s32 $0x124000, s1;
	[dreg:$0x5] =	wrdreg s22  }
0xe: {  	s0 =	ssub.s32 $0x2, s0;
	s24 =	sadd.s32 $0x125000, s1;
	[dreg:$0x6] =	wrdreg s23  }
0xf: {  	s5 =	sshrl.u32 s0, $0x1;
	s25 =	sadd.s32 $0x126000, s1;
	[dreg:$0x7] =	wrdreg s24  }
0x10: {  	s0 =	ssub.s32 s0, s5;
	s26 =	sadd.s32 $0x127000, s1;
	[dreg:$0x8] =	wrdreg s25  }
0x11: {  	s5 =	sadd.s32 $0x200, s2;
	s1 =	sadd.s32 $0x128000, s1;
	[dreg:$0x9] =	wrdreg s26  }
0x12: {  	v2 =	vlaneseq.u32;
	s7 =	smax.u32 s0, $0x1;
	s4 =	sadd.s32 $0x100, s2;
	[dreg:$0xa] =	wrdreg s1  }
0x13: {  	vm0 =	vmmov $0xffff;
	v1 =	vshrl.u32 v2, $0x3;
	s25 =	simm.s32 $0x8400;
	s21 =	simm.s32 $0xC00;
	s22 =	simm.s32 $0x1400  }
0x14: {  	v0 =	vand.u32 $0x7, v2;
	v2 =	vor.u32 $0x8, v2;
	v1 =	vmul.u32 $0x8, v1;
	s23 =	simm.s32 $0x1C00;
	s24 =	simm.s32 $0x2400;
	s26 =	simm.s32 $0x2C00  }
.LBB2_1:
0x15: {  	s20 =	rddreg [dreg:$0x2]  }
0x16: {  	[tilespmem:s3], [sflag:$0x3] =	stream.linear.gather [hbm4b:s20+s3], $0x400, $0x38;
	[tilespmem:$0x10400] =	vst v63  }
0x17: {  	_ =	swait.ge [sflag:s8], $0x400  }
0x18: {  	[sflag:s8] =	ssyncset.done $0x0  }
0x19: {  	[sflag:s8] =	ssyncadd.s32 $0xFFFFFC00  }
0x1a: {  	v3 =	vld [tilespmem:$0x0];
	_ =	sdelay $0x4  }
0x1b: {  	v4 =	vshll.u32 v3, $0x3  }
0x1c: {  	v3 =	vand.u32 $0x7, v3;
	v4 =	vand.u32 $0xFFFFFFC0, v4  }
0x1d: {  	v3 =	vor.u32 v3, v4  }
0x1e: {  	v4 =	vperm.xlane v3, v0;
	_ =	sdelay $0x1  }
0x1f: {  	v4 =	vadd.s32 v1, v4;
	_ =	sdelay $0x4  }
0x20: {  	[tilespmem:s9], [sflag:$0x1] =	stream.indirect_vreg.gather [hbm4b:s2+s3], $0x80, v4, vm0, $0xb8;
	[tilespmem:$0x10400] =	vst v63  }
0x21: {  	v3 =	vperm.xlane v3, v2  }
0x22: {  	[tilespmem:s21], [sflag:$0x1] =	stream.indirect_vreg.gather [hbm4b:s4+s3], $0x80, v4, vm0, $0xb8;
	[tilespmem:$0x10400] =	vst v63  }
0x23: {  	v3 =	vadd.s32 v1, v3  }
0x24: {  	[tilespmem:s22], [sflag:$0x1] =	stream.indirect_vreg.gather [hbm4b:s5+s3], $0x80, v4, vm0, $0xb8;
	[tilespmem:$0x10400] =	vst v63  }
0x25: {  	_ = 	snop  }
0x26: {  	[tilespmem:s23], [sflag:$0x1] =	stream.indirect_vreg.gather [hbm4b:s6+s3], $0x80, v4, vm0, $0xb8;
	[tilespmem:$0x10400] =	vst v63  }
0x27: {  	_ = 	snop  }
0x28: {  	[tilespmem:s24], [sflag:$0x1] =	stream.indirect_vreg.gather [hbm4b:s2+s3], $0x80, v3, vm0, $0xb8;
	[tilespmem:$0x10400] =	vst v63  }
0x29: {  	_ = 	snop  }
0x2a: {  	[tilespmem:s26], [sflag:$0x1] =	stream.indirect_vreg.gather [hbm4b:s4+s3], $0x80, v3, vm0, $0xb8;
	[tilespmem:$0x10400] =	vst v63  }
0x2b: {  	_ = 	snop  }
0x2c: {  	[tilespmem:s28], [sflag:$0x1] =	stream.indirect_vreg.gather [hbm4b:s5+s3], $0x80, v3, vm0, $0xb8;
	[tilespmem:$0x10400] =	vst v63  }
0x2d: {  	_ = 	snop  }
0x2e: {  	[tilespmem:s29], [sflag:$0x1] =	stream.indirect_vreg.gather [hbm4b:s6+s3], $0x80, v3, vm0, $0xb8;
	[tilespmem:$0x10400] =	vst v63  }
0x2f: {  	v3 =	vld [tilespmem:$0x10];
	_ =	sdelay $0x4  }
0x30: {  	v49 =	vshll.u32 v3, $0x3  }
0x31: {  	v3 =	vand.u32 $0x7, v3;
	v4 =	vand.u32 $0xFFFFFFC0, v49  }
0x32: {  	v3 =	vor.u32 v3, v4  }
0x33: {  	v4 =	vperm.xlane v3, v0;
	_ =	sdelay $0x1  }
0x34: {  	v4 =	vadd.s32 v1, v4;
	_ =	sdelay $0x4  }
0x35: {  	[tilespmem:s30], [sflag:$0x1] =	stream.indirect_vreg.gather [hbm4b:s2+s3], $0x80, v4, vm0, $0xb8;
	[tilespmem:$0x10400] =	vst v63  }
0x36: {  	v3 =	vperm.xlane v3, v2  }
0x37: {  	[tilespmem:s31], [sflag:$0x1] =	stream.indirect_vreg.gather [hbm4b:s4+s3], $0x80, v4, vm0, $0xb8;
	[tilespmem:$0x10400] =	vst v63  }
0x38: {  	v3 =	vadd.s32 v1, v3  }
0x39: {  	[tilespmem:s16], [sflag:$0x1] =	stream.indirect_vreg.gather [hbm4b:s5+s3], $0x80, v4, vm0, $0xb8;
	[tilespmem:$0x10400] =	vst v63  }
0x3a: {  	_ = 	snop  }
0x3b: {  	[tilespmem:s15], [sflag:$0x1] =	stream.indirect_vreg.gather [hbm4b:s6+s3], $0x80, v4, vm0, $0xb8;
	[tilespmem:$0x10400] =	vst v63  }
0x3c: {  	s10 =	simm.s32 $0x6400  }
0x3d: {  	[tilespmem:s10], [sflag:$0x1] =	stream.indirect_vreg.gather [hbm4b:s2+s3], $0x80, v3, vm0, $0xb8;
	[tilespmem:$0x10400] =	vst v63  }
0x3e: {  	_ = 	snop  }
0x3f: {  	[tilespmem:s11], [sflag:$0x1] =	stream.indirect_vreg.gather [hbm4b:s4+s3], $0x80, v3, vm0, $0xb8;
	[tilespmem:$0x10400] =	vst v63  }
0x40: {  	_ = 	snop  }
0x41: {  	[tilespmem:s12], [sflag:$0x1] =	stream.indirect_vreg.gather [hbm4b:s5+s3], $0x80, v3, vm0, $0xb8;
	[tilespmem:$0x10400] =	vst v63  }
0x42: {  	_ = 	snop  }
0x43: {  	[tilespmem:s13], [sflag:$0x1] =	stream.indirect_vreg.gather [hbm4b:s6+s3], $0x80, v3, vm0, $0xb8;
	[tilespmem:$0x10400] =	vst v63  }
0x44: {  	v3 =	vld [tilespmem:$0x80];
	_ =	sdelay $0x4  }
0x45: {  	v50 =	vshll.u32 v3, $0x3  }
0x46: {  	v3 =	vand.u32 $0x7, v3;
	v4 =	vand.u32 $0xFFFFFFC0, v50  }
0x47: {  	v3 =	vor.u32 v3, v4  }
0x48: {  	v4 =	vperm.xlane v3, v0;
	_ =	sdelay $0x1  }
0x49: {  	v4 =	vadd.s32 v1, v4;
	_ =	sdelay $0x4  }
0x4a: {  	[tilespmem:s25], [sflag:$0x2] =	stream.indirect_vreg.gather [hbm4b:s2+s3], $0x80, v4, vm0, $0xb8;
	[tilespmem:$0x10400] =	vst v63  }
0x4b: {  	s14 =	simm.s32 $0x8C00;
	v3 =	vperm.xlane v3, v2  }
0x4c: {  	[tilespmem:s14], [sflag:$0x2] =	stream.indirect_vreg.gather [hbm4b:s4+s3], $0x80, v4, vm0, $0xb8;
	[tilespmem:$0x10400] =	vst v63  }
0x4d: {  	s17 =	simm.s32 $0x9400;
	v3 =	vadd.s32 v1, v3  }
0x4e: {  	[tilespmem:s17], [sflag:$0x2] =	stream.indirect_vreg.gather [hbm4b:s5+s3], $0x80, v4, vm0, $0xb8;
	[tilespmem:$0x10400] =	vst v63  }
0x4f: {  	s20 =	simm.s32 $0x9C00  }
0x50: {  	[tilespmem:s20], [sflag:$0x2] =	stream.indirect_vreg.gather [hbm4b:s6+s3], $0x80, v4, vm0, $0xb8;
	[tilespmem:$0x10400] =	vst v63  }
0x51: {  	s1 =	simm.s32 $0xA400  }
0x52: {  	[tilespmem:s1], [sflag:$0x2] =	stream.indirect_vreg.gather [hbm4b:s2+s3], $0x80, v3, vm0, $0xb8;
	[tilespmem:$0x10400] =	vst v63  }
0x53: {  	s17 =	simm.s32 $0xAC00  }
0x54: {  	[tilespmem:s17], [sflag:$0x2] =	stream.indirect_vreg.gather [hbm4b:s4+s3], $0x80, v3, vm0, $0xb8;
	[tilespmem:$0x10400] =	vst v63  }
0x55: {  	s1 =	simm.s32 $0xB400  }
0x56: {  	[tilespmem:s1], [sflag:$0x2] =	stream.indirect_vreg.gather [hbm4b:s5+s3], $0x80, v3, vm0, $0xb8;
	[tilespmem:$0x10400] =	vst v63  }
0x57: {  	s14 =	simm.s32 $0xBC00  }
0x58: {  	[tilespmem:s14], [sflag:$0x2] =	stream.indirect_vreg.gather [hbm4b:s6+s3], $0x80, v3, vm0, $0xb8;
	[tilespmem:$0x10400] =	vst v63  }
0x59: {  	v3 =	vld [tilespmem:$0x90];
	_ =	sdelay $0x4  }
0x5a: {  	v51 =	vshll.u32 v3, $0x3  }
0x5b: {  	v3 =	vand.u32 $0x7, v3;
	v4 =	vand.u32 $0xFFFFFFC0, v51  }
0x5c: {  	v3 =	vor.u32 v3, v4  }
0x5d: {  	v4 =	vperm.xlane v3, v0;
	_ =	sdelay $0x1  }
0x5e: {  	v4 =	vadd.s32 v1, v4;
	_ =	sdelay $0x3  }
0x5f: {  	s17 =	simm.s32 $0xC400  }
0x60: {  	[tilespmem:s17], [sflag:$0x2] =	stream.indirect_vreg.gather [hbm4b:s2+s3], $0x80, v4, vm0, $0xb8;
	[tilespmem:$0x10400] =	vst v63  }
0x61: {  	s1 =	simm.s32 $0xCC00;
	v3 =	vperm.xlane v3, v2  }
0x62: {  	[tilespmem:s1], [sflag:$0x2] =	stream.indirect_vreg.gather [hbm4b:s4+s3], $0x80, v4, vm0, $0xb8;
	[tilespmem:$0x10400] =	vst v63  }
0x63: {  	v3 =	vadd.s32 v1, v3;
	s1 =	simm.s32 $0xD400  }
0x64: {  	[tilespmem:s1], [sflag:$0x2] =	stream.indirect_vreg.gather [hbm4b:s5+s3], $0x80, v4, vm0, $0xb8;
	[tilespmem:$0x10400] =	vst v63  }
0x65: {  	s1 =	simm.s32 $0xDC00  }
0x66: {  	[tilespmem:s1], [sflag:$0x2] =	stream.indirect_vreg.gather [hbm4b:s6+s3], $0x80, v4, vm0, $0xb8;
	[tilespmem:$0x10400] =	vst v63  }
0x67: {  	s1 =	simm.s32 $0xE400  }
0x68: {  	[tilespmem:s1], [sflag:$0x2] =	stream.indirect_vreg.gather [hbm4b:s2+s3], $0x80, v3, vm0, $0xb8;
	[tilespmem:$0x10400] =	vst v63  }
0x69: {  	s1 =	simm.s32 $0xEC00  }
0x6a: {  	[tilespmem:s1], [sflag:$0x2] =	stream.indirect_vreg.gather [hbm4b:s4+s3], $0x80, v3, vm0, $0xb8;
	[tilespmem:$0x10400] =	vst v63  }
0x6b: {  	s1 =	simm.s32 $0xF400  }
0x6c: {  	[tilespmem:s1], [sflag:$0x2] =	stream.indirect_vreg.gather [hbm4b:s5+s3], $0x80, v3, vm0, $0xb8;
	[tilespmem:$0x10400] =	vst v63  }
0x6d: {  	s1 =	simm.s32 $0xFC00  }
0x6e: {  	[tilespmem:s1], [sflag:$0x2] =	stream.indirect_vreg.gather [hbm4b:s6+s3], $0x80, v3, vm0, $0xb8;
	[tilespmem:$0x10400] =	vst v63  }
0x6f: {  	_ =	swait.ge [sflag:s18], $0x8000  }
0x70: {  	[sflag:s18] =	ssyncset.done $0x0  }
0x71: {  	s1 =	rddreg [dreg:$0x3];
	[sflag:s18] =	ssyncadd.s32 $0xFFFF8000  }
0x72: {  	[hbm4b:s1+s3] =	stream.linear.scatter [tilespmem:s9], [sflag:$0x3], $0x8000, $0x38;
	[tilespmem:$0x10400] =	vst v63  }
0x73: {  	_ =	swait.ge [sflag:s8], $0x8000  }
0x74: {  	[sflag:s8] =	ssyncset.done $0x0  }
0x75: {  	[sflag:s8] =	ssyncadd.s32 $0xFFFF8000  }
0x76: {  	v3 =	vld [tilespmem:$0x100];
	_ =	sdelay $0x4  }
0x77: {  	v52 =	vshll.u32 v3, $0x3  }
0x78: {  	v3 =	vand.u32 $0x7, v3;
	v4 =	vand.u32 $0xFFFFFFC0, v52  }
0x79: {  	v3 =	vor.u32 v3, v4  }
0x7a: {  	v4 =	vperm.xlane v3, v0;
	_ =	sdelay $0x1  }
0x7b: {  	v4 =	vadd.s32 v1, v4;
	_ =	sdelay $0x4  }
0x7c: {  	[tilespmem:s9], [sflag:$0x1] =	stream.indirect_vreg.gather [hbm4b:s2+s3], $0x80, v4, vm0, $0xb8;
	[tilespmem:$0x10400] =	vst v63  }
0x7d: {  	v3 =	vperm.xlane v3, v2  }
0x7e: {  	[tilespmem:s21], [sflag:$0x1] =	stream.indirect_vreg.gather [hbm4b:s4+s3], $0x80, v4, vm0, $0xb8;
	[tilespmem:$0x10400] =	vst v63  }
0x7f: {  	v3 =	vadd.s32 v1, v3  }
0x80: {  	[tilespmem:s22], [sflag:$0x1] =	stream.indirect_vreg.gather [hbm4b:s5+s3], $0x80, v4, vm0, $0xb8;
	[tilespmem:$0x10400] =	vst v63  }
0x81: {  	_ = 	snop  }
0x82: {  	[tilespmem:s23], [sflag:$0x1] =	stream.indirect_vreg.gather [hbm4b:s6+s3], $0x80, v4, vm0, $0xb8;
	[tilespmem:$0x10400] =	vst v63  }
0x83: {  	_ = 	snop  }
0x84: {  	[tilespmem:s24], [sflag:$0x1] =	stream.indirect_vreg.gather [hbm4b:s2+s3], $0x80, v3, vm0, $0xb8;
	[tilespmem:$0x10400] =	vst v63  }
0x85: {  	_ = 	snop  }
0x86: {  	[tilespmem:s26], [sflag:$0x1] =	stream.indirect_vreg.gather [hbm4b:s4+s3], $0x80, v3, vm0, $0xb8;
	[tilespmem:$0x10400] =	vst v63  }
0x87: {  	_ = 	snop  }
0x88: {  	[tilespmem:s28], [sflag:$0x1] =	stream.indirect_vreg.gather [hbm4b:s5+s3], $0x80, v3, vm0, $0xb8;
	[tilespmem:$0x10400] =	vst v63  }
0x89: {  	_ = 	snop  }
0x8a: {  	[tilespmem:s29], [sflag:$0x1] =	stream.indirect_vreg.gather [hbm4b:s6+s3], $0x80, v3, vm0, $0xb8;
	[tilespmem:$0x10400] =	vst v63  }
0x8b: {  	v3 =	vld [tilespmem:$0x110];
	_ =	sdelay $0x4  }
0x8c: {  	v53 =	vshll.u32 v3, $0x3  }
0x8d: {  	v3 =	vand.u32 $0x7, v3;
	v4 =	vand.u32 $0xFFFFFFC0, v53  }
0x8e: {  	v3 =	vor.u32 v3, v4  }
0x8f: {  	v4 =	vperm.xlane v3, v0;
	_ =	sdelay $0x1  }
0x90: {  	v4 =	vadd.s32 v1, v4;
	_ =	sdelay $0x4  }
0x91: {  	[tilespmem:s30], [sflag:$0x1] =	stream.indirect_vreg.gather [hbm4b:s2+s3], $0x80, v4, vm0, $0xb8;
	[tilespmem:$0x10400] =	vst v63  }
0x92: {  	v3 =	vperm.xlane v3, v2  }
0x93: {  	[tilespmem:s31], [sflag:$0x1] =	stream.indirect_vreg.gather [hbm4b:s4+s3], $0x80, v4, vm0, $0xb8;
	[tilespmem:$0x10400] =	vst v63  }
0x94: {  	v3 =	vadd.s32 v1, v3  }
0x95: {  	[tilespmem:s16], [sflag:$0x1] =	stream.indirect_vreg.gather [hbm4b:s5+s3], $0x80, v4, vm0, $0xb8;
	[tilespmem:$0x10400] =	vst v63  }
0x96: {  	_ = 	snop  }
0x97: {  	[tilespmem:s15], [sflag:$0x1] =	stream.indirect_vreg.gather [hbm4b:s6+s3], $0x80, v4, vm0, $0xb8;
	[tilespmem:$0x10400] =	vst v63  }
0x98: {  	_ = 	snop  }
0x99: {  	[tilespmem:s10], [sflag:$0x1] =	stream.indirect_vreg.gather [hbm4b:s2+s3], $0x80, v3, vm0, $0xb8;
	[tilespmem:$0x10400] =	vst v63  }
0x9a: {  	_ = 	snop  }
0x9b: {  	[tilespmem:s11], [sflag:$0x1] =	stream.indirect_vreg.gather [hbm4b:s4+s3], $0x80, v3, vm0, $0xb8;
	[tilespmem:$0x10400] =	vst v63  }
0x9c: {  	_ = 	snop  }
0x9d: {  	[tilespmem:s12], [sflag:$0x1] =	stream.indirect_vreg.gather [hbm4b:s5+s3], $0x80, v3, vm0, $0xb8;
	[tilespmem:$0x10400] =	vst v63  }
0x9e: {  	_ = 	snop  }
0x9f: {  	[tilespmem:s13], [sflag:$0x1] =	stream.indirect_vreg.gather [hbm4b:s6+s3], $0x80, v3, vm0, $0xb8;
	[tilespmem:$0x10400] =	vst v63  }
0xa0: {  	_ =	swait.ge [sflag:s19], $0x8000  }
0xa1: {  	[sflag:s19] =	ssyncset.done $0x0  }
0xa2: {  	s1 =	rddreg [dreg:$0x4];
	[sflag:s19] =	ssyncadd.s32 $0xFFFF8000  }
0xa3: {  	[hbm4b:s1+s3] =	stream.linear.scatter [tilespmem:s25], [sflag:$0x3], $0x8000, $0x38;
	[tilespmem:$0x10400] =	vst v63  }
0xa4: {  	_ =	swait.ge [sflag:s8], $0x8000  }
0xa5: {  	[sflag:s8] =	ssyncset.done $0x0  }
0xa6: {  	[sflag:s8] =	ssyncadd.s32 $0xFFFF8000  }
0xa7: {  	v3 =	vld [tilespmem:$0x180];
	_ =	sdelay $0x4  }
0xa8: {  	v54 =	vshll.u32 v3, $0x3  }
0xa9: {  	v3 =	vand.u32 $0x7, v3;
	v4 =	vand.u32 $0xFFFFFFC0, v54  }
0xaa: {  	v3 =	vor.u32 v3, v4  }
0xab: {  	v4 =	vperm.xlane v3, v0;
	_ =	sdelay $0x1  }
0xac: {  	v4 =	vadd.s32 v1, v4;
	_ =	sdelay $0x4  }
0xad: {  	[tilespmem:s25], [sflag:$0x2] =	stream.indirect_vreg.gather [hbm4b:s2+s3], $0x80, v4, vm0, $0xb8;
	[tilespmem:$0x10400] =	vst v63  }
0xae: {  	s0 =	simm.s32 $0x8C00;
	v3 =	vperm.xlane v3, v2  }
0xaf: {  	[tilespmem:s0], [sflag:$0x2] =	stream.indirect_vreg.gather [hbm4b:s4+s3], $0x80, v4, vm0, $0xb8;
	[tilespmem:$0x10400] =	vst v63  }
0xb0: {  	v3 =	vadd.s32 v1, v3;
	s0 =	simm.s32 $0x9400  }
0xb1: {  	[tilespmem:s0], [sflag:$0x2] =	stream.indirect_vreg.gather [hbm4b:s5+s3], $0x80, v4, vm0, $0xb8;
	[tilespmem:$0x10400] =	vst v63  }
0xb2: {  	s1 =	simm.s32 $0x9C00  }
0xb3: {  	[tilespmem:s1], [sflag:$0x2] =	stream.indirect_vreg.gather [hbm4b:s6+s3], $0x80, v4, vm0, $0xb8;
	[tilespmem:$0x10400] =	vst v63  }
0xb4: {  	s20 =	simm.s32 $0xA400  }
0xb5: {  	[tilespmem:s20], [sflag:$0x2] =	stream.indirect_vreg.gather [hbm4b:s2+s3], $0x80, v3, vm0, $0xb8;
	[tilespmem:$0x10400] =	vst v63  }
0xb6: {  	s20 =	simm.s32 $0xAC00  }
0xb7: {  	[tilespmem:s20], [sflag:$0x2] =	stream.indirect_vreg.gather [hbm4b:s4+s3], $0x80, v3, vm0, $0xb8;
	[tilespmem:$0x10400] =	vst v63  }
0xb8: {  	s20 =	simm.s32 $0xB400  }
0xb9: {  	[tilespmem:s20], [sflag:$0x2] =	stream.indirect_vreg.gather [hbm4b:s5+s3], $0x80, v3, vm0, $0xb8;
	[tilespmem:$0x10400] =	vst v63  }
0xba: {  	s14 =	simm.s32 $0xBC00  }
0xbb: {  	[tilespmem:s14], [sflag:$0x2] =	stream.indirect_vreg.gather [hbm4b:s6+s3], $0x80, v3, vm0, $0xb8;
	[tilespmem:$0x10400] =	vst v63  }
0xbc: {  	v3 =	vld [tilespmem:$0x190];
	_ =	sdelay $0x4  }
0xbd: {  	v55 =	vshll.u32 v3, $0x3  }
0xbe: {  	v3 =	vand.u32 $0x7, v3;
	v4 =	vand.u32 $0xFFFFFFC0, v55  }
0xbf: {  	v3 =	vor.u32 v3, v4  }
0xc0: {  	v4 =	vperm.xlane v3, v0;
	_ =	sdelay $0x1  }
0xc1: {  	v4 =	vadd.s32 v1, v4;
	_ =	sdelay $0x3  }
0xc2: {  	s17 =	simm.s32 $0xC400  }
0xc3: {  	[tilespmem:s17], [sflag:$0x2] =	stream.indirect_vreg.gather [hbm4b:s2+s3], $0x80, v4, vm0, $0xb8;
	[tilespmem:$0x10400] =	vst v63  }
0xc4: {  	s20 =	simm.s32 $0xCC00;
	v3 =	vperm.xlane v3, v2  }
0xc5: {  	[tilespmem:s20], [sflag:$0x2] =	stream.indirect_vreg.gather [hbm4b:s4+s3], $0x80, v4, vm0, $0xb8;
	[tilespmem:$0x10400] =	vst v63  }
0xc6: {  	v3 =	vadd.s32 v1, v3;
	s17 =	simm.s32 $0xD400  }
0xc7: {  	[tilespmem:s17], [sflag:$0x2] =	stream.indirect_vreg.gather [hbm4b:s5+s3], $0x80, v4, vm0, $0xb8;
	[tilespmem:$0x10400] =	vst v63  }
0xc8: {  	s20 =	simm.s32 $0xDC00  }
0xc9: {  	[tilespmem:s20], [sflag:$0x2] =	stream.indirect_vreg.gather [hbm4b:s6+s3], $0x80, v4, vm0, $0xb8;
	[tilespmem:$0x10400] =	vst v63  }
0xca: {  	s17 =	simm.s32 $0xE400  }
0xcb: {  	[tilespmem:s17], [sflag:$0x2] =	stream.indirect_vreg.gather [hbm4b:s2+s3], $0x80, v3, vm0, $0xb8;
	[tilespmem:$0x10400] =	vst v63  }
0xcc: {  	s20 =	simm.s32 $0xEC00  }
0xcd: {  	[tilespmem:s20], [sflag:$0x2] =	stream.indirect_vreg.gather [hbm4b:s4+s3], $0x80, v3, vm0, $0xb8;
	[tilespmem:$0x10400] =	vst v63  }
0xce: {  	s17 =	simm.s32 $0xF400  }
0xcf: {  	[tilespmem:s17], [sflag:$0x2] =	stream.indirect_vreg.gather [hbm4b:s5+s3], $0x80, v3, vm0, $0xb8;
	[tilespmem:$0x10400] =	vst v63  }
0xd0: {  	s20 =	simm.s32 $0xFC00  }
0xd1: {  	[tilespmem:s20], [sflag:$0x2] =	stream.indirect_vreg.gather [hbm4b:s6+s3], $0x80, v3, vm0, $0xb8;
	[tilespmem:$0x10400] =	vst v63  }
0xd2: {  	_ =	swait.ge [sflag:s18], $0x8000  }
0xd3: {  	[sflag:s18] =	ssyncset.done $0x0  }
0xd4: {  	s17 =	rddreg [dreg:$0x5];
	[sflag:s18] =	ssyncadd.s32 $0xFFFF8000  }
0xd5: {  	[hbm4b:s17+s3] =	stream.linear.scatter [tilespmem:s9], [sflag:$0x3], $0x8000, $0x38;
	[tilespmem:$0x10400] =	vst v63  }
0xd6: {  	_ =	swait.ge [sflag:s8], $0x8000  }
0xd7: {  	[sflag:s8] =	ssyncset.done $0x0  }
0xd8: {  	[sflag:s8] =	ssyncadd.s32 $0xFFFF8000  }
0xd9: {  	v3 =	vld [tilespmem:$0x200];
	_ =	sdelay $0x4  }
0xda: {  	v56 =	vshll.u32 v3, $0x3  }
0xdb: {  	v3 =	vand.u32 $0x7, v3;
	v4 =	vand.u32 $0xFFFFFFC0, v56  }
0xdc: {  	v3 =	vor.u32 v3, v4  }
0xdd: {  	v4 =	vperm.xlane v3, v0;
	_ =	sdelay $0x1  }
0xde: {  	v4 =	vadd.s32 v1, v4;
	_ =	sdelay $0x4  }
0xdf: {  	[tilespmem:s9], [sflag:$0x1] =	stream.indirect_vreg.gather [hbm4b:s2+s3], $0x80, v4, vm0, $0xb8;
	[tilespmem:$0x10400] =	vst v63  }
0xe0: {  	v3 =	vperm.xlane v3, v2  }
0xe1: {  	[tilespmem:s21], [sflag:$0x1] =	stream.indirect_vreg.gather [hbm4b:s4+s3], $0x80, v4, vm0, $0xb8;
	[tilespmem:$0x10400] =	vst v63  }
0xe2: {  	v3 =	vadd.s32 v1, v3  }
0xe3: {  	[tilespmem:s22], [sflag:$0x1] =	stream.indirect_vreg.gather [hbm4b:s5+s3], $0x80, v4, vm0, $0xb8;
	[tilespmem:$0x10400] =	vst v63  }
0xe4: {  	_ = 	snop  }
0xe5: {  	[tilespmem:s23], [sflag:$0x1] =	stream.indirect_vreg.gather [hbm4b:s6+s3], $0x80, v4, vm0, $0xb8;
	[tilespmem:$0x10400] =	vst v63  }
0xe6: {  	_ = 	snop  }
0xe7: {  	[tilespmem:s24], [sflag:$0x1] =	stream.indirect_vreg.gather [hbm4b:s2+s3], $0x80, v3, vm0, $0xb8;
	[tilespmem:$0x10400] =	vst v63  }
0xe8: {  	_ = 	snop  }
0xe9: {  	[tilespmem:s26], [sflag:$0x1] =	stream.indirect_vreg.gather [hbm4b:s4+s3], $0x80, v3, vm0, $0xb8;
	[tilespmem:$0x10400] =	vst v63  }
0xea: {  	_ = 	snop  }
0xeb: {  	[tilespmem:s28], [sflag:$0x1] =	stream.indirect_vreg.gather [hbm4b:s5+s3], $0x80, v3, vm0, $0xb8;
	[tilespmem:$0x10400] =	vst v63  }
0xec: {  	_ = 	snop  }
0xed: {  	[tilespmem:s29], [sflag:$0x1] =	stream.indirect_vreg.gather [hbm4b:s6+s3], $0x80, v3, vm0, $0xb8;
	[tilespmem:$0x10400] =	vst v63  }
0xee: {  	v3 =	vld [tilespmem:$0x210];
	_ =	sdelay $0x4  }
0xef: {  	v57 =	vshll.u32 v3, $0x3  }
0xf0: {  	v3 =	vand.u32 $0x7, v3;
	v4 =	vand.u32 $0xFFFFFFC0, v57  }
0xf1: {  	v3 =	vor.u32 v3, v4  }
0xf2: {  	v4 =	vperm.xlane v3, v0;
	_ =	sdelay $0x1  }
0xf3: {  	v4 =	vadd.s32 v1, v4;
	_ =	sdelay $0x4  }
0xf4: {  	[tilespmem:s30], [sflag:$0x1] =	stream.indirect_vreg.gather [hbm4b:s2+s3], $0x80, v4, vm0, $0xb8;
	[tilespmem:$0x10400] =	vst v63  }
0xf5: {  	v3 =	vperm.xlane v3, v2  }
0xf6: {  	[tilespmem:s31], [sflag:$0x1] =	stream.indirect_vreg.gather [hbm4b:s4+s3], $0x80, v4, vm0, $0xb8;
	[tilespmem:$0x10400] =	vst v63  }
0xf7: {  	v3 =	vadd.s32 v1, v3  }
0xf8: {  	[tilespmem:s16], [sflag:$0x1] =	stream.indirect_vreg.gather [hbm4b:s5+s3], $0x80, v4, vm0, $0xb8;
	[tilespmem:$0x10400] =	vst v63  }
0xf9: {  	_ = 	snop  }
0xfa: {  	[tilespmem:s15], [sflag:$0x1] =	stream.indirect_vreg.gather [hbm4b:s6+s3], $0x80, v4, vm0, $0xb8;
	[tilespmem:$0x10400] =	vst v63  }
0xfb: {  	_ = 	snop  }
0xfc: {  	[tilespmem:s10], [sflag:$0x1] =	stream.indirect_vreg.gather [hbm4b:s2+s3], $0x80, v3, vm0, $0xb8;
	[tilespmem:$0x10400] =	vst v63  }
0xfd: {  	_ = 	snop  }
0xfe: {  	[tilespmem:s11], [sflag:$0x1] =	stream.indirect_vreg.gather [hbm4b:s4+s3], $0x80, v3, vm0, $0xb8;
	[tilespmem:$0x10400] =	vst v63  }
0xff: {  	_ = 	snop  }
0x100: {  	[tilespmem:s12], [sflag:$0x1] =	stream.indirect_vreg.gather [hbm4b:s5+s3], $0x80, v3, vm0, $0xb8;
	[tilespmem:$0x10400] =	vst v63  }
0x101: {  	_ = 	snop  }
0x102: {  	[tilespmem:s13], [sflag:$0x1] =	stream.indirect_vreg.gather [hbm4b:s6+s3], $0x80, v3, vm0, $0xb8;
	[tilespmem:$0x10400] =	vst v63  }
0x103: {  	_ =	swait.ge [sflag:s19], $0x8000  }
0x104: {  	[sflag:s19] =	ssyncset.done $0x0  }
0x105: {  	s14 =	rddreg [dreg:$0x6];
	[sflag:s19] =	ssyncadd.s32 $0xFFFF8000  }
0x106: {  	[hbm4b:s14+s3] =	stream.linear.scatter [tilespmem:s25], [sflag:$0x3], $0x8000, $0x38;
	[tilespmem:$0x10400] =	vst v63  }
0x107: {  	_ =	swait.ge [sflag:s8], $0x8000  }
0x108: {  	[sflag:s8] =	ssyncset.done $0x0  }
0x109: {  	[sflag:s8] =	ssyncadd.s32 $0xFFFF8000  }
0x10a: {  	v3 =	vld [tilespmem:$0x280];
	_ =	sdelay $0x4  }
0x10b: {  	v58 =	vshll.u32 v3, $0x3  }
0x10c: {  	v3 =	vand.u32 $0x7, v3;
	v4 =	vand.u32 $0xFFFFFFC0, v58  }
0x10d: {  	v3 =	vor.u32 v3, v4  }
0x10e: {  	v4 =	vperm.xlane v3, v0;
	_ =	sdelay $0x1  }
0x10f: {  	v4 =	vadd.s32 v1, v4;
	_ =	sdelay $0x4  }
0x110: {  	[tilespmem:s25], [sflag:$0x2] =	stream.indirect_vreg.gather [hbm4b:s2+s3], $0x80, v4, vm0, $0xb8;
	[tilespmem:$0x10400] =	vst v63  }
0x111: {  	s17 =	simm.s32 $0x8C00;
	v3 =	vperm.xlane v3, v2  }
0x112: {  	[tilespmem:s17], [sflag:$0x2] =	stream.indirect_vreg.gather [hbm4b:s4+s3], $0x80, v4, vm0, $0xb8;
	[tilespmem:$0x10400] =	vst v63  }
0x113: {  	v3 =	vadd.s32 v1, v3  }
0x114: {  	[tilespmem:s0], [sflag:$0x2] =	stream.indirect_vreg.gather [hbm4b:s5+s3], $0x80, v4, vm0, $0xb8;
	[tilespmem:$0x10400] =	vst v63  }
0x115: {  	_ = 	snop  }
0x116: {  	[tilespmem:s1], [sflag:$0x2] =	stream.indirect_vreg.gather [hbm4b:s6+s3], $0x80, v4, vm0, $0xb8;
	[tilespmem:$0x10400] =	vst v63  }
0x117: {  	s20 =	simm.s32 $0xA400  }
0x118: {  	[tilespmem:s20], [sflag:$0x2] =	stream.indirect_vreg.gather [hbm4b:s2+s3], $0x80, v3, vm0, $0xb8;
	[tilespmem:$0x10400] =	vst v63  }
0x119: {  	s17 =	simm.s32 $0xAC00  }
0x11a: {  	[tilespmem:s17], [sflag:$0x2] =	stream.indirect_vreg.gather [hbm4b:s4+s3], $0x80, v3, vm0, $0xb8;
	[tilespmem:$0x10400] =	vst v63  }
0x11b: {  	s20 =	simm.s32 $0xB400  }
0x11c: {  	[tilespmem:s20], [sflag:$0x2] =	stream.indirect_vreg.gather [hbm4b:s5+s3], $0x80, v3, vm0, $0xb8;
	[tilespmem:$0x10400] =	vst v63  }
0x11d: {  	s20 =	simm.s32 $0xBC00  }
0x11e: {  	[tilespmem:s20], [sflag:$0x2] =	stream.indirect_vreg.gather [hbm4b:s6+s3], $0x80, v3, vm0, $0xb8;
	[tilespmem:$0x10400] =	vst v63  }
0x11f: {  	v3 =	vld [tilespmem:$0x290];
	_ =	sdelay $0x4  }
0x120: {  	v59 =	vshll.u32 v3, $0x3  }
0x121: {  	v3 =	vand.u32 $0x7, v3;
	v4 =	vand.u32 $0xFFFFFFC0, v59  }
0x122: {  	v3 =	vor.u32 v3, v4  }
0x123: {  	v4 =	vperm.xlane v3, v0;
	_ =	sdelay $0x1  }
0x124: {  	v4 =	vadd.s32 v1, v4;
	_ =	sdelay $0x3  }
0x125: {  	s20 =	simm.s32 $0xC400  }
0x126: {  	[tilespmem:s20], [sflag:$0x2] =	stream.indirect_vreg.gather [hbm4b:s2+s3], $0x80, v4, vm0, $0xb8;
	[tilespmem:$0x10400] =	vst v63  }
0x127: {  	v3 =	vperm.xlane v3, v2;
	s20 =	simm.s32 $0xCC00  }
0x128: {  	[tilespmem:s20], [sflag:$0x2] =	stream.indirect_vreg.gather [hbm4b:s4+s3], $0x80, v4, vm0, $0xb8;
	[tilespmem:$0x10400] =	vst v63  }
0x129: {  	v3 =	vadd.s32 v1, v3;
	s20 =	simm.s32 $0xD400  }
0x12a: {  	[tilespmem:s20], [sflag:$0x2] =	stream.indirect_vreg.gather [hbm4b:s5+s3], $0x80, v4, vm0, $0xb8;
	[tilespmem:$0x10400] =	vst v63  }
0x12b: {  	s20 =	simm.s32 $0xDC00  }
0x12c: {  	[tilespmem:s20], [sflag:$0x2] =	stream.indirect_vreg.gather [hbm4b:s6+s3], $0x80, v4, vm0, $0xb8;
	[tilespmem:$0x10400] =	vst v63  }
0x12d: {  	s20 =	simm.s32 $0xE400  }
0x12e: {  	[tilespmem:s20], [sflag:$0x2] =	stream.indirect_vreg.gather [hbm4b:s2+s3], $0x80, v3, vm0, $0xb8;
	[tilespmem:$0x10400] =	vst v63  }
0x12f: {  	s20 =	simm.s32 $0xEC00  }
0x130: {  	[tilespmem:s20], [sflag:$0x2] =	stream.indirect_vreg.gather [hbm4b:s4+s3], $0x80, v3, vm0, $0xb8;
	[tilespmem:$0x10400] =	vst v63  }
0x131: {  	s20 =	simm.s32 $0xF400  }
0x132: {  	[tilespmem:s20], [sflag:$0x2] =	stream.indirect_vreg.gather [hbm4b:s5+s3], $0x80, v3, vm0, $0xb8;
	[tilespmem:$0x10400] =	vst v63  }
0x133: {  	s20 =	simm.s32 $0xFC00  }
0x134: {  	[tilespmem:s20], [sflag:$0x2] =	stream.indirect_vreg.gather [hbm4b:s6+s3], $0x80, v3, vm0, $0xb8;
	[tilespmem:$0x10400] =	vst v63  }
0x135: {  	_ =	swait.ge [sflag:s18], $0x8000  }
0x136: {  	[sflag:s18] =	ssyncset.done $0x0  }
0x137: {  	s20 =	rddreg [dreg:$0x7];
	[sflag:s18] =	ssyncadd.s32 $0xFFFF8000  }
0x138: {  	[hbm4b:s20+s3] =	stream.linear.scatter [tilespmem:s9], [sflag:$0x3], $0x8000, $0x38;
	[tilespmem:$0x10400] =	vst v63  }
0x139: {  	_ =	swait.ge [sflag:s8], $0x8000  }
0x13a: {  	[sflag:s8] =	ssyncset.done $0x0  }
0x13b: {  	[sflag:s8] =	ssyncadd.s32 $0xFFFF8000  }
0x13c: {  	v3 =	vld [tilespmem:$0x300];
	_ =	sdelay $0x4  }
0x13d: {  	v60 =	vshll.u32 v3, $0x3  }
0x13e: {  	v3 =	vand.u32 $0x7, v3;
	v4 =	vand.u32 $0xFFFFFFC0, v60  }
0x13f: {  	v3 =	vor.u32 v3, v4  }
0x140: {  	v4 =	vperm.xlane v3, v0;
	_ =	sdelay $0x1  }
0x141: {  	v4 =	vadd.s32 v1, v4;
	_ =	sdelay $0x4  }
0x142: {  	[tilespmem:s9], [sflag:$0x1] =	stream.indirect_vreg.gather [hbm4b:s2+s3], $0x80, v4, vm0, $0xb8;
	[tilespmem:$0x10400] =	vst v63  }
0x143: {  	v3 =	vperm.xlane v3, v2  }
0x144: {  	[tilespmem:s21], [sflag:$0x1] =	stream.indirect_vreg.gather [hbm4b:s4+s3], $0x80, v4, vm0, $0xb8;
	[tilespmem:$0x10400] =	vst v63  }
0x145: {  	v3 =	vadd.s32 v1, v3  }
0x146: {  	[tilespmem:s22], [sflag:$0x1] =	stream.indirect_vreg.gather [hbm4b:s5+s3], $0x80, v4, vm0, $0xb8;
	[tilespmem:$0x10400] =	vst v63  }
0x147: {  	_ = 	snop  }
0x148: {  	[tilespmem:s23], [sflag:$0x1] =	stream.indirect_vreg.gather [hbm4b:s6+s3], $0x80, v4, vm0, $0xb8;
	[tilespmem:$0x10400] =	vst v63  }
0x149: {  	_ = 	snop  }
0x14a: {  	[tilespmem:s24], [sflag:$0x1] =	stream.indirect_vreg.gather [hbm4b:s2+s3], $0x80, v3, vm0, $0xb8;
	[tilespmem:$0x10400] =	vst v63  }
0x14b: {  	_ = 	snop  }
0x14c: {  	[tilespmem:s26], [sflag:$0x1] =	stream.indirect_vreg.gather [hbm4b:s4+s3], $0x80, v3, vm0, $0xb8;
	[tilespmem:$0x10400] =	vst v63  }
0x14d: {  	_ = 	snop  }
0x14e: {  	[tilespmem:s28], [sflag:$0x1] =	stream.indirect_vreg.gather [hbm4b:s5+s3], $0x80, v3, vm0, $0xb8;
	[tilespmem:$0x10400] =	vst v63  }
0x14f: {  	_ = 	snop  }
0x150: {  	[tilespmem:s29], [sflag:$0x1] =	stream.indirect_vreg.gather [hbm4b:s6+s3], $0x80, v3, vm0, $0xb8;
	[tilespmem:$0x10400] =	vst v63  }
0x151: {  	v3 =	vld [tilespmem:$0x310];
	_ =	sdelay $0x4  }
0x152: {  	v61 =	vshll.u32 v3, $0x3  }
0x153: {  	v3 =	vand.u32 $0x7, v3;
	v4 =	vand.u32 $0xFFFFFFC0, v61  }
0x154: {  	v3 =	vor.u32 v3, v4  }
0x155: {  	v4 =	vperm.xlane v3, v0;
	_ =	sdelay $0x1  }
0x156: {  	v4 =	vadd.s32 v1, v4;
	_ =	sdelay $0x4  }
0x157: {  	[tilespmem:s30], [sflag:$0x1] =	stream.indirect_vreg.gather [hbm4b:s2+s3], $0x80, v4, vm0, $0xb8;
	[tilespmem:$0x10400] =	vst v63  }
0x158: {  	v3 =	vperm.xlane v3, v2  }
0x159: {  	[tilespmem:s31], [sflag:$0x1] =	stream.indirect_vreg.gather [hbm4b:s4+s3], $0x80, v4, vm0, $0xb8;
	[tilespmem:$0x10400] =	vst v63  }
0x15a: {  	v3 =	vadd.s32 v1, v3  }
0x15b: {  	[tilespmem:s16], [sflag:$0x1] =	stream.indirect_vreg.gather [hbm4b:s5+s3], $0x80, v4, vm0, $0xb8;
	[tilespmem:$0x10400] =	vst v63  }
0x15c: {  	_ = 	snop  }
0x15d: {  	[tilespmem:s15], [sflag:$0x1] =	stream.indirect_vreg.gather [hbm4b:s6+s3], $0x80, v4, vm0, $0xb8;
	[tilespmem:$0x10400] =	vst v63  }
0x15e: {  	_ = 	snop  }
0x15f: {  	[tilespmem:s10], [sflag:$0x1] =	stream.indirect_vreg.gather [hbm4b:s2+s3], $0x80, v3, vm0, $0xb8;
	[tilespmem:$0x10400] =	vst v63  }
0x160: {  	_ = 	snop  }
0x161: {  	[tilespmem:s11], [sflag:$0x1] =	stream.indirect_vreg.gather [hbm4b:s4+s3], $0x80, v3, vm0, $0xb8;
	[tilespmem:$0x10400] =	vst v63  }
0x162: {  	_ = 	snop  }
0x163: {  	[tilespmem:s12], [sflag:$0x1] =	stream.indirect_vreg.gather [hbm4b:s5+s3], $0x80, v3, vm0, $0xb8;
	[tilespmem:$0x10400] =	vst v63  }
0x164: {  	_ = 	snop  }
0x165: {  	[tilespmem:s13], [sflag:$0x1] =	stream.indirect_vreg.gather [hbm4b:s6+s3], $0x80, v3, vm0, $0xb8;
	[tilespmem:$0x10400] =	vst v63  }
0x166: {  	_ =	swait.ge [sflag:s19], $0x8000  }
0x167: {  	[sflag:s19] =	ssyncset.done $0x0  }
0x168: {  	s10 =	rddreg [dreg:$0x8];
	[sflag:s19] =	ssyncadd.s32 $0xFFFF8000  }
0x169: {  	[hbm4b:s10+s3] =	stream.linear.scatter [tilespmem:s25], [sflag:$0x3], $0x8000, $0x38;
	[tilespmem:$0x10400] =	vst v63  }
0x16a: {  	_ =	swait.ge [sflag:s8], $0x8000  }
0x16b: {  	[sflag:s8] =	ssyncset.done $0x0  }
0x16c: {  	[sflag:s8] =	ssyncadd.s32 $0xFFFF8000  }
0x16d: {  	v3 =	vld [tilespmem:$0x380];
	_ =	sdelay $0x4  }
0x16e: {  	v62 =	vshll.u32 v3, $0x3  }
0x16f: {  	v3 =	vand.u32 $0x7, v3;
	v4 =	vand.u32 $0xFFFFFFC0, v62  }
0x170: {  	v3 =	vor.u32 v3, v4  }
0x171: {  	v4 =	vperm.xlane v3, v0;
	_ =	sdelay $0x1  }
0x172: {  	v4 =	vadd.s32 v1, v4;
	_ =	sdelay $0x4  }
0x173: {  	[tilespmem:s25], [sflag:$0x2] =	stream.indirect_vreg.gather [hbm4b:s2+s3], $0x80, v4, vm0, $0xb8;
	[tilespmem:$0x10400] =	vst v63  }
0x174: {  	s20 =	simm.s32 $0x8C00;
	v3 =	vperm.xlane v3, v2  }
0x175: {  	[tilespmem:s20], [sflag:$0x2] =	stream.indirect_vreg.gather [hbm4b:s4+s3], $0x80, v4, vm0, $0xb8;
	[tilespmem:$0x10400] =	vst v63  }
0x176: {  	s0 =	simm.s32 $0x9400;
	v3 =	vadd.s32 v1, v3  }
0x177: {  	[tilespmem:s0], [sflag:$0x2] =	stream.indirect_vreg.gather [hbm4b:s5+s3], $0x80, v4, vm0, $0xb8;
	[tilespmem:$0x10400] =	vst v63  }
0x178: {  	s1 =	simm.s32 $0x9C00  }
0x179: {  	[tilespmem:s1], [sflag:$0x2] =	stream.indirect_vreg.gather [hbm4b:s6+s3], $0x80, v4, vm0, $0xb8;
	[tilespmem:$0x10400] =	vst v63  }
0x17a: {  	s10 =	simm.s32 $0xA400  }
0x17b: {  	[tilespmem:s10], [sflag:$0x2] =	stream.indirect_vreg.gather [hbm4b:s2+s3], $0x80, v3, vm0, $0xb8;
	[tilespmem:$0x10400] =	vst v63  }
0x17c: {  	s14 =	simm.s32 $0xAC00  }
0x17d: {  	[tilespmem:s14], [sflag:$0x2] =	stream.indirect_vreg.gather [hbm4b:s4+s3], $0x80, v3, vm0, $0xb8;
	[tilespmem:$0x10400] =	vst v63  }
0x17e: {  	s17 =	simm.s32 $0xB400  }
0x17f: {  	[tilespmem:s17], [sflag:$0x2] =	stream.indirect_vreg.gather [hbm4b:s5+s3], $0x80, v3, vm0, $0xb8;
	[tilespmem:$0x10400] =	vst v63  }
0x180: {  	s17 =	simm.s32 $0xBC00  }
0x181: {  	[tilespmem:s17], [sflag:$0x2] =	stream.indirect_vreg.gather [hbm4b:s6+s3], $0x80, v3, vm0, $0xb8;
	[tilespmem:$0x10400] =	vst v63  }
0x182: {  	v3 =	vld [tilespmem:$0x390];
	_ =	sdelay $0x4  }
0x183: {  	v63 =	vshll.u32 v3, $0x3  }
0x184: {  	v3 =	vand.u32 $0x7, v3;
	v4 =	vand.u32 $0xFFFFFFC0, v63  }
0x185: {  	v3 =	vor.u32 v3, v4  }
0x186: {  	v4 =	vperm.xlane v3, v0;
	_ =	sdelay $0x1  }
0x187: {  	v4 =	vadd.s32 v1, v4;
	_ =	sdelay $0x3  }
0x188: {  	s20 =	simm.s32 $0xC400  }
0x189: {  	[tilespmem:s20], [sflag:$0x2] =	stream.indirect_vreg.gather [hbm4b:s2+s3], $0x80, v4, vm0, $0xb8;
	[tilespmem:$0x10400] =	vst v63  }
0x18a: {  	s1 =	simm.s32 $0xCC00;
	v3 =	vperm.xlane v3, v2  }
0x18b: {  	[tilespmem:s1], [sflag:$0x2] =	stream.indirect_vreg.gather [hbm4b:s4+s3], $0x80, v4, vm0, $0xb8;
	[tilespmem:$0x10400] =	vst v63  }
0x18c: {  	s10 =	simm.s32 $0xD400;
	v3 =	vadd.s32 v1, v3  }
0x18d: {  	[tilespmem:s10], [sflag:$0x2] =	stream.indirect_vreg.gather [hbm4b:s5+s3], $0x80, v4, vm0, $0xb8;
	[tilespmem:$0x10400] =	vst v63  }
0x18e: {  	s14 =	simm.s32 $0xDC00  }
0x18f: {  	[tilespmem:s14], [sflag:$0x2] =	stream.indirect_vreg.gather [hbm4b:s6+s3], $0x80, v4, vm0, $0xb8;
	[tilespmem:$0x10400] =	vst v63  }
0x190: {  	s17 =	simm.s32 $0xE400  }
0x191: {  	[tilespmem:s17], [sflag:$0x2] =	stream.indirect_vreg.gather [hbm4b:s2+s3], $0x80, v3, vm0, $0xb8;
	[tilespmem:$0x10400] =	vst v63  }
0x192: {  	s20 =	simm.s32 $0xEC00  }
0x193: {  	[tilespmem:s20], [sflag:$0x2] =	stream.indirect_vreg.gather [hbm4b:s4+s3], $0x80, v3, vm0, $0xb8;
	[tilespmem:$0x10400] =	vst v63  }
0x194: {  	s1 =	simm.s32 $0xF400  }
0x195: {  	[tilespmem:s1], [sflag:$0x2] =	stream.indirect_vreg.gather [hbm4b:s5+s3], $0x80, v3, vm0, $0xb8;
	[tilespmem:$0x10400] =	vst v63  }
0x196: {  	s10 =	simm.s32 $0xFC00  }
0x197: {  	[tilespmem:s10], [sflag:$0x2] =	stream.indirect_vreg.gather [hbm4b:s6+s3], $0x80, v3, vm0, $0xb8;
	[tilespmem:$0x10400] =	vst v63  }
0x198: {  	_ =	swait.ge [sflag:s18], $0x8000  }
0x199: {  	[sflag:s18] =	ssyncset.done $0x0  }
0x19a: {  	s14 =	rddreg [dreg:$0x9];
	[sflag:s18] =	ssyncadd.s32 $0xFFFF8000  }
0x19b: {  	[hbm4b:s14+s3] =	stream.linear.scatter [tilespmem:s9], [sflag:$0x3], $0x8000, $0x38;
	[tilespmem:$0x10400] =	vst v63  }
0x19c: {  	_ =	swait.ge [sflag:s8], $0x8000  }
0x19d: {  	[sflag:s8] =	ssyncset.done $0x0  }
0x19e: {  	[sflag:s8] =	ssyncadd.s32 $0xFFFF8000  }
0x19f: {  	_ =	swait.ge [sflag:s19], $0x8000  }
0x1a0: {  	p0 =	sne.s32 s7, $0x1;
	[sflag:s19] =	ssyncset.done $0x0  }
.Ltmp0:
0x1a1: {  	s17 =	rddreg [dreg:$0xa];
	[sflag:s19] =	ssyncadd.s32 $0xFFFF8000;
	(pc) =	sbr.rel @p0 .LBB2_1-.Ltmp0, $4  }
0x1a2: {  	[hbm4b:s17+s3] =	stream.linear.scatter [tilespmem:s25], [sflag:$0x3], $0x8000, $0x38;
	[tilespmem:$0x10400] =	vst v63  }
0x1a3: {  	_ =	swait.ge [sflag:s8], $0x8000  }
0x1a4: {  	[sflag:s8] =	ssyncset.done $0x0  }
0x1a5: {  	s7 =	sadd.s32 $0xFFFFFFFF, s7;
	[sflag:s8] =	ssyncadd.s32 $0xFFFF8000  }
0x1a6: {  	_ =	sfence.sel $0x180000  }
0x1a7: {  	[bflag:$0x0] =	sbarrier.arrive $0xFFFF  }
0x1a8: {  	_ =	strace $0x9000004A  }
0x1a9: {  	s0 =	stileid.u32;
	[bflag:$0x2] =	sbarrier.arrive $0xFFFF  }
0x1aa: {  	p0 =	sne.s32 s0, $0x0;
	s0 =	rddreg [dreg:$0x1]  }
0x1ab: {  	s0 =	sadd.s32 @!p0 $0x100000, s0  }
0x1ac: {  	[sflag:s0] =	ssyncadd.tile.s32 @!p0 $0x1;
	_ =	shalt  }
.Lfunc_end2:
_tile_overlayer_lowered:
.L_overlay_start_2:
0x1ad: {  	(tag) =	ssettag $0x2  }
0x1ae: {  	s0 =	rddreg [dreg:$0x0];
	s2 =	stileid.u32  }
0x1af: {  	s1 =	rddreg [dreg:$0x1];
	p0 =	sne.s32 s2, $0x0  }
0x1b0: {  	s3 =	rddreg [dreg:$0x2];
	[bflag:$0x3] =	sbarrier.arrive $0xFFFF;
	s2 =	simm.s32 @!p0 $0x1C03  }
0x1b1: {  	[timem:s3], [sflag:s2] =	dma.local @!p0 [hbm:s0], s1  }
0x1b2: {  	s0 =	simm.s32 @!p0 $0x3  }
0x1b3: {  	_ =	swait.ge @!p0 [sflag:s0], s1  }
0x1b4: {  	s1 =	ssub.s32 @!p0 $0x0, s1;
	[sflag:s0] =	ssyncset.done @!p0 $0x0  }
0x1b5: {  	[sflag:s0] =	ssyncadd.s32 @!p0 s1  }
0x1b6: {  	[bflag:$0x3] =	sbarrier.arrive $0xFFFF  }
0x1b7: {  	_ =	shalt  }

// kernel: kernel.8.cloned.1.call-start
scs
__scs_entry_jumppad:
0x0: {  	(pc) =	sbr.rel $0x88, $3  }
0x1: {  	(tag) =	ssettag $0x0;
	lr =	simm.s32 $0x1  }
0x2: {  	[smem:$0x3F9F] =	sst lr;
	_ =	strace $0xD0000000  }
0x3: {  	_ = 	snop  }
0x4: {  	_ = 	snop  }
0x5: {  	_ = 	snop  }
0x6: {  	_ = 	snop  }
0x7: {  	_ = 	snop  }
__scs_overlays_trampoline_lowered:
0x8: {  	[smem:$0x3FAE] =	sst s0  }
0x9: {  	[smem:$0x3FAF] =	sst s1  }
0xa: {  	[smem:$0x3FB0] =	sst s2  }
0xb: {  	[smem:$0x3FB1] =	sst s3  }
0xc: {  	[smem:$0x3FB2] =	sst s4  }
0xd: {  	[smem:$0x3FB3] =	sst s5  }
0xe: {  	[smem:$0x3FB4] =	sst s6  }
0xf: {  	[smem:$0x3FB5] =	sst s7  }
0x10: {  	[smem:$0x3FB6] =	sst s8  }
0x11: {  	[smem:$0x3FB7] =	sst s9;
	s0 =	simm.s32 @!p0 $0x0  }
0x12: {  	s1 =	sld [smem:$0x3F9D];
	s0 =	simm.s32 @p0 $0x1  }
0x13: {  	[smem:$0x3FB8] =	sst s0;
	s0 =	simm.s32 @!p1 $0x0  }
0x14: {  	s2 =	sld [smem:$0x3F9C];
	s0 =	simm.s32 @p1 $0x1  }
0x15: {  	[smem:$0x3FB9] =	sst s0;
	s0 =	simm.s32 @!p2 $0x0  }
0x16: {  	s3 =	sld [smem:$0x3FDB];
	s0 =	simm.s32 @p2 $0x1  }
0x17: {  	s4 =	simm.s32 $0x1BF5;
	[smem:$0x3FBB] =	sst s0  }
0x18: {  	s0 =	sld [smem:$0x3F9E];
	_ =	swait.ge [sflag:s4], $0x0  }
0x19: {  	s7 =	sld [smem:$0x3F9F]  }
0x1a: {  	s8 =	sadd.s32 $0xFFFFE003, lr  }
0x1b: {  	s9 =	sadd.s32 $0xFFFFFEF7, lr;
	s5 =	simm.s32 $0xFFFFFFFF;
	p2 =	slt.u32 s8, $0xFFFFF086  }
0x1c: {  	p1 =	slt.u32 s9, $0xF7A;
	s5 =	simm.s32 @!p2 $0x0  }
0x1d: {  	s5 =	simm.s32 @p1 $0x1;
	p0 =	seq.s32 s7, s2  }
0x1e: {  	s7 =	smul.u32 @!p0 $0xF7A, s2;
	p2 =	seq.s32 @!p0 s5, $0x0  }
0x1f: {  	s9 =	smul.u32 $0xF7A, s1;
	s8 =	simm.s32 @!p0 $0x1BF5;
	p2 =	por !p2, p0  }
0x20: {  	[sflag:s8] =	ssyncset.s32 @!p0 $0xFFFFF086;
	s6 =	sadd.s32 @!p0 s3, s7;
	s7 =	simm.s32 @!p0 $0x108  }
0x21: {  	s3 =	sadd.s32 s3, s9;
	s6 =	sadd.s32 @!p0 $0x88, s6;
	s7 =	simm.s32 @p2 $0x1082  }
0x22: {  	[simem:s7], [sflag:s8] =	dma.local @!p0 [hbm:s6], $0xF7A  }
0x23: {  	s9 =	sor.u32 $0xD0000000, s2;
	s6 =	simm.s32 $0x108;
	_ =	swait.ge @!p0 [sflag:s8], $0x0  }
0x24: {  	s3 =	sadd.s32 $0x88, s3;
	s6 =	simm.s32 @!p1 $0x1082;
	[sflag:s4] =	ssyncset.s32 $0xFFFFF086  }
0x25: {  	[simem:s6], [sflag:s4] =	dma.local [hbm:s3], $0xF7A  }
0x26: {  	[smem:$0x3F9F] =	sst s1;
	(tag) =	ssettag s2;
	_ =	strace s9  }
0x27: {  	s1 =	sld [smem:$0x3FAF]  }
0x28: {  	s2 =	sld [smem:$0x3FB0]  }
0x29: {  	s4 =	sld [smem:$0x3FB2]  }
0x2a: {  	p0 =	seq.s32 s5, $0x0;
	s5 =	sld [smem:$0x3FB3]  }
0x2b: {  	s6 =	sld [smem:$0x3FB4]  }
0x2c: {  	s7 =	sld [smem:$0x3FB5]  }
0x2d: {  	s3 =	simm.s32 $0x108;
	s8 =	sld [smem:$0x3FB6]  }
0x2e: {  	s3 =	simm.s32 @!p0 $0x1082;
	s9 =	sld [smem:$0x3FB7]  }
0x2f: {  	lr =	sadd.s32 s0, s3;
	s0 =	sld [smem:$0x3FAE]  }
0x30: {  	s3 =	sld [smem:$0x3FB1]  }
0x31: {  	[smem:$0x3FBA] =	sst s10  }
0x32: {  	s10 =	sld [smem:$0x3FB8];
	_ =	sdelay $0x3  }
0x33: {  	p0 =	seq.s32 s10, $0x1;
	s10 =	sld [smem:$0x3FBA];
	_ =	sdelay $0x3  }
0x34: {  	[smem:$0x3FBA] =	sst s10  }
0x35: {  	s10 =	sld [smem:$0x3FB9];
	_ =	sdelay $0x3  }
0x36: {  	p1 =	seq.s32 s10, $0x1;
	s10 =	sld [smem:$0x3FBA];
	_ =	sdelay $0x3  }
0x37: {  	[smem:$0x3FBA] =	sst s10  }
0x38: {  	s10 =	sld [smem:$0x3FBB]  }
0x39: {  	_ = 	snop;
	(pc) =	sbr.ind lr, $3  }
0x3a: {  	_ = 	snop  }
0x3b: {  	_ = 	snop  }
0x3c: {  	p2 =	seq.s32 s10, $0x1;
	s10 =	sld [smem:$0x3FBA]  }
0x3d: {  	_ =	shalt  }
0x3e: {  	_ =	shalt  }
0x3f: {  	_ =	shalt  }
0x40: {  	_ =	shalt  }
0x41: {  	_ =	shalt  }
0x42: {  	_ =	shalt  }
0x43: {  	_ =	shalt  }
0x44: {  	_ =	shalt  }
0x45: {  	_ =	shalt  }
0x46: {  	_ =	shalt  }
0x47: {  	_ =	shalt  }
0x48: {  	_ =	shalt  }
0x49: {  	_ =	shalt  }
0x4a: {  	_ =	shalt  }
0x4b: {  	_ =	shalt  }
0x4c: {  	_ =	shalt  }
0x4d: {  	_ =	shalt  }
0x4e: {  	_ =	shalt  }
0x4f: {  	_ =	shalt  }
0x50: {  	_ =	shalt  }
0x51: {  	_ =	shalt  }
0x52: {  	_ =	shalt  }
0x53: {  	_ =	shalt  }
0x54: {  	_ =	shalt  }
0x55: {  	_ =	shalt  }
0x56: {  	_ =	shalt  }
0x57: {  	_ =	shalt  }
0x58: {  	_ =	shalt  }
0x59: {  	_ =	shalt  }
0x5a: {  	_ =	shalt  }
0x5b: {  	_ =	shalt  }
0x5c: {  	_ =	shalt  }
0x5d: {  	_ =	shalt  }
0x5e: {  	_ =	shalt  }
0x5f: {  	_ =	shalt  }
0x60: {  	_ =	shalt  }
0x61: {  	_ =	shalt  }
0x62: {  	_ =	shalt  }
0x63: {  	_ =	shalt  }
0x64: {  	_ =	shalt  }
0x65: {  	_ =	shalt  }
0x66: {  	_ =	shalt  }
0x67: {  	_ =	shalt  }
0x68: {  	_ =	shalt  }
0x69: {  	_ =	shalt  }
0x6a: {  	_ =	shalt  }
0x6b: {  	_ =	shalt  }
0x6c: {  	_ =	shalt  }
0x6d: {  	_ =	shalt  }
0x6e: {  	_ =	shalt  }
0x6f: {  	_ =	shalt  }
0x70: {  	_ =	shalt  }
0x71: {  	_ =	shalt  }
0x72: {  	_ =	shalt  }
0x73: {  	_ =	shalt  }
0x74: {  	_ =	shalt  }
0x75: {  	_ =	shalt  }
0x76: {  	_ =	shalt  }
0x77: {  	_ =	shalt  }
0x78: {  	_ =	shalt  }
0x79: {  	_ =	shalt  }
0x7a: {  	_ =	shalt  }
0x7b: {  	_ =	shalt  }
0x7c: {  	_ =	shalt  }
0x7d: {  	_ =	shalt  }
0x7e: {  	_ =	shalt  }
0x7f: {  	_ =	shalt  }
0x80: {  	_ =	shalt  }
0x81: {  	_ =	shalt  }
0x82: {  	_ =	shalt  }
0x83: {  	_ =	shalt  }
0x84: {  	_ =	shalt  }
0x85: {  	_ =	shalt  }
0x86: {  	_ =	shalt  }
0x87: {  	_ =	shalt  }
.Lfunc_end0:
.L_simem_size_0:
called_computation_lowered:
.L_overlay_start_0:
0x88: {  	s2 =	sld [smem:$0x3FD9]  }
0x89: {  	s3 =	sld [smem:$0x3FFE];
	_ =	sdelay $0x1  }
0x8a: {  	s1 =	srdreg.scid  }
0x8b: {  	s0 =	sand.u32 $0x1, s1  }
0x8c: {  	s14 =	sshll.u32 s0, $0xA;
	s2 =	sadd.s32 s3, s2  }
0x8d: {  	s2 =	sadd.s32 s2, s14  }
0x8e: {  	[smem:$0x3FC6] =	sst s2  }
0x8f: {  	_ = 	snop  }
0x90: {  	s2 =	sld [smem:$0x3FD0];
	_ =	sdelay $0x2  }
0x91: {  	s15 =	simm.s32 $0xB;
	s4 =	simm.s32 $0x10  }
0x92: {  	[smem:s4], [sflag:s15] =	dma.local [hbm:s2], $0x1  }
0x93: {  	_ =	swait.eq [sflag:s15], $0x1  }
0x94: {  	[sflag:s15] =	ssyncset.done $0x0  }
0x95: {  	[sflag:s15] =	ssyncadd.s32 $0xFFFFFFFF  }
0x96: {  	s16 =	sld [smem:$0x10];
	(tm) =	ssettm $0x1  }
0x97: {  	s17 =	sld [smem:$0x3FFB];
	_ =	sdelay $0x3  }
0x98: {  	_ =	strace s17  }
0x99: {  	s3 =	sld [smem:$0x3FFC];
	_ =	sdelay $0x3  }
0x9a: {  	_ =	strace s3  }
0x9b: {  	s3 =	sld [smem:$0x3FFD];
	_ =	sdelay $0x3  }
0x9c: {  	_ =	strace s3  }
0x9d: {  	_ =	strace $0x8FFFFFFF  }
0x9e: {  	s18 =	sld [smem:$0x3FDB];
	_ =	sdelay $0x1  }
0x9f: {  	s19 =	simm.s32 $_scs_section_size  }
0xa0: {  	s5 =	simm.s32 $_size__tile_overlayer_lowered;
	s6 =	simm.s32 $_tile_overlayer_lowered  }
0xa1: {  	s22 =	simm.s32 $0x1BFF;
	s21 =	sshll.u32 s6, $0x1;
	s3 =	sadd.s32 s19, s18  }
0xa2: {  	s7 =	simm.s32 $0x0;
	s20 =	sshll.u32 s5, $0x1;
	s5 =	sadd.s32 s21, s3  }
0xa3: {  	[timem:s7], [sflag:s22] =	dma.local [hbm:s5], s20  }
0xa4: {  	_ =	swait.ge [sflag:s22], s20  }
0xa5: {  	s4 =	ssub.s32 $0x0, s20;
	[sflag:s22] =	ssyncset.done $0x0  }
0xa6: {  	[sflag:s22] =	ssyncadd.s32 s4;
	_ =	sdelay $0x1  }
0xa7: {  	s23 =	simm.s32 $0x1B8B  }
0xa8: {  	_ =	swait.ge [sflag:s23], $0x1  }
0xa9: {  	[sflag:s23] =	ssyncset.done $0x0  }
0xaa: {  	s25 =	simm.s32 $0x1B8E;
	s24 =	sld [smem:$0x3FFE];
	[sflag:s23] =	ssyncadd.s32 $0xFFFFFFFF  }
0xab: {  	s26 =	simm.s32 $execute0_lowered;
	[smem:$0x3FD2] =	sst s25  }
0xac: {  	s5 =	sshll.u32 s26, $0x1;
	_ =	strace $0x80000046;
	[dreg:$0x1] =	wrdreg $0xFFFFFFFF  }
0xad: {  	s28 =	simm.s32 $_size_execute0_lowered;
	s3 =	sadd.s32 s3, s5;
	[dreg:$0x0] =	wrdreg $0x0  }
0xae: {  	s5 =	sshll.u32 s28, $0x1;
	[dreg:$0x2] =	wrdreg s3  }
0xaf: {  	[dreg:$0x3] =	wrdreg s5  }
0xb0: {  	[dreg:$0x4] =	wrdreg $0xC0  }
0xb1: {  	_ =	task [dreg:s7], $0x5FFFF  }
0xb2: {  	[dreg:$0x1] =	wrdreg $0xFFFFFFFF  }
0xb3: {  	[dreg:$0x0] =	wrdreg $0x60  }
0xb4: {  	[dreg:$0x2] =	wrdreg s24  }
0xb5: {  	[dreg:$0x3] =	wrdreg s16  }
0xb6: {  	[dreg:$0x4] =	wrdreg $0x9  }
0xb7: {  	_ =	task.clear_ibuf [dreg:s7], $0x5FFFF;
	_ =	strace $0x90000046  }
0xb8: {  	s29 =	simm.s32 $0x9;
	_ =	strace $0x80000048  }
0xb9: {  	_ =	swait.ge [sflag:s29], $0x1  }
0xba: {  	[sflag:s29] =	ssyncadd.s32 $0xFFFFFFFF  }
0xbb: {  	_ =	strace $0x90000048  }
0xbc: {  	_ =	sfence  }
0xbd: {  	s30 =	sld [smem:$0x0];
	_ =	sdelay $0x2  }
0xbe: {  	s31 =	sshll.u32 s1, $0xD;
	s1 =	sshrl.u32 s1, $0x2  }
0xbf: {  	s3 =	sand.u32 $0x4000, s31;
	s1 =	sadd.s32 s1, s30  }
0xc0: {  	s0 =	sor.u32 s3, s0;
	s1 =	sshll.u32 s1, $0x11  }
0xc1: {  	s0 =	sor.u32 s1, s0  }
0xc2: {  	s0 =	sadd.s32 $0x8F2B, s0  }
0xc3: {  	[sflag:s0] =	ssyncadd.remote.s32 $0x1  }
0xc4: {  	_ =	sfence.sel $0xFFFF  }
0xc5: {  	[dreg:$0x0] =	wrdreg $0xFFFFFFFF;
	(pc) =	sbr.abs _section_cstart, $3  }
0xc6: {  	[dreg:$0x1] =	wrdreg $0xFFFFFFFF  }
0xc7: {  	_ =	task.clear_ibuf [dreg:s7], $0x2FFFF;
	_ =	strace $0x9FFFFFFF  }
0xc8: {  	(tm) =	ssettm $0x7FFFFFFF  }
0xc9: {  	_ =	shalt  }
tec
execute0_lowered:
.L_overlay_start_1:
0x0: {  	(tag) =	ssettag $0x1  }
0x1: {  	s2 =	rddreg [dreg:$0x0]  }
0x2: {  	s0 =	srdreg.scid;
	s3 =	stileid.u32  }
0x3: {  	s1 =	rddreg [dreg:$0x1];
	s8 =	simm.s32 $0x3;
	s9 =	simm.s32 $0x400  }
0x4: {  	s28 =	simm.s32 $0x3400;
	s29 =	simm.s32 $0x3C00;
	s30 =	simm.s32 $0x4400  }
0x5: {  	s31 =	simm.s32 $0x4C00;
	s16 =	simm.s32 $0x5400;
	s15 =	simm.s32 $0x5C00  }
0x6: {  	s11 =	simm.s32 $0x6C00;
	s0 =	sand.u32 $0x1, s0;
	s4 =	sshll.u32 s3, $0x1  }
0x7: {  	s12 =	simm.s32 $0x7400;
	s13 =	simm.s32 $0x7C00;
	s4 =	sor.u32 s0, s4  }
0x8: {  	s3 =	simm.s32 $0x0;
	s5 =	sshll.u32 s4, $0xF;
	s4 =	sshll.u32 s4, $0x7  }
0x9: {  	[smem:$0x7FF] =	sst s3;
	s5 =	sadd.s32 s5, s2;
	s1 =	sadd.s32 s1, s4  }
0xa: {  	_ =	strace $0x80000047;
	[dreg:$0x3] =	wrdreg s1;
	s18 =	sadd.s32 $0x20000, s5  }
0xb: {  	s6 =	sadd.s32 $0x300, s2;
	s19 =	sadd.s32 $0x21000, s5;
	[dreg:$0x4] =	wrdreg s18  }
0xc: {  	s0 =	ssub.s32 $0x2, s0;
	s20 =	sadd.s32 $0x22000, s5;
	[dreg:$0x5] =	wrdreg s19  }
0xd: {  	s23 =	sshrl.u32 s0, $0x1;
	s21 =	sadd.s32 $0x23000, s5;
	[dreg:$0x6] =	wrdreg s20  }
0xe: {  	s0 =	ssub.s32 s0, s23;
	s22 =	sadd.s32 $0x24000, s5;
	[dreg:$0x7] =	wrdreg s21  }
0xf: {  	s4 =	sadd.s32 $0x100, s2;
	s24 =	sadd.s32 $0x25000, s5;
	[dreg:$0x8] =	wrdreg s22  }
0x10: {  	s23 =	simm.s32 $0x1C00;
	s25 =	sadd.s32 $0x26000, s5;
	[dreg:$0x9] =	wrdreg s24  }
0x11: {  	s26 =	sadd.s32 $0x27000, s5;
	s5 =	sadd.s32 $0x200, s2;
	[dreg:$0xa] =	wrdreg s25  }
0x12: {  	v2 =	vlaneseq.u32;
	s7 =	smax.u32 s0, $0x1;
	[dreg:$0xb] =	wrdreg s26;
	s25 =	simm.s32 $0x8400  }
0x13: {  	vm0 =	vmmov $0xffff;
	v1 =	vshrl.u32 v2, $0x3;
	s18 =	simm.s32 $0x1;
	s19 =	simm.s32 $0x2;
	s21 =	simm.s32 $0xC00  }
0x14: {  	v0 =	vand.u32 $0x7, v2;
	v2 =	vor.u32 $0x8, v2;
	v1 =	vmul.u32 $0x8, v1;
	s22 =	simm.s32 $0x1400;
	s24 =	simm.s32 $0x2400;
	s26 =	simm.s32 $0x2C00  }
.LBB2_1:
0x15: {  	s20 =	rddreg [dreg:$0x3]  }
0x16: {  	[tilespmem:s3], [sflag:$0x3] =	stream.linear.gather [hbm4b:s20+s3], $0x400, $0x38;
	[tilespmem:$0x10400] =	vst v63  }
0x17: {  	_ =	swait.ge [sflag:s8], $0x400  }
0x18: {  	[sflag:s8] =	ssyncset.done $0x0  }
0x19: {  	[sflag:s8] =	ssyncadd.s32 $0xFFFFFC00  }
0x1a: {  	v3 =	vld [tilespmem:$0x0];
	_ =	sdelay $0x4  }
0x1b: {  	v4 =	vshll.u32 v3, $0x3  }
0x1c: {  	v3 =	vand.u32 $0x7, v3;
	v4 =	vand.u32 $0xFFFFFFC0, v4  }
0x1d: {  	v3 =	vor.u32 v3, v4  }
0x1e: {  	v4 =	vperm.xlane v3, v0;
	_ =	sdelay $0x1  }
0x1f: {  	v4 =	vadd.s32 v1, v4;
	_ =	sdelay $0x4  }
0x20: {  	[tilespmem:s9], [sflag:$0x1] =	stream.indirect_vreg.gather [hbm4b:s2+s3], $0x80, v4, vm0, $0xb8;
	[tilespmem:$0x10400] =	vst v63  }
0x21: {  	v3 =	vperm.xlane v3, v2  }
0x22: {  	[tilespmem:s21], [sflag:$0x1] =	stream.indirect_vreg.gather [hbm4b:s4+s3], $0x80, v4, vm0, $0xb8;
	[tilespmem:$0x10400] =	vst v63  }
0x23: {  	v3 =	vadd.s32 v1, v3  }
0x24: {  	[tilespmem:s22], [sflag:$0x1] =	stream.indirect_vreg.gather [hbm4b:s5+s3], $0x80, v4, vm0, $0xb8;
	[tilespmem:$0x10400] =	vst v63  }
0x25: {  	_ = 	snop  }
0x26: {  	[tilespmem:s23], [sflag:$0x1] =	stream.indirect_vreg.gather [hbm4b:s6+s3], $0x80, v4, vm0, $0xb8;
	[tilespmem:$0x10400] =	vst v63  }
0x27: {  	_ = 	snop  }
0x28: {  	[tilespmem:s24], [sflag:$0x1] =	stream.indirect_vreg.gather [hbm4b:s2+s3], $0x80, v3, vm0, $0xb8;
	[tilespmem:$0x10400] =	vst v63  }
0x29: {  	_ = 	snop  }
0x2a: {  	[tilespmem:s26], [sflag:$0x1] =	stream.indirect_vreg.gather [hbm4b:s4+s3], $0x80, v3, vm0, $0xb8;
	[tilespmem:$0x10400] =	vst v63  }
0x2b: {  	_ = 	snop  }
0x2c: {  	[tilespmem:s28], [sflag:$0x1] =	stream.indirect_vreg.gather [hbm4b:s5+s3], $0x80, v3, vm0, $0xb8;
	[tilespmem:$0x10400] =	vst v63  }
0x2d: {  	_ = 	snop  }
0x2e: {  	[tilespmem:s29], [sflag:$0x1] =	stream.indirect_vreg.gather [hbm4b:s6+s3], $0x80, v3, vm0, $0xb8;
	[tilespmem:$0x10400] =	vst v63  }
0x2f: {  	v3 =	vld [tilespmem:$0x10];
	_ =	sdelay $0x4  }
0x30: {  	v49 =	vshll.u32 v3, $0x3  }
0x31: {  	v3 =	vand.u32 $0x7, v3;
	v4 =	vand.u32 $0xFFFFFFC0, v49  }
0x32: {  	v3 =	vor.u32 v3, v4  }
0x33: {  	v4 =	vperm.xlane v3, v0;
	_ =	sdelay $0x1  }
0x34: {  	v4 =	vadd.s32 v1, v4;
	_ =	sdelay $0x4  }
0x35: {  	[tilespmem:s30], [sflag:$0x1] =	stream.indirect_vreg.gather [hbm4b:s2+s3], $0x80, v4, vm0, $0xb8;
	[tilespmem:$0x10400] =	vst v63  }
0x36: {  	v3 =	vperm.xlane v3, v2  }
0x37: {  	[tilespmem:s31], [sflag:$0x1] =	stream.indirect_vreg.gather [hbm4b:s4+s3], $0x80, v4, vm0, $0xb8;
	[tilespmem:$0x10400] =	vst v63  }
0x38: {  	v3 =	vadd.s32 v1, v3  }
0x39: {  	[tilespmem:s16], [sflag:$0x1] =	stream.indirect_vreg.gather [hbm4b:s5+s3], $0x80, v4, vm0, $0xb8;
	[tilespmem:$0x10400] =	vst v63  }
0x3a: {  	_ = 	snop  }
0x3b: {  	[tilespmem:s15], [sflag:$0x1] =	stream.indirect_vreg.gather [hbm4b:s6+s3], $0x80, v4, vm0, $0xb8;
	[tilespmem:$0x10400] =	vst v63  }
0x3c: {  	s10 =	simm.s32 $0x6400  }
0x3d: {  	[tilespmem:s10], [sflag:$0x1] =	stream.indirect_vreg.gather [hbm4b:s2+s3], $0x80, v3, vm0, $0xb8;
	[tilespmem:$0x10400] =	vst v63  }
0x3e: {  	_ = 	snop  }
0x3f: {  	[tilespmem:s11], [sflag:$0x1] =	stream.indirect_vreg.gather [hbm4b:s4+s3], $0x80, v3, vm0, $0xb8;
	[tilespmem:$0x10400] =	vst v63  }
0x40: {  	_ = 	snop  }
0x41: {  	[tilespmem:s12], [sflag:$0x1] =	stream.indirect_vreg.gather [hbm4b:s5+s3], $0x80, v3, vm0, $0xb8;
	[tilespmem:$0x10400] =	vst v63  }
0x42: {  	_ = 	snop  }
0x43: {  	[tilespmem:s13], [sflag:$0x1] =	stream.indirect_vreg.gather [hbm4b:s6+s3], $0x80, v3, vm0, $0xb8;
	[tilespmem:$0x10400] =	vst v63  }
0x44: {  	v3 =	vld [tilespmem:$0x80];
	_ =	sdelay $0x4  }
0x45: {  	v50 =	vshll.u32 v3, $0x3  }
0x46: {  	v3 =	vand.u32 $0x7, v3;
	v4 =	vand.u32 $0xFFFFFFC0, v50  }
0x47: {  	v3 =	vor.u32 v3, v4  }
0x48: {  	v4 =	vperm.xlane v3, v0;
	_ =	sdelay $0x1  }
0x49: {  	v4 =	vadd.s32 v1, v4;
	_ =	sdelay $0x4  }
0x4a: {  	[tilespmem:s25], [sflag:$0x2] =	stream.indirect_vreg.gather [hbm4b:s2+s3], $0x80, v4, vm0, $0xb8;
	[tilespmem:$0x10400] =	vst v63  }
0x4b: {  	s14 =	simm.s32 $0x8C00;
	v3 =	vperm.xlane v3, v2  }
0x4c: {  	[tilespmem:s14], [sflag:$0x2] =	stream.indirect_vreg.gather [hbm4b:s4+s3], $0x80, v4, vm0, $0xb8;
	[tilespmem:$0x10400] =	vst v63  }
0x4d: {  	s17 =	simm.s32 $0x9400;
	v3 =	vadd.s32 v1, v3  }
0x4e: {  	[tilespmem:s17], [sflag:$0x2] =	stream.indirect_vreg.gather [hbm4b:s5+s3], $0x80, v4, vm0, $0xb8;
	[tilespmem:$0x10400] =	vst v63  }
0x4f: {  	s20 =	simm.s32 $0x9C00  }
0x50: {  	[tilespmem:s20], [sflag:$0x2] =	stream.indirect_vreg.gather [hbm4b:s6+s3], $0x80, v4, vm0, $0xb8;
	[tilespmem:$0x10400] =	vst v63  }
0x51: {  	s1 =	simm.s32 $0xA400  }
0x52: {  	[tilespmem:s1], [sflag:$0x2] =	stream.indirect_vreg.gather [hbm4b:s2+s3], $0x80, v3, vm0, $0xb8;
	[tilespmem:$0x10400] =	vst v63  }
0x53: {  	s17 =	simm.s32 $0xAC00  }
0x54: {  	[tilespmem:s17], [sflag:$0x2] =	stream.indirect_vreg.gather [hbm4b:s4+s3], $0x80, v3, vm0, $0xb8;
	[tilespmem:$0x10400] =	vst v63  }
0x55: {  	s1 =	simm.s32 $0xB400  }
0x56: {  	[tilespmem:s1], [sflag:$0x2] =	stream.indirect_vreg.gather [hbm4b:s5+s3], $0x80, v3, vm0, $0xb8;
	[tilespmem:$0x10400] =	vst v63  }
0x57: {  	s14 =	simm.s32 $0xBC00  }
0x58: {  	[tilespmem:s14], [sflag:$0x2] =	stream.indirect_vreg.gather [hbm4b:s6+s3], $0x80, v3, vm0, $0xb8;
	[tilespmem:$0x10400] =	vst v63  }
0x59: {  	v3 =	vld [tilespmem:$0x90];
	_ =	sdelay $0x4  }
0x5a: {  	v51 =	vshll.u32 v3, $0x3  }
0x5b: {  	v3 =	vand.u32 $0x7, v3;
	v4 =	vand.u32 $0xFFFFFFC0, v51  }
0x5c: {  	v3 =	vor.u32 v3, v4  }
0x5d: {  	v4 =	vperm.xlane v3, v0;
	_ =	sdelay $0x1  }
0x5e: {  	v4 =	vadd.s32 v1, v4;
	_ =	sdelay $0x3  }
0x5f: {  	s17 =	simm.s32 $0xC400  }
0x60: {  	[tilespmem:s17], [sflag:$0x2] =	stream.indirect_vreg.gather [hbm4b:s2+s3], $0x80, v4, vm0, $0xb8;
	[tilespmem:$0x10400] =	vst v63  }
0x61: {  	s1 =	simm.s32 $0xCC00;
	v3 =	vperm.xlane v3, v2  }
0x62: {  	[tilespmem:s1], [sflag:$0x2] =	stream.indirect_vreg.gather [hbm4b:s4+s3], $0x80, v4, vm0, $0xb8;
	[tilespmem:$0x10400] =	vst v63  }
0x63: {  	v3 =	vadd.s32 v1, v3;
	s1 =	simm.s32 $0xD400  }
0x64: {  	[tilespmem:s1], [sflag:$0x2] =	stream.indirect_vreg.gather [hbm4b:s5+s3], $0x80, v4, vm0, $0xb8;
	[tilespmem:$0x10400] =	vst v63  }
0x65: {  	s1 =	simm.s32 $0xDC00  }
0x66: {  	[tilespmem:s1], [sflag:$0x2] =	stream.indirect_vreg.gather [hbm4b:s6+s3], $0x80, v4, vm0, $0xb8;
	[tilespmem:$0x10400] =	vst v63  }
0x67: {  	s1 =	simm.s32 $0xE400  }
0x68: {  	[tilespmem:s1], [sflag:$0x2] =	stream.indirect_vreg.gather [hbm4b:s2+s3], $0x80, v3, vm0, $0xb8;
	[tilespmem:$0x10400] =	vst v63  }
0x69: {  	s1 =	simm.s32 $0xEC00  }
0x6a: {  	[tilespmem:s1], [sflag:$0x2] =	stream.indirect_vreg.gather [hbm4b:s4+s3], $0x80, v3, vm0, $0xb8;
	[tilespmem:$0x10400] =	vst v63  }
0x6b: {  	s1 =	simm.s32 $0xF400  }
0x6c: {  	[tilespmem:s1], [sflag:$0x2] =	stream.indirect_vreg.gather [hbm4b:s5+s3], $0x80, v3, vm0, $0xb8;
	[tilespmem:$0x10400] =	vst v63  }
0x6d: {  	s1 =	simm.s32 $0xFC00  }
0x6e: {  	[tilespmem:s1], [sflag:$0x2] =	stream.indirect_vreg.gather [hbm4b:s6+s3], $0x80, v3, vm0, $0xb8;
	[tilespmem:$0x10400] =	vst v63  }
0x6f: {  	_ =	swait.ge [sflag:s18], $0x8000  }
0x70: {  	[sflag:s18] =	ssyncset.done $0x0  }
0x71: {  	s1 =	rddreg [dreg:$0x4];
	[sflag:s18] =	ssyncadd.s32 $0xFFFF8000  }
0x72: {  	[hbm4b:s1+s3] =	stream.linear.scatter [tilespmem:s9], [sflag:$0x3], $0x8000, $0x38;
	[tilespmem:$0x10400] =	vst v63  }
0x73: {  	_ =	swait.ge [sflag:s8], $0x8000  }
0x74: {  	[sflag:s8] =	ssyncset.done $0x0  }
0x75: {  	[sflag:s8] =	ssyncadd.s32 $0xFFFF8000  }
0x76: {  	v3 =	vld [tilespmem:$0x100];
	_ =	sdelay $0x4  }
0x77: {  	v52 =	vshll.u32 v3, $0x3  }
0x78: {  	v3 =	vand.u32 $0x7, v3;
	v4 =	vand.u32 $0xFFFFFFC0, v52  }
0x79: {  	v3 =	vor.u32 v3, v4  }
0x7a: {  	v4 =	vperm.xlane v3, v0;
	_ =	sdelay $0x1  }
0x7b: {  	v4 =	vadd.s32 v1, v4;
	_ =	sdelay $0x4  }
0x7c: {  	[tilespmem:s9], [sflag:$0x1] =	stream.indirect_vreg.gather [hbm4b:s2+s3], $0x80, v4, vm0, $0xb8;
	[tilespmem:$0x10400] =	vst v63  }
0x7d: {  	v3 =	vperm.xlane v3, v2  }
0x7e: {  	[tilespmem:s21], [sflag:$0x1] =	stream.indirect_vreg.gather [hbm4b:s4+s3], $0x80, v4, vm0, $0xb8;
	[tilespmem:$0x10400] =	vst v63  }
0x7f: {  	v3 =	vadd.s32 v1, v3  }
0x80: {  	[tilespmem:s22], [sflag:$0x1] =	stream.indirect_vreg.gather [hbm4b:s5+s3], $0x80, v4, vm0, $0xb8;
	[tilespmem:$0x10400] =	vst v63  }
0x81: {  	_ = 	snop  }
0x82: {  	[tilespmem:s23], [sflag:$0x1] =	stream.indirect_vreg.gather [hbm4b:s6+s3], $0x80, v4, vm0, $0xb8;
	[tilespmem:$0x10400] =	vst v63  }
0x83: {  	_ = 	snop  }
0x84: {  	[tilespmem:s24], [sflag:$0x1] =	stream.indirect_vreg.gather [hbm4b:s2+s3], $0x80, v3, vm0, $0xb8;
	[tilespmem:$0x10400] =	vst v63  }
0x85: {  	_ = 	snop  }
0x86: {  	[tilespmem:s26], [sflag:$0x1] =	stream.indirect_vreg.gather [hbm4b:s4+s3], $0x80, v3, vm0, $0xb8;
	[tilespmem:$0x10400] =	vst v63  }
0x87: {  	_ = 	snop  }
0x88: {  	[tilespmem:s28], [sflag:$0x1] =	stream.indirect_vreg.gather [hbm4b:s5+s3], $0x80, v3, vm0, $0xb8;
	[tilespmem:$0x10400] =	vst v63  }
0x89: {  	_ = 	snop  }
0x8a: {  	[tilespmem:s29], [sflag:$0x1] =	stream.indirect_vreg.gather [hbm4b:s6+s3], $0x80, v3, vm0, $0xb8;
	[tilespmem:$0x10400] =	vst v63  }
0x8b: {  	v3 =	vld [tilespmem:$0x110];
	_ =	sdelay $0x4  }
0x8c: {  	v53 =	vshll.u32 v3, $0x3  }
0x8d: {  	v3 =	vand.u32 $0x7, v3;
	v4 =	vand.u32 $0xFFFFFFC0, v53  }
0x8e: {  	v3 =	vor.u32 v3, v4  }
0x8f: {  	v4 =	vperm.xlane v3, v0;
	_ =	sdelay $0x1  }
0x90: {  	v4 =	vadd.s32 v1, v4;
	_ =	sdelay $0x4  }
0x91: {  	[tilespmem:s30], [sflag:$0x1] =	stream.indirect_vreg.gather [hbm4b:s2+s3], $0x80, v4, vm0, $0xb8;
	[tilespmem:$0x10400] =	vst v63  }
0x92: {  	v3 =	vperm.xlane v3, v2  }
0x93: {  	[tilespmem:s31], [sflag:$0x1] =	stream.indirect_vreg.gather [hbm4b:s4+s3], $0x80, v4, vm0, $0xb8;
	[tilespmem:$0x10400] =	vst v63  }
0x94: {  	v3 =	vadd.s32 v1, v3  }
0x95: {  	[tilespmem:s16], [sflag:$0x1] =	stream.indirect_vreg.gather [hbm4b:s5+s3], $0x80, v4, vm0, $0xb8;
	[tilespmem:$0x10400] =	vst v63  }
0x96: {  	_ = 	snop  }
0x97: {  	[tilespmem:s15], [sflag:$0x1] =	stream.indirect_vreg.gather [hbm4b:s6+s3], $0x80, v4, vm0, $0xb8;
	[tilespmem:$0x10400] =	vst v63  }
0x98: {  	_ = 	snop  }
0x99: {  	[tilespmem:s10], [sflag:$0x1] =	stream.indirect_vreg.gather [hbm4b:s2+s3], $0x80, v3, vm0, $0xb8;
	[tilespmem:$0x10400] =	vst v63  }
0x9a: {  	_ = 	snop  }
0x9b: {  	[tilespmem:s11], [sflag:$0x1] =	stream.indirect_vreg.gather [hbm4b:s4+s3], $0x80, v3, vm0, $0xb8;
	[tilespmem:$0x10400] =	vst v63  }
0x9c: {  	_ = 	snop  }
0x9d: {  	[tilespmem:s12], [sflag:$0x1] =	stream.indirect_vreg.gather [hbm4b:s5+s3], $0x80, v3, vm0, $0xb8;
	[tilespmem:$0x10400] =	vst v63  }
0x9e: {  	_ = 	snop  }
0x9f: {  	[tilespmem:s13], [sflag:$0x1] =	stream.indirect_vreg.gather [hbm4b:s6+s3], $0x80, v3, vm0, $0xb8;
	[tilespmem:$0x10400] =	vst v63  }
0xa0: {  	_ =	swait.ge [sflag:s19], $0x8000  }
0xa1: {  	[sflag:s19] =	ssyncset.done $0x0  }
0xa2: {  	s1 =	rddreg [dreg:$0x5];
	[sflag:s19] =	ssyncadd.s32 $0xFFFF8000  }
0xa3: {  	[hbm4b:s1+s3] =	stream.linear.scatter [tilespmem:s25], [sflag:$0x3], $0x8000, $0x38;
	[tilespmem:$0x10400] =	vst v63  }
0xa4: {  	_ =	swait.ge [sflag:s8], $0x8000  }
0xa5: {  	[sflag:s8] =	ssyncset.done $0x0  }
0xa6: {  	[sflag:s8] =	ssyncadd.s32 $0xFFFF8000  }
0xa7: {  	v3 =	vld [tilespmem:$0x180];
	_ =	sdelay $0x4  }
0xa8: {  	v54 =	vshll.u32 v3, $0x3  }
0xa9: {  	v3 =	vand.u32 $0x7, v3;
	v4 =	vand.u32 $0xFFFFFFC0, v54  }
0xaa: {  	v3 =	vor.u32 v3, v4  }
0xab: {  	v4 =	vperm.xlane v3, v0;
	_ =	sdelay $0x1  }
0xac: {  	v4 =	vadd.s32 v1, v4;
	_ =	sdelay $0x4  }
0xad: {  	[tilespmem:s25], [sflag:$0x2] =	stream.indirect_vreg.gather [hbm4b:s2+s3], $0x80, v4, vm0, $0xb8;
	[tilespmem:$0x10400] =	vst v63  }
0xae: {  	s0 =	simm.s32 $0x8C00;
	v3 =	vperm.xlane v3, v2  }
0xaf: {  	[tilespmem:s0], [sflag:$0x2] =	stream.indirect_vreg.gather [hbm4b:s4+s3], $0x80, v4, vm0, $0xb8;
	[tilespmem:$0x10400] =	vst v63  }
0xb0: {  	v3 =	vadd.s32 v1, v3;
	s0 =	simm.s32 $0x9400  }
0xb1: {  	[tilespmem:s0], [sflag:$0x2] =	stream.indirect_vreg.gather [hbm4b:s5+s3], $0x80, v4, vm0, $0xb8;
	[tilespmem:$0x10400] =	vst v63  }
0xb2: {  	s1 =	simm.s32 $0x9C00  }
0xb3: {  	[tilespmem:s1], [sflag:$0x2] =	stream.indirect_vreg.gather [hbm4b:s6+s3], $0x80, v4, vm0, $0xb8;
	[tilespmem:$0x10400] =	vst v63  }
0xb4: {  	s20 =	simm.s32 $0xA400  }
0xb5: {  	[tilespmem:s20], [sflag:$0x2] =	stream.indirect_vreg.gather [hbm4b:s2+s3], $0x80, v3, vm0, $0xb8;
	[tilespmem:$0x10400] =	vst v63  }
0xb6: {  	s20 =	simm.s32 $0xAC00  }
0xb7: {  	[tilespmem:s20], [sflag:$0x2] =	stream.indirect_vreg.gather [hbm4b:s4+s3], $0x80, v3, vm0, $0xb8;
	[tilespmem:$0x10400] =	vst v63  }
0xb8: {  	s20 =	simm.s32 $0xB400  }
0xb9: {  	[tilespmem:s20], [sflag:$0x2] =	stream.indirect_vreg.gather [hbm4b:s5+s3], $0x80, v3, vm0, $0xb8;
	[tilespmem:$0x10400] =	vst v63  }
0xba: {  	s14 =	simm.s32 $0xBC00  }
0xbb: {  	[tilespmem:s14], [sflag:$0x2] =	stream.indirect_vreg.gather [hbm4b:s6+s3], $0x80, v3, vm0, $0xb8;
	[tilespmem:$0x10400] =	vst v63  }
0xbc: {  	v3 =	vld [tilespmem:$0x190];
	_ =	sdelay $0x4  }
0xbd: {  	v55 =	vshll.u32 v3, $0x3  }
0xbe: {  	v3 =	vand.u32 $0x7, v3;
	v4 =	vand.u32 $0xFFFFFFC0, v55  }
0xbf: {  	v3 =	vor.u32 v3, v4  }
0xc0: {  	v4 =	vperm.xlane v3, v0;
	_ =	sdelay $0x1  }
0xc1: {  	v4 =	vadd.s32 v1, v4;
	_ =	sdelay $0x3  }
0xc2: {  	s17 =	simm.s32 $0xC400  }
0xc3: {  	[tilespmem:s17], [sflag:$0x2] =	stream.indirect_vreg.gather [hbm4b:s2+s3], $0x80, v4, vm0, $0xb8;
	[tilespmem:$0x10400] =	vst v63  }
0xc4: {  	s20 =	simm.s32 $0xCC00;
	v3 =	vperm.xlane v3, v2  }
0xc5: {  	[tilespmem:s20], [sflag:$0x2] =	stream.indirect_vreg.gather [hbm4b:s4+s3], $0x80, v4, vm0, $0xb8;
	[tilespmem:$0x10400] =	vst v63  }
0xc6: {  	v3 =	vadd.s32 v1, v3;
	s17 =	simm.s32 $0xD400  }
0xc7: {  	[tilespmem:s17], [sflag:$0x2] =	stream.indirect_vreg.gather [hbm4b:s5+s3], $0x80, v4, vm0, $0xb8;
	[tilespmem:$0x10400] =	vst v63  }
0xc8: {  	s20 =	simm.s32 $0xDC00  }
0xc9: {  	[tilespmem:s20], [sflag:$0x2] =	stream.indirect_vreg.gather [hbm4b:s6+s3], $0x80, v4, vm0, $0xb8;
	[tilespmem:$0x10400] =	vst v63  }
0xca: {  	s17 =	simm.s32 $0xE400  }
0xcb: {  	[tilespmem:s17], [sflag:$0x2] =	stream.indirect_vreg.gather [hbm4b:s2+s3], $0x80, v3, vm0, $0xb8;
	[tilespmem:$0x10400] =	vst v63  }
0xcc: {  	s20 =	simm.s32 $0xEC00  }
0xcd: {  	[tilespmem:s20], [sflag:$0x2] =	stream.indirect_vreg.gather [hbm4b:s4+s3], $0x80, v3, vm0, $0xb8;
	[tilespmem:$0x10400] =	vst v63  }
0xce: {  	s17 =	simm.s32 $0xF400  }
0xcf: {  	[tilespmem:s17], [sflag:$0x2] =	stream.indirect_vreg.gather [hbm4b:s5+s3], $0x80, v3, vm0, $0xb8;
	[tilespmem:$0x10400] =	vst v63  }
0xd0: {  	s20 =	simm.s32 $0xFC00  }
0xd1: {  	[tilespmem:s20], [sflag:$0x2] =	stream.indirect_vreg.gather [hbm4b:s6+s3], $0x80, v3, vm0, $0xb8;
	[tilespmem:$0x10400] =	vst v63  }
0xd2: {  	_ =	swait.ge [sflag:s18], $0x8000  }
0xd3: {  	[sflag:s18] =	ssyncset.done $0x0  }
0xd4: {  	s17 =	rddreg [dreg:$0x6];
	[sflag:s18] =	ssyncadd.s32 $0xFFFF8000  }
0xd5: {  	[hbm4b:s17+s3] =	stream.linear.scatter [tilespmem:s9], [sflag:$0x3], $0x8000, $0x38;
	[tilespmem:$0x10400] =	vst v63  }
0xd6: {  	_ =	swait.ge [sflag:s8], $0x8000  }
0xd7: {  	[sflag:s8] =	ssyncset.done $0x0  }
0xd8: {  	[sflag:s8] =	ssyncadd.s32 $0xFFFF8000  }
0xd9: {  	v3 =	vld [tilespmem:$0x200];
	_ =	sdelay $0x4  }
0xda: {  	v56 =	vshll.u32 v3, $0x3  }
0xdb: {  	v3 =	vand.u32 $0x7, v3;
	v4 =	vand.u32 $0xFFFFFFC0, v56  }
0xdc: {  	v3 =	vor.u32 v3, v4  }
0xdd: {  	v4 =	vperm.xlane v3, v0;
	_ =	sdelay $0x1  }
0xde: {  	v4 =	vadd.s32 v1, v4;
	_ =	sdelay $0x4  }
0xdf: {  	[tilespmem:s9], [sflag:$0x1] =	stream.indirect_vreg.gather [hbm4b:s2+s3], $0x80, v4, vm0, $0xb8;
	[tilespmem:$0x10400] =	vst v63  }
0xe0: {  	v3 =	vperm.xlane v3, v2  }
0xe1: {  	[tilespmem:s21], [sflag:$0x1] =	stream.indirect_vreg.gather [hbm4b:s4+s3], $0x80, v4, vm0, $0xb8;
	[tilespmem:$0x10400] =	vst v63  }
0xe2: {  	v3 =	vadd.s32 v1, v3  }
0xe3: {  	[tilespmem:s22], [sflag:$0x1] =	stream.indirect_vreg.gather [hbm4b:s5+s3], $0x80, v4, vm0, $0xb8;
	[tilespmem:$0x10400] =	vst v63  }
0xe4: {  	_ = 	snop  }
0xe5: {  	[tilespmem:s23], [sflag:$0x1] =	stream.indirect_vreg.gather [hbm4b:s6+s3], $0x80, v4, vm0, $0xb8;
	[tilespmem:$0x10400] =	vst v63  }
0xe6: {  	_ = 	snop  }
0xe7: {  	[tilespmem:s24], [sflag:$0x1] =	stream.indirect_vreg.gather [hbm4b:s2+s3], $0x80, v3, vm0, $0xb8;
	[tilespmem:$0x10400] =	vst v63  }
0xe8: {  	_ = 	snop  }
0xe9: {  	[tilespmem:s26], [sflag:$0x1] =	stream.indirect_vreg.gather [hbm4b:s4+s3], $0x80, v3, vm0, $0xb8;
	[tilespmem:$0x10400] =	vst v63  }
0xea: {  	_ = 	snop  }
0xeb: {  	[tilespmem:s28], [sflag:$0x1] =	stream.indirect_vreg.gather [hbm4b:s5+s3], $0x80, v3, vm0, $0xb8;
	[tilespmem:$0x10400] =	vst v63  }
0xec: {  	_ = 	snop  }
0xed: {  	[tilespmem:s29], [sflag:$0x1] =	stream.indirect_vreg.gather [hbm4b:s6+s3], $0x80, v3, vm0, $0xb8;
	[tilespmem:$0x10400] =	vst v63  }
0xee: {  	v3 =	vld [tilespmem:$0x210];
	_ =	sdelay $0x4  }
0xef: {  	v57 =	vshll.u32 v3, $0x3  }
0xf0: {  	v3 =	vand.u32 $0x7, v3;
	v4 =	vand.u32 $0xFFFFFFC0, v57  }
0xf1: {  	v3 =	vor.u32 v3, v4  }
0xf2: {  	v4 =	vperm.xlane v3, v0;
	_ =	sdelay $0x1  }
0xf3: {  	v4 =	vadd.s32 v1, v4;
	_ =	sdelay $0x4  }
0xf4: {  	[tilespmem:s30], [sflag:$0x1] =	stream.indirect_vreg.gather [hbm4b:s2+s3], $0x80, v4, vm0, $0xb8;
	[tilespmem:$0x10400] =	vst v63  }
0xf5: {  	v3 =	vperm.xlane v3, v2  }
0xf6: {  	[tilespmem:s31], [sflag:$0x1] =	stream.indirect_vreg.gather [hbm4b:s4+s3], $0x80, v4, vm0, $0xb8;
	[tilespmem:$0x10400] =	vst v63  }
0xf7: {  	v3 =	vadd.s32 v1, v3  }
0xf8: {  	[tilespmem:s16], [sflag:$0x1] =	stream.indirect_vreg.gather [hbm4b:s5+s3], $0x80, v4, vm0, $0xb8;
	[tilespmem:$0x10400] =	vst v63  }
0xf9: {  	_ = 	snop  }
0xfa: {  	[tilespmem:s15], [sflag:$0x1] =	stream.indirect_vreg.gather [hbm4b:s6+s3], $0x80, v4, vm0, $0xb8;
	[tilespmem:$0x10400] =	vst v63  }
0xfb: {  	_ = 	snop  }
0xfc: {  	[tilespmem:s10], [sflag:$0x1] =	stream.indirect_vreg.gather [hbm4b:s2+s3], $0x80, v3, vm0, $0xb8;
	[tilespmem:$0x10400] =	vst v63  }
0xfd: {  	_ = 	snop  }
0xfe: {  	[tilespmem:s11], [sflag:$0x1] =	stream.indirect_vreg.gather [hbm4b:s4+s3], $0x80, v3, vm0, $0xb8;
	[tilespmem:$0x10400] =	vst v63  }
0xff: {  	_ = 	snop  }
0x100: {  	[tilespmem:s12], [sflag:$0x1] =	stream.indirect_vreg.gather [hbm4b:s5+s3], $0x80, v3, vm0, $0xb8;
	[tilespmem:$0x10400] =	vst v63  }
0x101: {  	_ = 	snop  }
0x102: {  	[tilespmem:s13], [sflag:$0x1] =	stream.indirect_vreg.gather [hbm4b:s6+s3], $0x80, v3, vm0, $0xb8;
	[tilespmem:$0x10400] =	vst v63  }
0x103: {  	_ =	swait.ge [sflag:s19], $0x8000  }
0x104: {  	[sflag:s19] =	ssyncset.done $0x0  }
0x105: {  	s14 =	rddreg [dreg:$0x7];
	[sflag:s19] =	ssyncadd.s32 $0xFFFF8000  }
0x106: {  	[hbm4b:s14+s3] =	stream.linear.scatter [tilespmem:s25], [sflag:$0x3], $0x8000, $0x38;
	[tilespmem:$0x10400] =	vst v63  }
0x107: {  	_ =	swait.ge [sflag:s8], $0x8000  }
0x108: {  	[sflag:s8] =	ssyncset.done $0x0  }
0x109: {  	[sflag:s8] =	ssyncadd.s32 $0xFFFF8000  }
0x10a: {  	v3 =	vld [tilespmem:$0x280];
	_ =	sdelay $0x4  }
0x10b: {  	v58 =	vshll.u32 v3, $0x3  }
0x10c: {  	v3 =	vand.u32 $0x7, v3;
	v4 =	vand.u32 $0xFFFFFFC0, v58  }
0x10d: {  	v3 =	vor.u32 v3, v4  }
0x10e: {  	v4 =	vperm.xlane v3, v0;
	_ =	sdelay $0x1  }
0x10f: {  	v4 =	vadd.s32 v1, v4;
	_ =	sdelay $0x4  }
0x110: {  	[tilespmem:s25], [sflag:$0x2] =	stream.indirect_vreg.gather [hbm4b:s2+s3], $0x80, v4, vm0, $0xb8;
	[tilespmem:$0x10400] =	vst v63  }
0x111: {  	s17 =	simm.s32 $0x8C00;
	v3 =	vperm.xlane v3, v2  }
0x112: {  	[tilespmem:s17], [sflag:$0x2] =	stream.indirect_vreg.gather [hbm4b:s4+s3], $0x80, v4, vm0, $0xb8;
	[tilespmem:$0x10400] =	vst v63  }
0x113: {  	v3 =	vadd.s32 v1, v3  }
0x114: {  	[tilespmem:s0], [sflag:$0x2] =	stream.indirect_vreg.gather [hbm4b:s5+s3], $0x80, v4, vm0, $0xb8;
	[tilespmem:$0x10400] =	vst v63  }
0x115: {  	_ = 	snop  }
0x116: {  	[tilespmem:s1], [sflag:$0x2] =	stream.indirect_vreg.gather [hbm4b:s6+s3], $0x80, v4, vm0, $0xb8;
	[tilespmem:$0x10400] =	vst v63  }
0x117: {  	s20 =	simm.s32 $0xA400  }
0x118: {  	[tilespmem:s20], [sflag:$0x2] =	stream.indirect_vreg.gather [hbm4b:s2+s3], $0x80, v3, vm0, $0xb8;
	[tilespmem:$0x10400] =	vst v63  }
0x119: {  	s17 =	simm.s32 $0xAC00  }
0x11a: {  	[tilespmem:s17], [sflag:$0x2] =	stream.indirect_vreg.gather [hbm4b:s4+s3], $0x80, v3, vm0, $0xb8;
	[tilespmem:$0x10400] =	vst v63  }
0x11b: {  	s20 =	simm.s32 $0xB400  }
0x11c: {  	[tilespmem:s20], [sflag:$0x2] =	stream.indirect_vreg.gather [hbm4b:s5+s3], $0x80, v3, vm0, $0xb8;
	[tilespmem:$0x10400] =	vst v63  }
0x11d: {  	s20 =	simm.s32 $0xBC00  }
0x11e: {  	[tilespmem:s20], [sflag:$0x2] =	stream.indirect_vreg.gather [hbm4b:s6+s3], $0x80, v3, vm0, $0xb8;
	[tilespmem:$0x10400] =	vst v63  }
0x11f: {  	v3 =	vld [tilespmem:$0x290];
	_ =	sdelay $0x4  }
0x120: {  	v59 =	vshll.u32 v3, $0x3  }
0x121: {  	v3 =	vand.u32 $0x7, v3;
	v4 =	vand.u32 $0xFFFFFFC0, v59  }
0x122: {  	v3 =	vor.u32 v3, v4  }
0x123: {  	v4 =	vperm.xlane v3, v0;
	_ =	sdelay $0x1  }
0x124: {  	v4 =	vadd.s32 v1, v4;
	_ =	sdelay $0x3  }
0x125: {  	s20 =	simm.s32 $0xC400  }
0x126: {  	[tilespmem:s20], [sflag:$0x2] =	stream.indirect_vreg.gather [hbm4b:s2+s3], $0x80, v4, vm0, $0xb8;
	[tilespmem:$0x10400] =	vst v63  }
0x127: {  	v3 =	vperm.xlane v3, v2;
	s20 =	simm.s32 $0xCC00  }
0x128: {  	[tilespmem:s20], [sflag:$0x2] =	stream.indirect_vreg.gather [hbm4b:s4+s3], $0x80, v4, vm0, $0xb8;
	[tilespmem:$0x10400] =	vst v63  }
0x129: {  	v3 =	vadd.s32 v1, v3;
	s20 =	simm.s32 $0xD400  }
0x12a: {  	[tilespmem:s20], [sflag:$0x2] =	stream.indirect_vreg.gather [hbm4b:s5+s3], $0x80, v4, vm0, $0xb8;
	[tilespmem:$0x10400] =	vst v63  }
0x12b: {  	s20 =	simm.s32 $0xDC00  }
0x12c: {  	[tilespmem:s20], [sflag:$0x2] =	stream.indirect_vreg.gather [hbm4b:s6+s3], $0x80, v4, vm0, $0xb8;
	[tilespmem:$0x10400] =	vst v63  }
0x12d: {  	s20 =	simm.s32 $0xE400  }
0x12e: {  	[tilespmem:s20], [sflag:$0x2] =	stream.indirect_vreg.gather [hbm4b:s2+s3], $0x80, v3, vm0, $0xb8;
	[tilespmem:$0x10400] =	vst v63  }
0x12f: {  	s20 =	simm.s32 $0xEC00  }
0x130: {  	[tilespmem:s20], [sflag:$0x2] =	stream.indirect_vreg.gather [hbm4b:s4+s3], $0x80, v3, vm0, $0xb8;
	[tilespmem:$0x10400] =	vst v63  }
0x131: {  	s20 =	simm.s32 $0xF400  }
0x132: {  	[tilespmem:s20], [sflag:$0x2] =	stream.indirect_vreg.gather [hbm4b:s5+s3], $0x80, v3, vm0, $0xb8;
	[tilespmem:$0x10400] =	vst v63  }
0x133: {  	s20 =	simm.s32 $0xFC00  }
0x134: {  	[tilespmem:s20], [sflag:$0x2] =	stream.indirect_vreg.gather [hbm4b:s6+s3], $0x80, v3, vm0, $0xb8;
	[tilespmem:$0x10400] =	vst v63  }
0x135: {  	_ =	swait.ge [sflag:s18], $0x8000  }
0x136: {  	[sflag:s18] =	ssyncset.done $0x0  }
0x137: {  	s20 =	rddreg [dreg:$0x8];
	[sflag:s18] =	ssyncadd.s32 $0xFFFF8000  }
0x138: {  	[hbm4b:s20+s3] =	stream.linear.scatter [tilespmem:s9], [sflag:$0x3], $0x8000, $0x38;
	[tilespmem:$0x10400] =	vst v63  }
0x139: {  	_ =	swait.ge [sflag:s8], $0x8000  }
0x13a: {  	[sflag:s8] =	ssyncset.done $0x0  }
0x13b: {  	[sflag:s8] =	ssyncadd.s32 $0xFFFF8000  }
0x13c: {  	v3 =	vld [tilespmem:$0x300];
	_ =	sdelay $0x4  }
0x13d: {  	v60 =	vshll.u32 v3, $0x3  }
0x13e: {  	v3 =	vand.u32 $0x7, v3;
	v4 =	vand.u32 $0xFFFFFFC0, v60  }
0x13f: {  	v3 =	vor.u32 v3, v4  }
0x140: {  	v4 =	vperm.xlane v3, v0;
	_ =	sdelay $0x1  }
0x141: {  	v4 =	vadd.s32 v1, v4;
	_ =	sdelay $0x4  }
0x142: {  	[tilespmem:s9], [sflag:$0x1] =	stream.indirect_vreg.gather [hbm4b:s2+s3], $0x80, v4, vm0, $0xb8;
	[tilespmem:$0x10400] =	vst v63  }
0x143: {  	v3 =	vperm.xlane v3, v2  }
0x144: {  	[tilespmem:s21], [sflag:$0x1] =	stream.indirect_vreg.gather [hbm4b:s4+s3], $0x80, v4, vm0, $0xb8;
	[tilespmem:$0x10400] =	vst v63  }
0x145: {  	v3 =	vadd.s32 v1, v3  }
0x146: {  	[tilespmem:s22], [sflag:$0x1] =	stream.indirect_vreg.gather [hbm4b:s5+s3], $0x80, v4, vm0, $0xb8;
	[tilespmem:$0x10400] =	vst v63  }
0x147: {  	_ = 	snop  }
0x148: {  	[tilespmem:s23], [sflag:$0x1] =	stream.indirect_vreg.gather [hbm4b:s6+s3], $0x80, v4, vm0, $0xb8;
	[tilespmem:$0x10400] =	vst v63  }
0x149: {  	_ = 	snop  }
0x14a: {  	[tilespmem:s24], [sflag:$0x1] =	stream.indirect_vreg.gather [hbm4b:s2+s3], $0x80, v3, vm0, $0xb8;
	[tilespmem:$0x10400] =	vst v63  }
0x14b: {  	_ = 	snop  }
0x14c: {  	[tilespmem:s26], [sflag:$0x1] =	stream.indirect_vreg.gather [hbm4b:s4+s3], $0x80, v3, vm0, $0xb8;
	[tilespmem:$0x10400] =	vst v63  }
0x14d: {  	_ = 	snop  }
0x14e: {  	[tilespmem:s28], [sflag:$0x1] =	stream.indirect_vreg.gather [hbm4b:s5+s3], $0x80, v3, vm0, $0xb8;
	[tilespmem:$0x10400] =	vst v63  }
0x14f: {  	_ = 	snop  }
0x150: {  	[tilespmem:s29], [sflag:$0x1] =	stream.indirect_vreg.gather [hbm4b:s6+s3], $0x80, v3, vm0, $0xb8;
	[tilespmem:$0x10400] =	vst v63  }
0x151: {  	v3 =	vld [tilespmem:$0x310];
	_ =	sdelay $0x4  }
0x152: {  	v61 =	vshll.u32 v3, $0x3  }
0x153: {  	v3 =	vand.u32 $0x7, v3;
	v4 =	vand.u32 $0xFFFFFFC0, v61  }
0x154: {  	v3 =	vor.u32 v3, v4  }
0x155: {  	v4 =	vperm.xlane v3, v0;
	_ =	sdelay $0x1  }
0x156: {  	v4 =	vadd.s32 v1, v4;
	_ =	sdelay $0x4  }
0x157: {  	[tilespmem:s30], [sflag:$0x1] =	stream.indirect_vreg.gather [hbm4b:s2+s3], $0x80, v4, vm0, $0xb8;
	[tilespmem:$0x10400] =	vst v63  }
0x158: {  	v3 =	vperm.xlane v3, v2  }
0x159: {  	[tilespmem:s31], [sflag:$0x1] =	stream.indirect_vreg.gather [hbm4b:s4+s3], $0x80, v4, vm0, $0xb8;
	[tilespmem:$0x10400] =	vst v63  }
0x15a: {  	v3 =	vadd.s32 v1, v3  }
0x15b: {  	[tilespmem:s16], [sflag:$0x1] =	stream.indirect_vreg.gather [hbm4b:s5+s3], $0x80, v4, vm0, $0xb8;
	[tilespmem:$0x10400] =	vst v63  }
0x15c: {  	_ = 	snop  }
0x15d: {  	[tilespmem:s15], [sflag:$0x1] =	stream.indirect_vreg.gather [hbm4b:s6+s3], $0x80, v4, vm0, $0xb8;
	[tilespmem:$0x10400] =	vst v63  }
0x15e: {  	_ = 	snop  }
0x15f: {  	[tilespmem:s10], [sflag:$0x1] =	stream.indirect_vreg.gather [hbm4b:s2+s3], $0x80, v3, vm0, $0xb8;
	[tilespmem:$0x10400] =	vst v63  }
0x160: {  	_ = 	snop  }
0x161: {  	[tilespmem:s11], [sflag:$0x1] =	stream.indirect_vreg.gather [hbm4b:s4+s3], $0x80, v3, vm0, $0xb8;
	[tilespmem:$0x10400] =	vst v63  }
0x162: {  	_ = 	snop  }
0x163: {  	[tilespmem:s12], [sflag:$0x1] =	stream.indirect_vreg.gather [hbm4b:s5+s3], $0x80, v3, vm0, $0xb8;
	[tilespmem:$0x10400] =	vst v63  }
0x164: {  	_ = 	snop  }
0x165: {  	[tilespmem:s13], [sflag:$0x1] =	stream.indirect_vreg.gather [hbm4b:s6+s3], $0x80, v3, vm0, $0xb8;
	[tilespmem:$0x10400] =	vst v63  }
0x166: {  	_ =	swait.ge [sflag:s19], $0x8000  }
0x167: {  	[sflag:s19] =	ssyncset.done $0x0  }
0x168: {  	s10 =	rddreg [dreg:$0x9];
	[sflag:s19] =	ssyncadd.s32 $0xFFFF8000  }
0x169: {  	[hbm4b:s10+s3] =	stream.linear.scatter [tilespmem:s25], [sflag:$0x3], $0x8000, $0x38;
	[tilespmem:$0x10400] =	vst v63  }
0x16a: {  	_ =	swait.ge [sflag:s8], $0x8000  }
0x16b: {  	[sflag:s8] =	ssyncset.done $0x0  }
0x16c: {  	[sflag:s8] =	ssyncadd.s32 $0xFFFF8000  }
0x16d: {  	v3 =	vld [tilespmem:$0x380];
	_ =	sdelay $0x4  }
0x16e: {  	v62 =	vshll.u32 v3, $0x3  }
0x16f: {  	v3 =	vand.u32 $0x7, v3;
	v4 =	vand.u32 $0xFFFFFFC0, v62  }
0x170: {  	v3 =	vor.u32 v3, v4  }
0x171: {  	v4 =	vperm.xlane v3, v0;
	_ =	sdelay $0x1  }
0x172: {  	v4 =	vadd.s32 v1, v4;
	_ =	sdelay $0x4  }
0x173: {  	[tilespmem:s25], [sflag:$0x2] =	stream.indirect_vreg.gather [hbm4b:s2+s3], $0x80, v4, vm0, $0xb8;
	[tilespmem:$0x10400] =	vst v63  }
0x174: {  	s20 =	simm.s32 $0x8C00;
	v3 =	vperm.xlane v3, v2  }
0x175: {  	[tilespmem:s20], [sflag:$0x2] =	stream.indirect_vreg.gather [hbm4b:s4+s3], $0x80, v4, vm0, $0xb8;
	[tilespmem:$0x10400] =	vst v63  }
0x176: {  	s0 =	simm.s32 $0x9400;
	v3 =	vadd.s32 v1, v3  }
0x177: {  	[tilespmem:s0], [sflag:$0x2] =	stream.indirect_vreg.gather [hbm4b:s5+s3], $0x80, v4, vm0, $0xb8;
	[tilespmem:$0x10400] =	vst v63  }
0x178: {  	s1 =	simm.s32 $0x9C00  }
0x179: {  	[tilespmem:s1], [sflag:$0x2] =	stream.indirect_vreg.gather [hbm4b:s6+s3], $0x80, v4, vm0, $0xb8;
	[tilespmem:$0x10400] =	vst v63  }
0x17a: {  	s10 =	simm.s32 $0xA400  }
0x17b: {  	[tilespmem:s10], [sflag:$0x2] =	stream.indirect_vreg.gather [hbm4b:s2+s3], $0x80, v3, vm0, $0xb8;
	[tilespmem:$0x10400] =	vst v63  }
0x17c: {  	s14 =	simm.s32 $0xAC00  }
0x17d: {  	[tilespmem:s14], [sflag:$0x2] =	stream.indirect_vreg.gather [hbm4b:s4+s3], $0x80, v3, vm0, $0xb8;
	[tilespmem:$0x10400] =	vst v63  }
0x17e: {  	s17 =	simm.s32 $0xB400  }
0x17f: {  	[tilespmem:s17], [sflag:$0x2] =	stream.indirect_vreg.gather [hbm4b:s5+s3], $0x80, v3, vm0, $0xb8;
	[tilespmem:$0x10400] =	vst v63  }
0x180: {  	s17 =	simm.s32 $0xBC00  }
0x181: {  	[tilespmem:s17], [sflag:$0x2] =	stream.indirect_vreg.gather [hbm4b:s6+s3], $0x80, v3, vm0, $0xb8;
	[tilespmem:$0x10400] =	vst v63  }
0x182: {  	v3 =	vld [tilespmem:$0x390];
	_ =	sdelay $0x4  }
0x183: {  	v63 =	vshll.u32 v3, $0x3  }
0x184: {  	v3 =	vand.u32 $0x7, v3;
	v4 =	vand.u32 $0xFFFFFFC0, v63  }
0x185: {  	v3 =	vor.u32 v3, v4  }
0x186: {  	v4 =	vperm.xlane v3, v0;
	_ =	sdelay $0x1  }
0x187: {  	v4 =	vadd.s32 v1, v4;
	_ =	sdelay $0x3  }
0x188: {  	s20 =	simm.s32 $0xC400  }
0x189: {  	[tilespmem:s20], [sflag:$0x2] =	stream.indirect_vreg.gather [hbm4b:s2+s3], $0x80, v4, vm0, $0xb8;
	[tilespmem:$0x10400] =	vst v63  }
0x18a: {  	s1 =	simm.s32 $0xCC00;
	v3 =	vperm.xlane v3, v2  }
0x18b: {  	[tilespmem:s1], [sflag:$0x2] =	stream.indirect_vreg.gather [hbm4b:s4+s3], $0x80, v4, vm0, $0xb8;
	[tilespmem:$0x10400] =	vst v63  }
0x18c: {  	s10 =	simm.s32 $0xD400;
	v3 =	vadd.s32 v1, v3  }
0x18d: {  	[tilespmem:s10], [sflag:$0x2] =	stream.indirect_vreg.gather [hbm4b:s5+s3], $0x80, v4, vm0, $0xb8;
	[tilespmem:$0x10400] =	vst v63  }
0x18e: {  	s14 =	simm.s32 $0xDC00  }
0x18f: {  	[tilespmem:s14], [sflag:$0x2] =	stream.indirect_vreg.gather [hbm4b:s6+s3], $0x80, v4, vm0, $0xb8;
	[tilespmem:$0x10400] =	vst v63  }
0x190: {  	s17 =	simm.s32 $0xE400  }
0x191: {  	[tilespmem:s17], [sflag:$0x2] =	stream.indirect_vreg.gather [hbm4b:s2+s3], $0x80, v3, vm0, $0xb8;
	[tilespmem:$0x10400] =	vst v63  }
0x192: {  	s20 =	simm.s32 $0xEC00  }
0x193: {  	[tilespmem:s20], [sflag:$0x2] =	stream.indirect_vreg.gather [hbm4b:s4+s3], $0x80, v3, vm0, $0xb8;
	[tilespmem:$0x10400] =	vst v63  }
0x194: {  	s1 =	simm.s32 $0xF400  }
0x195: {  	[tilespmem:s1], [sflag:$0x2] =	stream.indirect_vreg.gather [hbm4b:s5+s3], $0x80, v3, vm0, $0xb8;
	[tilespmem:$0x10400] =	vst v63  }
0x196: {  	s10 =	simm.s32 $0xFC00  }
0x197: {  	[tilespmem:s10], [sflag:$0x2] =	stream.indirect_vreg.gather [hbm4b:s6+s3], $0x80, v3, vm0, $0xb8;
	[tilespmem:$0x10400] =	vst v63  }
0x198: {  	_ =	swait.ge [sflag:s18], $0x8000  }
0x199: {  	[sflag:s18] =	ssyncset.done $0x0  }
0x19a: {  	s14 =	rddreg [dreg:$0xa];
	[sflag:s18] =	ssyncadd.s32 $0xFFFF8000  }
0x19b: {  	[hbm4b:s14+s3] =	stream.linear.scatter [tilespmem:s9], [sflag:$0x3], $0x8000, $0x38;
	[tilespmem:$0x10400] =	vst v63  }
0x19c: {  	_ =	swait.ge [sflag:s8], $0x8000  }
0x19d: {  	[sflag:s8] =	ssyncset.done $0x0  }
0x19e: {  	[sflag:s8] =	ssyncadd.s32 $0xFFFF8000  }
0x19f: {  	_ =	swait.ge [sflag:s19], $0x8000  }
0x1a0: {  	p0 =	sne.s32 s7, $0x1;
	[sflag:s19] =	ssyncset.done $0x0  }
.Ltmp0:
0x1a1: {  	s17 =	rddreg [dreg:$0xb];
	[sflag:s19] =	ssyncadd.s32 $0xFFFF8000;
	(pc) =	sbr.rel @p0 .LBB2_1-.Ltmp0, $4  }
0x1a2: {  	[hbm4b:s17+s3] =	stream.linear.scatter [tilespmem:s25], [sflag:$0x3], $0x8000, $0x38;
	[tilespmem:$0x10400] =	vst v63  }
0x1a3: {  	_ =	swait.ge [sflag:s8], $0x8000  }
0x1a4: {  	[sflag:s8] =	ssyncset.done $0x0  }
0x1a5: {  	s7 =	sadd.s32 $0xFFFFFFFF, s7;
	[sflag:s8] =	ssyncadd.s32 $0xFFFF8000  }
0x1a6: {  	_ =	sfence.sel $0x180000  }
0x1a7: {  	[bflag:$0x0] =	sbarrier.arrive $0xFFFF  }
0x1a8: {  	_ =	strace $0x90000047  }
0x1a9: {  	s0 =	stileid.u32;
	[bflag:$0x2] =	sbarrier.arrive $0xFFFF  }
0x1aa: {  	p0 =	sne.s32 s0, $0x0;
	s0 =	rddreg [dreg:$0x2]  }
0x1ab: {  	s0 =	sadd.s32 @!p0 $0x100000, s0  }
0x1ac: {  	[sflag:s0] =	ssyncadd.tile.s32 @!p0 $0x1;
	_ =	shalt  }
.Lfunc_end2:
_tile_overlayer_lowered:
.L_overlay_start_2:
0x1ad: {  	(tag) =	ssettag $0x2  }
0x1ae: {  	s0 =	rddreg [dreg:$0x0];
	s2 =	stileid.u32  }
0x1af: {  	s1 =	rddreg [dreg:$0x1];
	p0 =	sne.s32 s2, $0x0  }
0x1b0: {  	s3 =	rddreg [dreg:$0x2];
	[bflag:$0x3] =	sbarrier.arrive $0xFFFF;
	s2 =	simm.s32 @!p0 $0x1C03  }
0x1b1: {  	[timem:s3], [sflag:s2] =	dma.local @!p0 [hbm:s0], s1  }
0x1b2: {  	s0 =	simm.s32 @!p0 $0x3  }
0x1b3: {  	_ =	swait.ge @!p0 [sflag:s0], s1  }
0x1b4: {  	s1 =	ssub.s32 @!p0 $0x0, s1;
	[sflag:s0] =	ssyncset.done @!p0 $0x0  }
0x1b5: {  	[sflag:s0] =	ssyncadd.s32 @!p0 s1  }
0x1b6: {  	[bflag:$0x3] =	sbarrier.arrive $0xFFFF  }
0x1b7: {  	_ =	shalt  }

</sc_bundles>
